<compile_context>
chip_gen: v7x
topology: tpu7x:2x2x1
jax: 0.10.2.dev20260603
libtpu: 0.0.44.dev20260713+nightly
codegen_flags: <defaults>
</compile_context>

<pallas_src>
import functools

import jax
import jax.numpy as jnp
from jax import lax
from jax.experimental import pallas as pl
from jax.experimental.pallas import tpu as pltpu
from jax.experimental.pallas import tpu_sc as plsc

_N = 10000
_E = 320000
_D = 128
_NC = 2
_NS = 16
_CH = 64
_EPT = _E // (_NC * _NS)
_K = _EPT // _CH
_TCH = _EPT - _K * _CH
_ZR = 624

_BM = 2000


def _sc_segment_sum(hw, src, dst, zrows):
  mesh = plsc.VectorSubcoreMesh(core_axis_name="c", subcore_axis_name="s")
  nb = 6

  @functools.partial(
      pl.kernel,
      out_type=jax.ShapeDtypeStruct((_NC * _N, _D), jnp.float32),
      mesh=mesh,
      scratch_types=(
          [pltpu.VMEM((_CH,), jnp.int32)] * (2 * nb)
          + [pltpu.VMEM((_CH, _D), jnp.float32)] * nb
          + [pltpu.VMEM((_TCH,), jnp.int32)] * 2
          + [pltpu.VMEM_SHARED((_N, _D), jnp.float32)]
          + [pltpu.SemaphoreType.DMA] * (3 * nb)
      ),
  )
  def body(hw_hbm, src_hbm, dst_hbm, z_hbm, out_hbm, *scr):
    srcs = scr[0:nb]
    dsts = scr[nb:2 * nb]
    rows = scr[2 * nb:3 * nb]
    tsrc, tdst = scr[3 * nb:3 * nb + 2]
    agg_sh = scr[3 * nb + 2]
    sems = scr[3 * nb + 3:]
    isems = sems[0:nb]
    gsems = sems[nb:2 * nb]
    ssems = sems[2 * nb:3 * nb]
    cid = lax.axis_index("c")
    sid = lax.axis_index("s")

    pltpu.sync_copy(z_hbm, agg_sh.at[pl.ds(sid * _ZR, _ZR)])

    @pl.when(sid == 0)
    def _():
      pltpu.sync_copy(z_hbm.at[pl.ds(0, 16)], agg_sh.at[pl.ds(_NS * _ZR, 16)])

    plsc.subcore_barrier()

    t0 = (cid * _NS + sid) * _EPT

    def idx_start(c, b):
      base = t0 + c * _CH
      pltpu.async_copy(src_hbm.at[pl.ds(base, _CH)], srcs[b], isems[b])
      pltpu.async_copy(dst_hbm.at[pl.ds(base, _CH)], dsts[b], isems[b])

    def idx_wait(b):
      pltpu.make_async_copy(src_hbm.at[pl.ds(0, _CH)], srcs[b], isems[b]).wait()
      pltpu.make_async_copy(dst_hbm.at[pl.ds(0, _CH)], dsts[b], isems[b]).wait()

    def gather_start(b):
      pltpu.async_copy(hw_hbm.at[srcs[b]], rows[b], gsems[b])

    def gather_wait(b):
      pltpu.make_async_copy(hw_hbm.at[srcs[b]], rows[b], gsems[b]).wait()

    def scatter(b):
      pltpu.sync_copy(rows[b], agg_sh.at[dsts[b]], add=True)

    for j in range(4):
      pltpu.sync_copy(src_hbm.at[pl.ds(t0 + j * _CH, _CH)], srcs[j])
      pltpu.sync_copy(dst_hbm.at[pl.ds(t0 + j * _CH, _CH)], dsts[j])
    for j in range(4):
      gather_start(j)
    idx_start(4, 4)
    idx_start(5, 5)

    @pl.loop(0, _K, step=nb)
    def _(k):
      for i in range(nb):
        c = k + i
        b = i

        @pl.when(c + 4 < _K)
        def _():
          idx_wait((i + 4) % nb)
          gather_start((i + 4) % nb)

        gather_wait(b)
        scatter(b)

        @pl.when(c + 6 < _K)
        def _():
          idx_start(c + 6, i)

    tb = t0 + _K * _CH
    pltpu.sync_copy(src_hbm.at[pl.ds(tb, _TCH)], tsrc)
    pltpu.sync_copy(dst_hbm.at[pl.ds(tb, _TCH)], tdst)
    pltpu.async_copy(hw_hbm.at[tsrc], rows[0].at[pl.ds(0, _TCH)], gsems[0])
    pltpu.make_async_copy(
        hw_hbm.at[tsrc], rows[0].at[pl.ds(0, _TCH)], gsems[0]).wait()
    pltpu.sync_copy(rows[0].at[pl.ds(0, _TCH)], agg_sh.at[tdst], add=True)

    plsc.subcore_barrier()

    out_base = cid * _N
    pltpu.sync_copy(agg_sh.at[pl.ds(sid * _ZR, _ZR)],
                    out_hbm.at[pl.ds(out_base + sid * _ZR, _ZR)])

    @pl.when(sid == 0)
    def _():
      pltpu.sync_copy(agg_sh.at[pl.ds(_NS * _ZR, 16)],
                      out_hbm.at[pl.ds(out_base + _NS * _ZR, 16)])

  return body(hw, src, dst, zrows)


def _full(shape):
  return pl.BlockSpec(shape, lambda i: (0, 0))


def _rows(i_off=0):
  return pl.BlockSpec((_BM, _D), lambda i, o=i_off: (i + o, 0))


def _gru(a, h, wzr_ref, bzr_ref, whh_ref, bh_ref):
  ah = jnp.concatenate([a, h], axis=1)
  zr = jax.nn.sigmoid(
      jnp.dot(ah, wzr_ref[...], preferred_element_type=jnp.float32)
      + bzr_ref[...])
  z = zr[:, :_D]
  r = zr[:, _D:]
  arh = jnp.concatenate([a, r * h], axis=1)
  ht = jnp.tanh(
      jnp.dot(arh, whh_ref[...], preferred_element_type=jnp.float32)
      + bh_ref[...])
  return (1.0 - z) * h + z * ht


def _gru_step_body(a0_ref, a1_ref, h_ref, wmsg_ref, wzr_ref, bzr_ref,
                   whh_ref, bh_ref, hn_ref):
  a = jnp.dot(a0_ref[...] + a1_ref[...], wmsg_ref[...],
              preferred_element_type=jnp.float32)
  hn_ref[...] = _gru(a, h_ref[...], wzr_ref, bzr_ref, whh_ref, bh_ref)


def _gru_step(p, h, wmsg, wzr, bzr, whh, bh):
  return pl.pallas_call(
      _gru_step_body,
      grid=(_N // _BM,),
      in_specs=[
          _rows(), _rows(_N // _BM), _rows(), _full((_D, _D)),
          _full((2 * _D, 2 * _D)), _full((1, 2 * _D)),
          _full((2 * _D, _D)), _full((1, _D)),
      ],
      out_specs=_rows(),
      out_shape=jax.ShapeDtypeStruct((_N, _D), jnp.float32),
  )(p, p, h, wmsg, wzr, bzr, whh, bh)


def _gru_mlp_body(a0_ref, a1_ref, h_ref, x_ref, wmsg_ref, wzr_ref, bzr_ref,
                  whh_ref, bh_ref, w1_ref, b1_ref, w2_ref, b2_ref, o_ref):
  a = jnp.dot(a0_ref[...] + a1_ref[...], wmsg_ref[...],
              preferred_element_type=jnp.float32)
  hn = _gru(a, h_ref[...], wzr_ref, bzr_ref, whh_ref, bh_ref)
  hx = jnp.concatenate([hn, x_ref[...]], axis=1)
  hid = jnp.dot(hx, w1_ref[...], preferred_element_type=jnp.float32) + b1_ref[...]
  o_ref[...] = jax.nn.sigmoid(
      jnp.dot(hid, w2_ref[...], preferred_element_type=jnp.float32)
      + b2_ref[...])


def _gru_mlp(p, h, x, wmsg, wzr, bzr, whh, bh, w1, b1, w2, b2):
  return pl.pallas_call(
      _gru_mlp_body,
      grid=(_N // _BM,),
      in_specs=[
          _rows(), _rows(_N // _BM), _rows(), _rows(), _full((_D, _D)),
          _full((2 * _D, 2 * _D)), _full((1, 2 * _D)),
          _full((2 * _D, _D)), _full((1, _D)),
          _full((2 * _D, _D)), _full((1, _D)),
          _full((_D, _D)), _full((1, _D)),
      ],
      out_specs=_rows(),
      out_shape=jax.ShapeDtypeStruct((_N, _D), jnp.float32),
  )(p, p, h, x, wmsg, wzr, bzr, whh, bh, w1, b1, w2, b2)


def kernel(nodes_ft, adj_list, W_msg, Wz, Uz, bz, Wr, Ur, br, Wh, Uh, bh,
           W1, b1, W2, b2):
  src = adj_list[0]
  dst = adj_list[1]
  zrows = jnp.zeros((_ZR, _D), jnp.float32)
  wzr = jnp.concatenate(
      [jnp.concatenate([Wz, Wr], axis=1),
       jnp.concatenate([Uz, Ur], axis=1)], axis=0)
  bzr = jnp.concatenate([bz, br]).reshape(1, 2 * _D)
  whh = jnp.concatenate([Wh, Uh], axis=0)
  bh2 = bh.reshape(1, _D)

  p0 = _sc_segment_sum(nodes_ft, src, dst, zrows)
  h1 = _gru_step(p0, nodes_ft, W_msg, wzr, bzr, whh, bh2)
  p1 = _sc_segment_sum(h1, src, dst, zrows)
  return _gru_mlp(p1, h1, nodes_ft, W_msg, wzr, bzr, whh, bh2,
                  W1, b1.reshape(1, _D), W2, b2.reshape(1, _D))

# --- scband reference (transcript-rebuilt; emitter-appended) ---
"""Pipeline reference for scband-ggnn-48524540510795 (READ-ONLY COPY).

The authoritative reference and input builder live on the scoring server;
editing this copy changes nothing except your own understanding.
"""

import jax, jax.numpy as jnp
import numpy as np

N = 10000
E = 320000
D = 128
OUT = 128
STEPS = 2


def setup_inputs(seed: int = 0) -> dict:
    key = jax.random.key(seed)
    ks = jax.random.split(key, 16)
    s = 1.0 / np.sqrt(D)
    s2 = 1.0 / np.sqrt(2 * D)
    inp = {}
    inp["nodes_ft"] = jax.random.normal(ks[0], (N, D), dtype=jnp.float32)
    inp["adj_list"] = jax.random.randint(ks[1], (2, E), 0, N, dtype=jnp.int32)
    # GGNNConv params: message linear + GRU cell (eval mode, dropout inactive)
    inp["W_msg"] = (jax.random.normal(ks[2], (D, D), dtype=jnp.float32) * s)
    inp["Wz"] = (jax.random.normal(ks[3], (D, D), dtype=jnp.float32) * s)
    inp["Uz"] = (jax.random.normal(ks[4], (D, D), dtype=jnp.float32) * s)
    inp["bz"] = jnp.zeros((D,), dtype=jnp.float32)
    inp["Wr"] = (jax.random.normal(ks[5], (D, D), dtype=jnp.float32) * s)
    inp["Ur"] = (jax.random.normal(ks[6], (D, D), dtype=jnp.float32) * s)
    inp["br"] = jnp.zeros((D,), dtype=jnp.float32)
    inp["Wh"] = (jax.random.normal(ks[7], (D, D), dtype=jnp.float32) * s)
    inp["Uh"] = (jax.random.normal(ks[8], (D, D), dtype=jnp.float32) * s)
    inp["bh"] = jnp.zeros((D,), dtype=jnp.float32)
    # mlp_i: Linear(2D -> D), Linear(D -> OUT), Sigmoid
    inp["W1"] = (jax.random.normal(ks[9], (2 * D, D), dtype=jnp.float32) * s2)
    inp["b1"] = jnp.zeros((D,), dtype=jnp.float32)
    inp["W2"] = (jax.random.normal(ks[10], (D, OUT), dtype=jnp.float32) * s)
    inp["b2"] = jnp.zeros((OUT,), dtype=jnp.float32)
    return inp


def _ggnn_conv(h0, src, dst, W_msg, Wz, Uz, bz, Wr, Ur, br, Wh, Uh, bh):
    h = h0
    for _ in range(STEPS):
        # message: linear-transform source node states, gather along edges
        m = (h @ W_msg)[src]
        # aggregate: scatter-add messages to destination nodes
        agg = jnp.zeros_like(h).at[dst].add(m)
        # GRU update (gated graph network state update)
        z = jax.nn.sigmoid(agg @ Wz + h @ Uz + bz)
        r = jax.nn.sigmoid(agg @ Wr + h @ Ur + br)
        h_tilde = jnp.tanh(agg @ Wh + (r * h) @ Uh + bh)
        h = (1.0 - z) * h + z * h_tilde
    return h


def reference(nodes_ft, adj_list, W_msg, Wz, Uz, bz, Wr, Ur, br, Wh, Uh, bh, W1, b1, W2, b2):
    src = adj_list[0]
    dst = adj_list[1]
    adj_state = _ggnn_conv(nodes_ft, src, dst, W_msg, Wz, Uz, bz, Wr, Ur, br, Wh, Uh, bh)
    concat_state = jnp.concatenate((adj_state, nodes_ft), axis=-1)
    hid = concat_state @ W1 + b1
    out = jax.nn.sigmoid(hid @ W2 + b2)
    return out

if __name__ == "__main__":
    import jax
    _d = setup_inputs()
    print(jax.jit(kernel)(*tuple(_d.values())))

</pallas_src>

<mosaic_0001>
#map = affine_map<(d0, d1) -> (0, 0)>
#map1 = affine_map<(d0, d1) -> (0)>
module attributes {stable_mosaic.version = 14 : i64} {
  func.func @body(%arg0: i32, %arg1: i32, %arg2: memref<10000x128xf32, #tpu.memory_space<hbm>>, %arg3: memref<320000xi32, #tpu.memory_space<hbm>>, %arg4: memref<320000xi32, #tpu.memory_space<hbm>>, %arg5: memref<624x128xf32, #tpu.memory_space<hbm>>, %arg6: memref<20000x128xf32, #tpu.memory_space<hbm>>, %arg7: memref<64xi32, #tpu.memory_space<vmem>>, %arg8: memref<64xi32, #tpu.memory_space<vmem>>, %arg9: memref<64xi32, #tpu.memory_space<vmem>>, %arg10: memref<64xi32, #tpu.memory_space<vmem>>, %arg11: memref<64xi32, #tpu.memory_space<vmem>>, %arg12: memref<64xi32, #tpu.memory_space<vmem>>, %arg13: memref<64xi32, #tpu.memory_space<vmem>>, %arg14: memref<64xi32, #tpu.memory_space<vmem>>, %arg15: memref<64xi32, #tpu.memory_space<vmem>>, %arg16: memref<64xi32, #tpu.memory_space<vmem>>, %arg17: memref<64xi32, #tpu.memory_space<vmem>>, %arg18: memref<64xi32, #tpu.memory_space<vmem>>, %arg19: memref<64x128xf32, #tpu.memory_space<vmem>>, %arg20: memref<64x128xf32, #tpu.memory_space<vmem>>, %arg21: memref<64x128xf32, #tpu.memory_space<vmem>>, %arg22: memref<64x128xf32, #tpu.memory_space<vmem>>, %arg23: memref<64x128xf32, #tpu.memory_space<vmem>>, %arg24: memref<64x128xf32, #tpu.memory_space<vmem>>, %arg25: memref<16xi32, #tpu.memory_space<vmem>>, %arg26: memref<16xi32, #tpu.memory_space<vmem>>, %arg27: memref<10000x128xf32, #tpu.memory_space<vmem_shared>>, %arg28: memref<!tpu.dma_semaphore, #tpu.memory_space<semaphore_mem>>, %arg29: memref<!tpu.dma_semaphore, #tpu.memory_space<semaphore_mem>>, %arg30: memref<!tpu.dma_semaphore, #tpu.memory_space<semaphore_mem>>, %arg31: memref<!tpu.dma_semaphore, #tpu.memory_space<semaphore_mem>>, %arg32: memref<!tpu.dma_semaphore, #tpu.memory_space<semaphore_mem>>, %arg33: memref<!tpu.dma_semaphore, #tpu.memory_space<semaphore_mem>>, %arg34: memref<!tpu.dma_semaphore, #tpu.memory_space<semaphore_mem>>, %arg35: memref<!tpu.dma_semaphore, #tpu.memory_space<semaphore_mem>>, %arg36: memref<!tpu.dma_semaphore, #tpu.memory_space<semaphore_mem>>, %arg37: memref<!tpu.dma_semaphore, #tpu.memory_space<semaphore_mem>>, %arg38: memref<!tpu.dma_semaphore, #tpu.memory_space<semaphore_mem>>, %arg39: memref<!tpu.dma_semaphore, #tpu.memory_space<semaphore_mem>>, %arg40: memref<!tpu.dma_semaphore, #tpu.memory_space<semaphore_mem>>, %arg41: memref<!tpu.dma_semaphore, #tpu.memory_space<semaphore_mem>>, %arg42: memref<!tpu.dma_semaphore, #tpu.memory_space<semaphore_mem>>, %arg43: memref<!tpu.dma_semaphore, #tpu.memory_space<semaphore_mem>>, %arg44: memref<!tpu.dma_semaphore, #tpu.memory_space<semaphore_mem>>, %arg45: memref<!tpu.dma_semaphore, #tpu.memory_space<semaphore_mem>>) attributes {dimension_semantics = [#tpu.dimension_semantics<core_parallel>, #tpu.dimension_semantics<subcore_parallel>], iteration_bounds = array<i64: 2, 16>, scalar_prefetch = 0 : i64, scratch_operands = 39 : i64, tpu.core_type = #tpu.core_type<sc_vector_subcore>, window_params = [{transform_indices = #map}, {transform_indices = #map1}, {transform_indices = #map1}, {transform_indices = #map}, {transform_indices = #map}]} {
    %mul3A = arith.constant 624 : i32
    %mul3A_0 = arith.muli %arg1, %mul3A : i32
    "tpu.region"() ({
      %run_scoped3A = tpu.sem_alloc : memref<!tpu.dma_semaphore, #tpu.memory_space<semaphore_mem>>
      %dma_start3A_76 = arith.constant 0 : i32
      %dma_start3A_77 = tpu.memref_slice %arg27[%mul3A_0, %dma_start3A_76] : memref<10000x128xf32, #tpu.memory_space<vmem_shared>> -> memref<624x128xf32, #tpu.memory_space<vmem_shared>>
      tpu.enqueue_dma source(%arg5 : memref<624x128xf32, #tpu.memory_space<hbm>>) target(%dma_start3A_77 : memref<624x128xf32, #tpu.memory_space<vmem_shared>>) target_semaphore(%run_scoped3A : memref<!tpu.dma_semaphore, #tpu.memory_space<semaphore_mem>>)
      %dma_wait3A_78 = arith.constant 0 : i32
      %dma_wait3A_79 = tpu.memref_slice %arg27[%mul3A_0, %dma_wait3A_78] : memref<10000x128xf32, #tpu.memory_space<vmem_shared>> -> memref<624x128xf32, #tpu.memory_space<vmem_shared>>
      tpu.wait_dma2 semaphore(%run_scoped3A : memref<!tpu.dma_semaphore, #tpu.memory_space<semaphore_mem>>) src(%arg5 : memref<624x128xf32, #tpu.memory_space<hbm>>) dst(%dma_wait3A_79 : memref<624x128xf32, #tpu.memory_space<vmem_shared>>)
      tpu.yield
    }) : () -> ()
    %eq3A = arith.constant 0 : i32
    %eq3A_1 = arith.cmpi eq, %arg1, %eq3A : i32
    %convert_element_type3A = arith.extui %eq3A_1 : i1 to i32
    %cond3A = arith.constant 0 : i32
    %cond3A_2 = arith.cmpi ne, %convert_element_type3A, %cond3A : i32
    scf.if %cond3A_2 {
      "tpu.region"() ({
        %run_scoped3A = tpu.sem_alloc : memref<!tpu.dma_semaphore, #tpu.memory_space<semaphore_mem>>
        %dma_start3A_76 = arith.constant 9984 : i32
        %dma_start3A_77 = arith.constant 0 : i32
        %dma_start3A_78 = tpu.memref_slice %arg27[%dma_start3A_76, %dma_start3A_77] : memref<10000x128xf32, #tpu.memory_space<vmem_shared>> -> memref<16x128xf32, #tpu.memory_space<vmem_shared>>
        %dma_start3A_79 = arith.constant 0 : i32
        %dma_start3A_80 = arith.constant 0 : i32
        %dma_start3A_81 = tpu.memref_slice %arg5[%dma_start3A_79, %dma_start3A_80] : memref<624x128xf32, #tpu.memory_space<hbm>> -> memref<16x128xf32, #tpu.memory_space<hbm>>
        tpu.enqueue_dma source(%dma_start3A_81 : memref<16x128xf32, #tpu.memory_space<hbm>>) target(%dma_start3A_78 : memref<16x128xf32, #tpu.memory_space<vmem_shared>>) target_semaphore(%run_scoped3A : memref<!tpu.dma_semaphore, #tpu.memory_space<semaphore_mem>>)
        %dma_wait3A_82 = arith.constant 9984 : i32
        %dma_wait3A_83 = arith.constant 0 : i32
        %dma_wait3A_84 = tpu.memref_slice %arg27[%dma_wait3A_82, %dma_wait3A_83] : memref<10000x128xf32, #tpu.memory_space<vmem_shared>> -> memref<16x128xf32, #tpu.memory_space<vmem_shared>>
        %dma_wait3A_85 = arith.constant 0 : i32
        %dma_wait3A_86 = arith.constant 0 : i32
        %dma_wait3A_87 = tpu.memref_slice %arg5[%dma_wait3A_85, %dma_wait3A_86] : memref<624x128xf32, #tpu.memory_space<hbm>> -> memref<16x128xf32, #tpu.memory_space<hbm>>
        tpu.wait_dma2 semaphore(%run_scoped3A : memref<!tpu.dma_semaphore, #tpu.memory_space<semaphore_mem>>) src(%dma_wait3A_87 : memref<16x128xf32, #tpu.memory_space<hbm>>) dst(%dma_wait3A_84 : memref<16x128xf32, #tpu.memory_space<vmem_shared>>)
        tpu.yield
      }) : () -> ()
    } else {
    }
    %barrier3A = arith.constant 0 : index
    tpu.barrier barrier_id(%barrier3A)
    %mul3A_3 = arith.constant 16 : i32
    %mul3A_4 = arith.muli %arg0, %mul3A_3 : i32
    %add3A = arith.addi %mul3A_4, %arg1 : i32
    %mul3A_5 = arith.constant 10000 : i32
    %mul3A_6 = arith.muli %add3A, %mul3A_5 : i32
    %add3A_7 = arith.constant 0 : i32
    %add3A_8 = arith.addi %mul3A_6, %add3A_7 : i32
    "tpu.region"() ({
      %run_scoped3A = tpu.sem_alloc : memref<!tpu.dma_semaphore, #tpu.memory_space<semaphore_mem>>
      %dma_start3A_76 = tpu.memref_slice %arg3[%add3A_8] : memref<320000xi32, #tpu.memory_space<hbm>> -> memref<64xi32, #tpu.memory_space<hbm>>
      %dma_start3A_77 = tpu.memref_slice %arg3[%add3A_8] : memref<320000xi32, #tpu.memory_space<hbm>> -> memref<64xi32, #tpu.memory_space<hbm>>
      tpu.enqueue_dma source(%dma_start3A_77 : memref<64xi32, #tpu.memory_space<hbm>>) target(%arg7 : memref<64xi32, #tpu.memory_space<vmem>>) target_semaphore(%run_scoped3A : memref<!tpu.dma_semaphore, #tpu.memory_space<semaphore_mem>>)
      %dma_wait3A_78 = tpu.memref_slice %arg3[%add3A_8] : memref<320000xi32, #tpu.memory_space<hbm>> -> memref<64xi32, #tpu.memory_space<hbm>>
      %dma_wait3A_79 = tpu.memref_slice %arg3[%add3A_8] : memref<320000xi32, #tpu.memory_space<hbm>> -> memref<64xi32, #tpu.memory_space<hbm>>
      tpu.wait_dma2 semaphore(%run_scoped3A : memref<!tpu.dma_semaphore, #tpu.memory_space<semaphore_mem>>) src(%dma_wait3A_79 : memref<64xi32, #tpu.memory_space<hbm>>) dst(%arg7 : memref<64xi32, #tpu.memory_space<vmem>>)
      tpu.yield
    }) : () -> ()
    %add3A_9 = arith.constant 0 : i32
    %add3A_10 = arith.addi %mul3A_6, %add3A_9 : i32
    "tpu.region"() ({
      %run_scoped3A = tpu.sem_alloc : memref<!tpu.dma_semaphore, #tpu.memory_space<semaphore_mem>>
      %dma_start3A_76 = tpu.memref_slice %arg4[%add3A_10] : memref<320000xi32, #tpu.memory_space<hbm>> -> memref<64xi32, #tpu.memory_space<hbm>>
      %dma_start3A_77 = tpu.memref_slice %arg4[%add3A_10] : memref<320000xi32, #tpu.memory_space<hbm>> -> memref<64xi32, #tpu.memory_space<hbm>>
      tpu.enqueue_dma source(%dma_start3A_77 : memref<64xi32, #tpu.memory_space<hbm>>) target(%arg13 : memref<64xi32, #tpu.memory_space<vmem>>) target_semaphore(%run_scoped3A : memref<!tpu.dma_semaphore, #tpu.memory_space<semaphore_mem>>)
      %dma_wait3A_78 = tpu.memref_slice %arg4[%add3A_10] : memref<320000xi32, #tpu.memory_space<hbm>> -> memref<64xi32, #tpu.memory_space<hbm>>
      %dma_wait3A_79 = tpu.memref_slice %arg4[%add3A_10] : memref<320000xi32, #tpu.memory_space<hbm>> -> memref<64xi32, #tpu.memory_space<hbm>>
      tpu.wait_dma2 semaphore(%run_scoped3A : memref<!tpu.dma_semaphore, #tpu.memory_space<semaphore_mem>>) src(%dma_wait3A_79 : memref<64xi32, #tpu.memory_space<hbm>>) dst(%arg13 : memref<64xi32, #tpu.memory_space<vmem>>)
      tpu.yield
    }) : () -> ()
    %add3A_11 = arith.constant 64 : i32
    %add3A_12 = arith.addi %mul3A_6, %add3A_11 : i32
    "tpu.region"() ({
      %run_scoped3A = tpu.sem_alloc : memref<!tpu.dma_semaphore, #tpu.memory_space<semaphore_mem>>
      %dma_start3A_76 = tpu.memref_slice %arg3[%add3A_12] : memref<320000xi32, #tpu.memory_space<hbm>> -> memref<64xi32, #tpu.memory_space<hbm>>
      %dma_start3A_77 = tpu.memref_slice %arg3[%add3A_12] : memref<320000xi32, #tpu.memory_space<hbm>> -> memref<64xi32, #tpu.memory_space<hbm>>
      tpu.enqueue_dma source(%dma_start3A_77 : memref<64xi32, #tpu.memory_space<hbm>>) target(%arg8 : memref<64xi32, #tpu.memory_space<vmem>>) target_semaphore(%run_scoped3A : memref<!tpu.dma_semaphore, #tpu.memory_space<semaphore_mem>>)
      %dma_wait3A_78 = tpu.memref_slice %arg3[%add3A_12] : memref<320000xi32, #tpu.memory_space<hbm>> -> memref<64xi32, #tpu.memory_space<hbm>>
      %dma_wait3A_79 = tpu.memref_slice %arg3[%add3A_12] : memref<320000xi32, #tpu.memory_space<hbm>> -> memref<64xi32, #tpu.memory_space<hbm>>
      tpu.wait_dma2 semaphore(%run_scoped3A : memref<!tpu.dma_semaphore, #tpu.memory_space<semaphore_mem>>) src(%dma_wait3A_79 : memref<64xi32, #tpu.memory_space<hbm>>) dst(%arg8 : memref<64xi32, #tpu.memory_space<vmem>>)
      tpu.yield
    }) : () -> ()
    %add3A_13 = arith.constant 64 : i32
    %add3A_14 = arith.addi %mul3A_6, %add3A_13 : i32
    "tpu.region"() ({
      %run_scoped3A = tpu.sem_alloc : memref<!tpu.dma_semaphore, #tpu.memory_space<semaphore_mem>>
      %dma_start3A_76 = tpu.memref_slice %arg4[%add3A_14] : memref<320000xi32, #tpu.memory_space<hbm>> -> memref<64xi32, #tpu.memory_space<hbm>>
      %dma_start3A_77 = tpu.memref_slice %arg4[%add3A_14] : memref<320000xi32, #tpu.memory_space<hbm>> -> memref<64xi32, #tpu.memory_space<hbm>>
      tpu.enqueue_dma source(%dma_start3A_77 : memref<64xi32, #tpu.memory_space<hbm>>) target(%arg14 : memref<64xi32, #tpu.memory_space<vmem>>) target_semaphore(%run_scoped3A : memref<!tpu.dma_semaphore, #tpu.memory_space<semaphore_mem>>)
      %dma_wait3A_78 = tpu.memref_slice %arg4[%add3A_14] : memref<320000xi32, #tpu.memory_space<hbm>> -> memref<64xi32, #tpu.memory_space<hbm>>
      %dma_wait3A_79 = tpu.memref_slice %arg4[%add3A_14] : memref<320000xi32, #tpu.memory_space<hbm>> -> memref<64xi32, #tpu.memory_space<hbm>>
      tpu.wait_dma2 semaphore(%run_scoped3A : memref<!tpu.dma_semaphore, #tpu.memory_space<semaphore_mem>>) src(%dma_wait3A_79 : memref<64xi32, #tpu.memory_space<hbm>>) dst(%arg14 : memref<64xi32, #tpu.memory_space<vmem>>)
      tpu.yield
    }) : () -> ()
    %add3A_15 = arith.constant 128 : i32
    %add3A_16 = arith.addi %mul3A_6, %add3A_15 : i32
    "tpu.region"() ({
      %run_scoped3A = tpu.sem_alloc : memref<!tpu.dma_semaphore, #tpu.memory_space<semaphore_mem>>
      %dma_start3A_76 = tpu.memref_slice %arg3[%add3A_16] : memref<320000xi32, #tpu.memory_space<hbm>> -> memref<64xi32, #tpu.memory_space<hbm>>
      %dma_start3A_77 = tpu.memref_slice %arg3[%add3A_16] : memref<320000xi32, #tpu.memory_space<hbm>> -> memref<64xi32, #tpu.memory_space<hbm>>
      tpu.enqueue_dma source(%dma_start3A_77 : memref<64xi32, #tpu.memory_space<hbm>>) target(%arg9 : memref<64xi32, #tpu.memory_space<vmem>>) target_semaphore(%run_scoped3A : memref<!tpu.dma_semaphore, #tpu.memory_space<semaphore_mem>>)
      %dma_wait3A_78 = tpu.memref_slice %arg3[%add3A_16] : memref<320000xi32, #tpu.memory_space<hbm>> -> memref<64xi32, #tpu.memory_space<hbm>>
      %dma_wait3A_79 = tpu.memref_slice %arg3[%add3A_16] : memref<320000xi32, #tpu.memory_space<hbm>> -> memref<64xi32, #tpu.memory_space<hbm>>
      tpu.wait_dma2 semaphore(%run_scoped3A : memref<!tpu.dma_semaphore, #tpu.memory_space<semaphore_mem>>) src(%dma_wait3A_79 : memref<64xi32, #tpu.memory_space<hbm>>) dst(%arg9 : memref<64xi32, #tpu.memory_space<vmem>>)
      tpu.yield
    }) : () -> ()
    %add3A_17 = arith.constant 128 : i32
    %add3A_18 = arith.addi %mul3A_6, %add3A_17 : i32
    "tpu.region"() ({
      %run_scoped3A = tpu.sem_alloc : memref<!tpu.dma_semaphore, #tpu.memory_space<semaphore_mem>>
      %dma_start3A_76 = tpu.memref_slice %arg4[%add3A_18] : memref<320000xi32, #tpu.memory_space<hbm>> -> memref<64xi32, #tpu.memory_space<hbm>>
      %dma_start3A_77 = tpu.memref_slice %arg4[%add3A_18] : memref<320000xi32, #tpu.memory_space<hbm>> -> memref<64xi32, #tpu.memory_space<hbm>>
      tpu.enqueue_dma source(%dma_start3A_77 : memref<64xi32, #tpu.memory_space<hbm>>) target(%arg15 : memref<64xi32, #tpu.memory_space<vmem>>) target_semaphore(%run_scoped3A : memref<!tpu.dma_semaphore, #tpu.memory_space<semaphore_mem>>)
      %dma_wait3A_78 = tpu.memref_slice %arg4[%add3A_18] : memref<320000xi32, #tpu.memory_space<hbm>> -> memref<64xi32, #tpu.memory_space<hbm>>
      %dma_wait3A_79 = tpu.memref_slice %arg4[%add3A_18] : memref<320000xi32, #tpu.memory_space<hbm>> -> memref<64xi32, #tpu.memory_space<hbm>>
      tpu.wait_dma2 semaphore(%run_scoped3A : memref<!tpu.dma_semaphore, #tpu.memory_space<semaphore_mem>>) src(%dma_wait3A_79 : memref<64xi32, #tpu.memory_space<hbm>>) dst(%arg15 : memref<64xi32, #tpu.memory_space<vmem>>)
      tpu.yield
    }) : () -> ()
    %add3A_19 = arith.constant 192 : i32
    %add3A_20 = arith.addi %mul3A_6, %add3A_19 : i32
    "tpu.region"() ({
      %run_scoped3A = tpu.sem_alloc : memref<!tpu.dma_semaphore, #tpu.memory_space<semaphore_mem>>
      %dma_start3A_76 = tpu.memref_slice %arg3[%add3A_20] : memref<320000xi32, #tpu.memory_space<hbm>> -> memref<64xi32, #tpu.memory_space<hbm>>
      %dma_start3A_77 = tpu.memref_slice %arg3[%add3A_20] : memref<320000xi32, #tpu.memory_space<hbm>> -> memref<64xi32, #tpu.memory_space<hbm>>
      tpu.enqueue_dma source(%dma_start3A_77 : memref<64xi32, #tpu.memory_space<hbm>>) target(%arg10 : memref<64xi32, #tpu.memory_space<vmem>>) target_semaphore(%run_scoped3A : memref<!tpu.dma_semaphore, #tpu.memory_space<semaphore_mem>>)
      %dma_wait3A_78 = tpu.memref_slice %arg3[%add3A_20] : memref<320000xi32, #tpu.memory_space<hbm>> -> memref<64xi32, #tpu.memory_space<hbm>>
      %dma_wait3A_79 = tpu.memref_slice %arg3[%add3A_20] : memref<320000xi32, #tpu.memory_space<hbm>> -> memref<64xi32, #tpu.memory_space<hbm>>
      tpu.wait_dma2 semaphore(%run_scoped3A : memref<!tpu.dma_semaphore, #tpu.memory_space<semaphore_mem>>) src(%dma_wait3A_79 : memref<64xi32, #tpu.memory_space<hbm>>) dst(%arg10 : memref<64xi32, #tpu.memory_space<vmem>>)
      tpu.yield
    }) : () -> ()
    %add3A_21 = arith.constant 192 : i32
    %add3A_22 = arith.addi %mul3A_6, %add3A_21 : i32
    "tpu.region"() ({
      %run_scoped3A = tpu.sem_alloc : memref<!tpu.dma_semaphore, #tpu.memory_space<semaphore_mem>>
      %dma_start3A_76 = tpu.memref_slice %arg4[%add3A_22] : memref<320000xi32, #tpu.memory_space<hbm>> -> memref<64xi32, #tpu.memory_space<hbm>>
      %dma_start3A_77 = tpu.memref_slice %arg4[%add3A_22] : memref<320000xi32, #tpu.memory_space<hbm>> -> memref<64xi32, #tpu.memory_space<hbm>>
      tpu.enqueue_dma source(%dma_start3A_77 : memref<64xi32, #tpu.memory_space<hbm>>) target(%arg16 : memref<64xi32, #tpu.memory_space<vmem>>) target_semaphore(%run_scoped3A : memref<!tpu.dma_semaphore, #tpu.memory_space<semaphore_mem>>)
      %dma_wait3A_78 = tpu.memref_slice %arg4[%add3A_22] : memref<320000xi32, #tpu.memory_space<hbm>> -> memref<64xi32, #tpu.memory_space<hbm>>
      %dma_wait3A_79 = tpu.memref_slice %arg4[%add3A_22] : memref<320000xi32, #tpu.memory_space<hbm>> -> memref<64xi32, #tpu.memory_space<hbm>>
      tpu.wait_dma2 semaphore(%run_scoped3A : memref<!tpu.dma_semaphore, #tpu.memory_space<semaphore_mem>>) src(%dma_wait3A_79 : memref<64xi32, #tpu.memory_space<hbm>>) dst(%arg16 : memref<64xi32, #tpu.memory_space<vmem>>)
      tpu.yield
    }) : () -> ()
    %dma_start3A = arith.constant 0 : i32
    %dma_start3A_23 = arith.constant 0 : i32
    %dma_start3A_24 = tpu.memref_slice %arg2[%dma_start3A, %dma_start3A_23] : memref<10000x128xf32, #tpu.memory_space<hbm>> -> memref<10000x128xf32, #tpu.memory_space<hbm>>
    tpu.enqueue_indirect_dma source(%dma_start3A_24 : memref<10000x128xf32, #tpu.memory_space<hbm>>) target(%arg19 : memref<64x128xf32, #tpu.memory_space<vmem>>) offsets(%arg7 : memref<64xi32, #tpu.memory_space<vmem>>) semaphore(%arg34 : memref<!tpu.dma_semaphore, #tpu.memory_space<semaphore_mem>>)
    %dma_start3A_25 = arith.constant 0 : i32
    %dma_start3A_26 = arith.constant 0 : i32
    %dma_start3A_27 = tpu.memref_slice %arg2[%dma_start3A_25, %dma_start3A_26] : memref<10000x128xf32, #tpu.memory_space<hbm>> -> memref<10000x128xf32, #tpu.memory_space<hbm>>
    tpu.enqueue_indirect_dma source(%dma_start3A_27 : memref<10000x128xf32, #tpu.memory_space<hbm>>) target(%arg20 : memref<64x128xf32, #tpu.memory_space<vmem>>) offsets(%arg8 : memref<64xi32, #tpu.memory_space<vmem>>) semaphore(%arg35 : memref<!tpu.dma_semaphore, #tpu.memory_space<semaphore_mem>>)
    %dma_start3A_28 = arith.constant 0 : i32
    %dma_start3A_29 = arith.constant 0 : i32
    %dma_start3A_30 = tpu.memref_slice %arg2[%dma_start3A_28, %dma_start3A_29] : memref<10000x128xf32, #tpu.memory_space<hbm>> -> memref<10000x128xf32, #tpu.memory_space<hbm>>
    tpu.enqueue_indirect_dma source(%dma_start3A_30 : memref<10000x128xf32, #tpu.memory_space<hbm>>) target(%arg21 : memref<64x128xf32, #tpu.memory_space<vmem>>) offsets(%arg9 : memref<64xi32, #tpu.memory_space<vmem>>) semaphore(%arg36 : memref<!tpu.dma_semaphore, #tpu.memory_space<semaphore_mem>>)
    %dma_start3A_31 = arith.constant 0 : i32
    %dma_start3A_32 = arith.constant 0 : i32
    %dma_start3A_33 = tpu.memref_slice %arg2[%dma_start3A_31, %dma_start3A_32] : memref<10000x128xf32, #tpu.memory_space<hbm>> -> memref<10000x128xf32, #tpu.memory_space<hbm>>
    tpu.enqueue_indirect_dma source(%dma_start3A_33 : memref<10000x128xf32, #tpu.memory_space<hbm>>) target(%arg22 : memref<64x128xf32, #tpu.memory_space<vmem>>) offsets(%arg10 : memref<64xi32, #tpu.memory_space<vmem>>) semaphore(%arg37 : memref<!tpu.dma_semaphore, #tpu.memory_space<semaphore_mem>>)
    %add3A_34 = arith.constant 256 : i32
    %add3A_35 = arith.addi %mul3A_6, %add3A_34 : i32
    %dma_start3A_36 = tpu.memref_slice %arg3[%add3A_35] : memref<320000xi32, #tpu.memory_space<hbm>> -> memref<64xi32, #tpu.memory_space<hbm>>
    %dma_start3A_37 = tpu.memref_slice %arg3[%add3A_35] : memref<320000xi32, #tpu.memory_space<hbm>> -> memref<64xi32, #tpu.memory_space<hbm>>
    tpu.enqueue_dma source(%dma_start3A_37 : memref<64xi32, #tpu.memory_space<hbm>>) target(%arg11 : memref<64xi32, #tpu.memory_space<vmem>>) target_semaphore(%arg32 : memref<!tpu.dma_semaphore, #tpu.memory_space<semaphore_mem>>)
    %dma_start3A_38 = tpu.memref_slice %arg4[%add3A_35] : memref<320000xi32, #tpu.memory_space<hbm>> -> memref<64xi32, #tpu.memory_space<hbm>>
    %dma_start3A_39 = tpu.memref_slice %arg4[%add3A_35] : memref<320000xi32, #tpu.memory_space<hbm>> -> memref<64xi32, #tpu.memory_space<hbm>>
    tpu.enqueue_dma source(%dma_start3A_39 : memref<64xi32, #tpu.memory_space<hbm>>) target(%arg17 : memref<64xi32, #tpu.memory_space<vmem>>) target_semaphore(%arg32 : memref<!tpu.dma_semaphore, #tpu.memory_space<semaphore_mem>>)
    %add3A_40 = arith.constant 320 : i32
    %add3A_41 = arith.addi %mul3A_6, %add3A_40 : i32
    %dma_start3A_42 = tpu.memref_slice %arg3[%add3A_41] : memref<320000xi32, #tpu.memory_space<hbm>> -> memref<64xi32, #tpu.memory_space<hbm>>
    %dma_start3A_43 = tpu.memref_slice %arg3[%add3A_41] : memref<320000xi32, #tpu.memory_space<hbm>> -> memref<64xi32, #tpu.memory_space<hbm>>
    tpu.enqueue_dma source(%dma_start3A_43 : memref<64xi32, #tpu.memory_space<hbm>>) target(%arg12 : memref<64xi32, #tpu.memory_space<vmem>>) target_semaphore(%arg33 : memref<!tpu.dma_semaphore, #tpu.memory_space<semaphore_mem>>)
    %dma_start3A_44 = tpu.memref_slice %arg4[%add3A_41] : memref<320000xi32, #tpu.memory_space<hbm>> -> memref<64xi32, #tpu.memory_space<hbm>>
    %dma_start3A_45 = tpu.memref_slice %arg4[%add3A_41] : memref<320000xi32, #tpu.memory_space<hbm>> -> memref<64xi32, #tpu.memory_space<hbm>>
    tpu.enqueue_dma source(%dma_start3A_45 : memref<64xi32, #tpu.memory_space<hbm>>) target(%arg18 : memref<64xi32, #tpu.memory_space<vmem>>) target_semaphore(%arg33 : memref<!tpu.dma_semaphore, #tpu.memory_space<semaphore_mem>>)
    %scan3A = arith.constant 0 : i32
    %scan3A_46 = arith.constant 26 : i32
    %scan3A_47 = arith.addi %scan3A, %scan3A_46 : i32
    %scan3A_48 = arith.constant 1 : i32
    scf.for %scan3A_76 = %scan3A to %scan3A_47 step %scan3A_48  : i32 {
      %mul3A_77 = arith.constant 6 : i32
      %mul3A_78 = arith.muli %scan3A_76, %mul3A_77 : i32
      %add3A_79 = arith.constant 0 : i32
      %add3A_80 = arith.addi %add3A_79, %mul3A_78 : i32
      %add3A_81 = arith.constant 0 : i32
      %add3A_82 = arith.addi %add3A_80, %add3A_81 : i32
      %add3A_83 = arith.constant 4 : i32
      %add3A_84 = arith.addi %add3A_82, %add3A_83 : i32
      %lt3A = arith.constant 156 : i32
      %lt3A_85 = arith.cmpi slt, %add3A_84, %lt3A : i32
      %convert_element_type3A_86 = arith.extui %lt3A_85 : i1 to i32
      %cond3A_87 = arith.constant 0 : i32
      %cond3A_88 = arith.cmpi ne, %convert_element_type3A_86, %cond3A_87 : i32
      scf.if %cond3A_88 {
        %dma_wait3A_194 = arith.constant 0 : i32
        %dma_wait3A_195 = tpu.memref_slice %arg3[%dma_wait3A_194] : memref<320000xi32, #tpu.memory_space<hbm>> -> memref<64xi32, #tpu.memory_space<hbm>>
        %dma_wait3A_196 = arith.constant 0 : i32
        %dma_wait3A_197 = tpu.memref_slice %arg3[%dma_wait3A_196] : memref<320000xi32, #tpu.memory_space<hbm>> -> memref<64xi32, #tpu.memory_space<hbm>>
        tpu.wait_dma2 semaphore(%arg32 : memref<!tpu.dma_semaphore, #tpu.memory_space<semaphore_mem>>) src(%dma_wait3A_197 : memref<64xi32, #tpu.memory_space<hbm>>) dst(%arg11 : memref<64xi32, #tpu.memory_space<vmem>>)
        %dma_wait3A_198 = arith.constant 0 : i32
        %dma_wait3A_199 = tpu.memref_slice %arg4[%dma_wait3A_198] : memref<320000xi32, #tpu.memory_space<hbm>> -> memref<64xi32, #tpu.memory_space<hbm>>
        %dma_wait3A_200 = arith.constant 0 : i32
        %dma_wait3A_201 = tpu.memref_slice %arg4[%dma_wait3A_200] : memref<320000xi32, #tpu.memory_space<hbm>> -> memref<64xi32, #tpu.memory_space<hbm>>
        tpu.wait_dma2 semaphore(%arg32 : memref<!tpu.dma_semaphore, #tpu.memory_space<semaphore_mem>>) src(%dma_wait3A_201 : memref<64xi32, #tpu.memory_space<hbm>>) dst(%arg17 : memref<64xi32, #tpu.memory_space<vmem>>)
        %dma_start3A_202 = arith.constant 0 : i32
        %dma_start3A_203 = arith.constant 0 : i32
        %dma_start3A_204 = tpu.memref_slice %arg2[%dma_start3A_202, %dma_start3A_203] : memref<10000x128xf32, #tpu.memory_space<hbm>> -> memref<10000x128xf32, #tpu.memory_space<hbm>>
        tpu.enqueue_indirect_dma source(%dma_start3A_204 : memref<10000x128xf32, #tpu.memory_space<hbm>>) target(%arg23 : memref<64x128xf32, #tpu.memory_space<vmem>>) offsets(%arg11 : memref<64xi32, #tpu.memory_space<vmem>>) semaphore(%arg38 : memref<!tpu.dma_semaphore, #tpu.memory_space<semaphore_mem>>)
      } else {
      }
      %dma_wait3A_89 = arith.constant 0 : i32
      %dma_wait3A_90 = arith.constant 0 : i32
      %dma_wait3A_91 = tpu.memref_slice %arg2[%dma_wait3A_89, %dma_wait3A_90] : memref<10000x128xf32, #tpu.memory_space<hbm>> -> memref<10000x128xf32, #tpu.memory_space<hbm>>
      tpu.wait_indirect_dma semaphore(%arg34 : memref<!tpu.dma_semaphore, #tpu.memory_space<semaphore_mem>>) src(%dma_wait3A_91 : memref<10000x128xf32, #tpu.memory_space<hbm>>) dst(%arg19 : memref<64x128xf32, #tpu.memory_space<vmem>>)
      "tpu.region"() ({
        %run_scoped3A = tpu.sem_alloc : memref<!tpu.dma_semaphore, #tpu.memory_space<semaphore_mem>>
        %dma_start3A_194 = arith.constant 0 : i32
        %dma_start3A_195 = arith.constant 0 : i32
        %dma_start3A_196 = tpu.memref_slice %arg27[%dma_start3A_194, %dma_start3A_195] : memref<10000x128xf32, #tpu.memory_space<vmem_shared>> -> memref<10000x128xf32, #tpu.memory_space<vmem_shared>>
        tpu.enqueue_indirect_dma source(%arg19 : memref<64x128xf32, #tpu.memory_space<vmem>>) target(%dma_start3A_196 : memref<10000x128xf32, #tpu.memory_space<vmem_shared>>) offsets(%arg13 : memref<64xi32, #tpu.memory_space<vmem>>) semaphore(%run_scoped3A : memref<!tpu.dma_semaphore, #tpu.memory_space<semaphore_mem>>) {add = true}
        %dma_wait3A_197 = arith.constant 0 : i32
        %dma_wait3A_198 = arith.constant 0 : i32
        %dma_wait3A_199 = tpu.memref_slice %arg27[%dma_wait3A_197, %dma_wait3A_198] : memref<10000x128xf32, #tpu.memory_space<vmem_shared>> -> memref<10000x128xf32, #tpu.memory_space<vmem_shared>>
        tpu.wait_indirect_dma semaphore(%run_scoped3A : memref<!tpu.dma_semaphore, #tpu.memory_space<semaphore_mem>>) src(%arg19 : memref<64x128xf32, #tpu.memory_space<vmem>>) dst(%dma_wait3A_199 : memref<10000x128xf32, #tpu.memory_space<vmem_shared>>)
        tpu.yield
      }) : () -> ()
      %add3A_92 = arith.constant 6 : i32
      %add3A_93 = arith.addi %add3A_82, %add3A_92 : i32
      %lt3A_94 = arith.constant 156 : i32
      %lt3A_95 = arith.cmpi slt, %add3A_93, %lt3A_94 : i32
      %convert_element_type3A_96 = arith.extui %lt3A_95 : i1 to i32
      %cond3A_97 = arith.constant 0 : i32
      %cond3A_98 = arith.cmpi ne, %convert_element_type3A_96, %cond3A_97 : i32
      scf.if %cond3A_98 {
        %add3A_194 = arith.constant 6 : i32
        %add3A_195 = arith.addi %add3A_82, %add3A_194 : i32
        %mul3A_196 = arith.constant 64 : i32
        %mul3A_197 = arith.muli %add3A_195, %mul3A_196 : i32
        %add3A_198 = arith.addi %mul3A_6, %mul3A_197 : i32
        %dma_start3A_199 = tpu.memref_slice %arg3[%add3A_198] : memref<320000xi32, #tpu.memory_space<hbm>> -> memref<64xi32, #tpu.memory_space<hbm>>
        %dma_start3A_200 = tpu.memref_slice %arg3[%add3A_198] : memref<320000xi32, #tpu.memory_space<hbm>> -> memref<64xi32, #tpu.memory_space<hbm>>
        tpu.enqueue_dma source(%dma_start3A_200 : memref<64xi32, #tpu.memory_space<hbm>>) target(%arg7 : memref<64xi32, #tpu.memory_space<vmem>>) target_semaphore(%arg28 : memref<!tpu.dma_semaphore, #tpu.memory_space<semaphore_mem>>)
        %dma_start3A_201 = tpu.memref_slice %arg4[%add3A_198] : memref<320000xi32, #tpu.memory_space<hbm>> -> memref<64xi32, #tpu.memory_space<hbm>>
        %dma_start3A_202 = tpu.memref_slice %arg4[%add3A_198] : memref<320000xi32, #tpu.memory_space<hbm>> -> memref<64xi32, #tpu.memory_space<hbm>>
        tpu.enqueue_dma source(%dma_start3A_202 : memref<64xi32, #tpu.memory_space<hbm>>) target(%arg13 : memref<64xi32, #tpu.memory_space<vmem>>) target_semaphore(%arg28 : memref<!tpu.dma_semaphore, #tpu.memory_space<semaphore_mem>>)
      } else {
      }
      %add3A_99 = arith.constant 1 : i32
      %add3A_100 = arith.addi %add3A_80, %add3A_99 : i32
      %add3A_101 = arith.constant 4 : i32
      %add3A_102 = arith.addi %add3A_100, %add3A_101 : i32
      %lt3A_103 = arith.constant 156 : i32
      %lt3A_104 = arith.cmpi slt, %add3A_102, %lt3A_103 : i32
      %convert_element_type3A_105 = arith.extui %lt3A_104 : i1 to i32
      %cond3A_106 = arith.constant 0 : i32
      %cond3A_107 = arith.cmpi ne, %convert_element_type3A_105, %cond3A_106 : i32
      scf.if %cond3A_107 {
        %dma_wait3A_194 = arith.constant 0 : i32
        %dma_wait3A_195 = tpu.memref_slice %arg3[%dma_wait3A_194] : memref<320000xi32, #tpu.memory_space<hbm>> -> memref<64xi32, #tpu.memory_space<hbm>>
        %dma_wait3A_196 = arith.constant 0 : i32
        %dma_wait3A_197 = tpu.memref_slice %arg3[%dma_wait3A_196] : memref<320000xi32, #tpu.memory_space<hbm>> -> memref<64xi32, #tpu.memory_space<hbm>>
        tpu.wait_dma2 semaphore(%arg33 : memref<!tpu.dma_semaphore, #tpu.memory_space<semaphore_mem>>) src(%dma_wait3A_197 : memref<64xi32, #tpu.memory_space<hbm>>) dst(%arg12 : memref<64xi32, #tpu.memory_space<vmem>>)
        %dma_wait3A_198 = arith.constant 0 : i32
        %dma_wait3A_199 = tpu.memref_slice %arg4[%dma_wait3A_198] : memref<320000xi32, #tpu.memory_space<hbm>> -> memref<64xi32, #tpu.memory_space<hbm>>
        %dma_wait3A_200 = arith.constant 0 : i32
        %dma_wait3A_201 = tpu.memref_slice %arg4[%dma_wait3A_200] : memref<320000xi32, #tpu.memory_space<hbm>> -> memref<64xi32, #tpu.memory_space<hbm>>
        tpu.wait_dma2 semaphore(%arg33 : memref<!tpu.dma_semaphore, #tpu.memory_space<semaphore_mem>>) src(%dma_wait3A_201 : memref<64xi32, #tpu.memory_space<hbm>>) dst(%arg18 : memref<64xi32, #tpu.memory_space<vmem>>)
        %dma_start3A_202 = arith.constant 0 : i32
        %dma_start3A_203 = arith.constant 0 : i32
        %dma_start3A_204 = tpu.memref_slice %arg2[%dma_start3A_202, %dma_start3A_203] : memref<10000x128xf32, #tpu.memory_space<hbm>> -> memref<10000x128xf32, #tpu.memory_space<hbm>>
        tpu.enqueue_indirect_dma source(%dma_start3A_204 : memref<10000x128xf32, #tpu.memory_space<hbm>>) target(%arg24 : memref<64x128xf32, #tpu.memory_space<vmem>>) offsets(%arg12 : memref<64xi32, #tpu.memory_space<vmem>>) semaphore(%arg39 : memref<!tpu.dma_semaphore, #tpu.memory_space<semaphore_mem>>)
      } else {
      }
      %dma_wait3A_108 = arith.constant 0 : i32
      %dma_wait3A_109 = arith.constant 0 : i32
      %dma_wait3A_110 = tpu.memref_slice %arg2[%dma_wait3A_108, %dma_wait3A_109] : memref<10000x128xf32, #tpu.memory_space<hbm>> -> memref<10000x128xf32, #tpu.memory_space<hbm>>
      tpu.wait_indirect_dma semaphore(%arg35 : memref<!tpu.dma_semaphore, #tpu.memory_space<semaphore_mem>>) src(%dma_wait3A_110 : memref<10000x128xf32, #tpu.memory_space<hbm>>) dst(%arg20 : memref<64x128xf32, #tpu.memory_space<vmem>>)
      "tpu.region"() ({
        %run_scoped3A = tpu.sem_alloc : memref<!tpu.dma_semaphore, #tpu.memory_space<semaphore_mem>>
        %dma_start3A_194 = arith.constant 0 : i32
        %dma_start3A_195 = arith.constant 0 : i32
        %dma_start3A_196 = tpu.memref_slice %arg27[%dma_start3A_194, %dma_start3A_195] : memref<10000x128xf32, #tpu.memory_space<vmem_shared>> -> memref<10000x128xf32, #tpu.memory_space<vmem_shared>>
        tpu.enqueue_indirect_dma source(%arg20 : memref<64x128xf32, #tpu.memory_space<vmem>>) target(%dma_start3A_196 : memref<10000x128xf32, #tpu.memory_space<vmem_shared>>) offsets(%arg14 : memref<64xi32, #tpu.memory_space<vmem>>) semaphore(%run_scoped3A : memref<!tpu.dma_semaphore, #tpu.memory_space<semaphore_mem>>) {add = true}
        %dma_wait3A_197 = arith.constant 0 : i32
        %dma_wait3A_198 = arith.constant 0 : i32
        %dma_wait3A_199 = tpu.memref_slice %arg27[%dma_wait3A_197, %dma_wait3A_198] : memref<10000x128xf32, #tpu.memory_space<vmem_shared>> -> memref<10000x128xf32, #tpu.memory_space<vmem_shared>>
        tpu.wait_indirect_dma semaphore(%run_scoped3A : memref<!tpu.dma_semaphore, #tpu.memory_space<semaphore_mem>>) src(%arg20 : memref<64x128xf32, #tpu.memory_space<vmem>>) dst(%dma_wait3A_199 : memref<10000x128xf32, #tpu.memory_space<vmem_shared>>)
        tpu.yield
      }) : () -> ()
      %add3A_111 = arith.constant 6 : i32
      %add3A_112 = arith.addi %add3A_100, %add3A_111 : i32
      %lt3A_113 = arith.constant 156 : i32
      %lt3A_114 = arith.cmpi slt, %add3A_112, %lt3A_113 : i32
      %convert_element_type3A_115 = arith.extui %lt3A_114 : i1 to i32
      %cond3A_116 = arith.constant 0 : i32
      %cond3A_117 = arith.cmpi ne, %convert_element_type3A_115, %cond3A_116 : i32
      scf.if %cond3A_117 {
        %add3A_194 = arith.constant 6 : i32
        %add3A_195 = arith.addi %add3A_100, %add3A_194 : i32
        %mul3A_196 = arith.constant 64 : i32
        %mul3A_197 = arith.muli %add3A_195, %mul3A_196 : i32
        %add3A_198 = arith.addi %mul3A_6, %mul3A_197 : i32
        %dma_start3A_199 = tpu.memref_slice %arg3[%add3A_198] : memref<320000xi32, #tpu.memory_space<hbm>> -> memref<64xi32, #tpu.memory_space<hbm>>
        %dma_start3A_200 = tpu.memref_slice %arg3[%add3A_198] : memref<320000xi32, #tpu.memory_space<hbm>> -> memref<64xi32, #tpu.memory_space<hbm>>
        tpu.enqueue_dma source(%dma_start3A_200 : memref<64xi32, #tpu.memory_space<hbm>>) target(%arg8 : memref<64xi32, #tpu.memory_space<vmem>>) target_semaphore(%arg29 : memref<!tpu.dma_semaphore, #tpu.memory_space<semaphore_mem>>)
        %dma_start3A_201 = tpu.memref_slice %arg4[%add3A_198] : memref<320000xi32, #tpu.memory_space<hbm>> -> memref<64xi32, #tpu.memory_space<hbm>>
        %dma_start3A_202 = tpu.memref_slice %arg4[%add3A_198] : memref<320000xi32, #tpu.memory_space<hbm>> -> memref<64xi32, #tpu.memory_space<hbm>>
        tpu.enqueue_dma source(%dma_start3A_202 : memref<64xi32, #tpu.memory_space<hbm>>) target(%arg14 : memref<64xi32, #tpu.memory_space<vmem>>) target_semaphore(%arg29 : memref<!tpu.dma_semaphore, #tpu.memory_space<semaphore_mem>>)
      } else {
      }
      %add3A_118 = arith.constant 2 : i32
      %add3A_119 = arith.addi %add3A_80, %add3A_118 : i32
      %add3A_120 = arith.constant 4 : i32
      %add3A_121 = arith.addi %add3A_119, %add3A_120 : i32
      %lt3A_122 = arith.constant 156 : i32
      %lt3A_123 = arith.cmpi slt, %add3A_121, %lt3A_122 : i32
      %convert_element_type3A_124 = arith.extui %lt3A_123 : i1 to i32
      %cond3A_125 = arith.constant 0 : i32
      %cond3A_126 = arith.cmpi ne, %convert_element_type3A_124, %cond3A_125 : i32
      scf.if %cond3A_126 {
        %dma_wait3A_194 = arith.constant 0 : i32
        %dma_wait3A_195 = tpu.memref_slice %arg3[%dma_wait3A_194] : memref<320000xi32, #tpu.memory_space<hbm>> -> memref<64xi32, #tpu.memory_space<hbm>>
        %dma_wait3A_196 = arith.constant 0 : i32
        %dma_wait3A_197 = tpu.memref_slice %arg3[%dma_wait3A_196] : memref<320000xi32, #tpu.memory_space<hbm>> -> memref<64xi32, #tpu.memory_space<hbm>>
        tpu.wait_dma2 semaphore(%arg28 : memref<!tpu.dma_semaphore, #tpu.memory_space<semaphore_mem>>) src(%dma_wait3A_197 : memref<64xi32, #tpu.memory_space<hbm>>) dst(%arg7 : memref<64xi32, #tpu.memory_space<vmem>>)
        %dma_wait3A_198 = arith.constant 0 : i32
        %dma_wait3A_199 = tpu.memref_slice %arg4[%dma_wait3A_198] : memref<320000xi32, #tpu.memory_space<hbm>> -> memref<64xi32, #tpu.memory_space<hbm>>
        %dma_wait3A_200 = arith.constant 0 : i32
        %dma_wait3A_201 = tpu.memref_slice %arg4[%dma_wait3A_200] : memref<320000xi32, #tpu.memory_space<hbm>> -> memref<64xi32, #tpu.memory_space<hbm>>
        tpu.wait_dma2 semaphore(%arg28 : memref<!tpu.dma_semaphore, #tpu.memory_space<semaphore_mem>>) src(%dma_wait3A_201 : memref<64xi32, #tpu.memory_space<hbm>>) dst(%arg13 : memref<64xi32, #tpu.memory_space<vmem>>)
        %dma_start3A_202 = arith.constant 0 : i32
        %dma_start3A_203 = arith.constant 0 : i32
        %dma_start3A_204 = tpu.memref_slice %arg2[%dma_start3A_202, %dma_start3A_203] : memref<10000x128xf32, #tpu.memory_space<hbm>> -> memref<10000x128xf32, #tpu.memory_space<hbm>>
        tpu.enqueue_indirect_dma source(%dma_start3A_204 : memref<10000x128xf32, #tpu.memory_space<hbm>>) target(%arg19 : memref<64x128xf32, #tpu.memory_space<vmem>>) offsets(%arg7 : memref<64xi32, #tpu.memory_space<vmem>>) semaphore(%arg34 : memref<!tpu.dma_semaphore, #tpu.memory_space<semaphore_mem>>)
      } else {
      }
      %dma_wait3A_127 = arith.constant 0 : i32
      %dma_wait3A_128 = arith.constant 0 : i32
      %dma_wait3A_129 = tpu.memref_slice %arg2[%dma_wait3A_127, %dma_wait3A_128] : memref<10000x128xf32, #tpu.memory_space<hbm>> -> memref<10000x128xf32, #tpu.memory_space<hbm>>
      tpu.wait_indirect_dma semaphore(%arg36 : memref<!tpu.dma_semaphore, #tpu.memory_space<semaphore_mem>>) src(%dma_wait3A_129 : memref<10000x128xf32, #tpu.memory_space<hbm>>) dst(%arg21 : memref<64x128xf32, #tpu.memory_space<vmem>>)
      "tpu.region"() ({
        %run_scoped3A = tpu.sem_alloc : memref<!tpu.dma_semaphore, #tpu.memory_space<semaphore_mem>>
        %dma_start3A_194 = arith.constant 0 : i32
        %dma_start3A_195 = arith.constant 0 : i32
        %dma_start3A_196 = tpu.memref_slice %arg27[%dma_start3A_194, %dma_start3A_195] : memref<10000x128xf32, #tpu.memory_space<vmem_shared>> -> memref<10000x128xf32, #tpu.memory_space<vmem_shared>>
        tpu.enqueue_indirect_dma source(%arg21 : memref<64x128xf32, #tpu.memory_space<vmem>>) target(%dma_start3A_196 : memref<10000x128xf32, #tpu.memory_space<vmem_shared>>) offsets(%arg15 : memref<64xi32, #tpu.memory_space<vmem>>) semaphore(%run_scoped3A : memref<!tpu.dma_semaphore, #tpu.memory_space<semaphore_mem>>) {add = true}
        %dma_wait3A_197 = arith.constant 0 : i32
        %dma_wait3A_198 = arith.constant 0 : i32
        %dma_wait3A_199 = tpu.memref_slice %arg27[%dma_wait3A_197, %dma_wait3A_198] : memref<10000x128xf32, #tpu.memory_space<vmem_shared>> -> memref<10000x128xf32, #tpu.memory_space<vmem_shared>>
        tpu.wait_indirect_dma semaphore(%run_scoped3A : memref<!tpu.dma_semaphore, #tpu.memory_space<semaphore_mem>>) src(%arg21 : memref<64x128xf32, #tpu.memory_space<vmem>>) dst(%dma_wait3A_199 : memref<10000x128xf32, #tpu.memory_space<vmem_shared>>)
        tpu.yield
      }) : () -> ()
      %add3A_130 = arith.constant 6 : i32
      %add3A_131 = arith.addi %add3A_119, %add3A_130 : i32
      %lt3A_132 = arith.constant 156 : i32
      %lt3A_133 = arith.cmpi slt, %add3A_131, %lt3A_132 : i32
      %convert_element_type3A_134 = arith.extui %lt3A_133 : i1 to i32
      %cond3A_135 = arith.constant 0 : i32
      %cond3A_136 = arith.cmpi ne, %convert_element_type3A_134, %cond3A_135 : i32
      scf.if %cond3A_136 {
        %add3A_194 = arith.constant 6 : i32
        %add3A_195 = arith.addi %add3A_119, %add3A_194 : i32
        %mul3A_196 = arith.constant 64 : i32
        %mul3A_197 = arith.muli %add3A_195, %mul3A_196 : i32
        %add3A_198 = arith.addi %mul3A_6, %mul3A_197 : i32
        %dma_start3A_199 = tpu.memref_slice %arg3[%add3A_198] : memref<320000xi32, #tpu.memory_space<hbm>> -> memref<64xi32, #tpu.memory_space<hbm>>
        %dma_start3A_200 = tpu.memref_slice %arg3[%add3A_198] : memref<320000xi32, #tpu.memory_space<hbm>> -> memref<64xi32, #tpu.memory_space<hbm>>
        tpu.enqueue_dma source(%dma_start3A_200 : memref<64xi32, #tpu.memory_space<hbm>>) target(%arg9 : memref<64xi32, #tpu.memory_space<vmem>>) target_semaphore(%arg30 : memref<!tpu.dma_semaphore, #tpu.memory_space<semaphore_mem>>)
        %dma_start3A_201 = tpu.memref_slice %arg4[%add3A_198] : memref<320000xi32, #tpu.memory_space<hbm>> -> memref<64xi32, #tpu.memory_space<hbm>>
        %dma_start3A_202 = tpu.memref_slice %arg4[%add3A_198] : memref<320000xi32, #tpu.memory_space<hbm>> -> memref<64xi32, #tpu.memory_space<hbm>>
        tpu.enqueue_dma source(%dma_start3A_202 : memref<64xi32, #tpu.memory_space<hbm>>) target(%arg15 : memref<64xi32, #tpu.memory_space<vmem>>) target_semaphore(%arg30 : memref<!tpu.dma_semaphore, #tpu.memory_space<semaphore_mem>>)
      } else {
      }
      %add3A_137 = arith.constant 3 : i32
      %add3A_138 = arith.addi %add3A_80, %add3A_137 : i32
      %add3A_139 = arith.constant 4 : i32
      %add3A_140 = arith.addi %add3A_138, %add3A_139 : i32
      %lt3A_141 = arith.constant 156 : i32
      %lt3A_142 = arith.cmpi slt, %add3A_140, %lt3A_141 : i32
      %convert_element_type3A_143 = arith.extui %lt3A_142 : i1 to i32
      %cond3A_144 = arith.constant 0 : i32
      %cond3A_145 = arith.cmpi ne, %convert_element_type3A_143, %cond3A_144 : i32
      scf.if %cond3A_145 {
        %dma_wait3A_194 = arith.constant 0 : i32
        %dma_wait3A_195 = tpu.memref_slice %arg3[%dma_wait3A_194] : memref<320000xi32, #tpu.memory_space<hbm>> -> memref<64xi32, #tpu.memory_space<hbm>>
        %dma_wait3A_196 = arith.constant 0 : i32
        %dma_wait3A_197 = tpu.memref_slice %arg3[%dma_wait3A_196] : memref<320000xi32, #tpu.memory_space<hbm>> -> memref<64xi32, #tpu.memory_space<hbm>>
        tpu.wait_dma2 semaphore(%arg29 : memref<!tpu.dma_semaphore, #tpu.memory_space<semaphore_mem>>) src(%dma_wait3A_197 : memref<64xi32, #tpu.memory_space<hbm>>) dst(%arg8 : memref<64xi32, #tpu.memory_space<vmem>>)
        %dma_wait3A_198 = arith.constant 0 : i32
        %dma_wait3A_199 = tpu.memref_slice %arg4[%dma_wait3A_198] : memref<320000xi32, #tpu.memory_space<hbm>> -> memref<64xi32, #tpu.memory_space<hbm>>
        %dma_wait3A_200 = arith.constant 0 : i32
        %dma_wait3A_201 = tpu.memref_slice %arg4[%dma_wait3A_200] : memref<320000xi32, #tpu.memory_space<hbm>> -> memref<64xi32, #tpu.memory_space<hbm>>
        tpu.wait_dma2 semaphore(%arg29 : memref<!tpu.dma_semaphore, #tpu.memory_space<semaphore_mem>>) src(%dma_wait3A_201 : memref<64xi32, #tpu.memory_space<hbm>>) dst(%arg14 : memref<64xi32, #tpu.memory_space<vmem>>)
        %dma_start3A_202 = arith.constant 0 : i32
        %dma_start3A_203 = arith.constant 0 : i32
        %dma_start3A_204 = tpu.memref_slice %arg2[%dma_start3A_202, %dma_start3A_203] : memref<10000x128xf32, #tpu.memory_space<hbm>> -> memref<10000x128xf32, #tpu.memory_space<hbm>>
        tpu.enqueue_indirect_dma source(%dma_start3A_204 : memref<10000x128xf32, #tpu.memory_space<hbm>>) target(%arg20 : memref<64x128xf32, #tpu.memory_space<vmem>>) offsets(%arg8 : memref<64xi32, #tpu.memory_space<vmem>>) semaphore(%arg35 : memref<!tpu.dma_semaphore, #tpu.memory_space<semaphore_mem>>)
      } else {
      }
      %dma_wait3A_146 = arith.constant 0 : i32
      %dma_wait3A_147 = arith.constant 0 : i32
      %dma_wait3A_148 = tpu.memref_slice %arg2[%dma_wait3A_146, %dma_wait3A_147] : memref<10000x128xf32, #tpu.memory_space<hbm>> -> memref<10000x128xf32, #tpu.memory_space<hbm>>
      tpu.wait_indirect_dma semaphore(%arg37 : memref<!tpu.dma_semaphore, #tpu.memory_space<semaphore_mem>>) src(%dma_wait3A_148 : memref<10000x128xf32, #tpu.memory_space<hbm>>) dst(%arg22 : memref<64x128xf32, #tpu.memory_space<vmem>>)
      "tpu.region"() ({
        %run_scoped3A = tpu.sem_alloc : memref<!tpu.dma_semaphore, #tpu.memory_space<semaphore_mem>>
        %dma_start3A_194 = arith.constant 0 : i32
        %dma_start3A_195 = arith.constant 0 : i32
        %dma_start3A_196 = tpu.memref_slice %arg27[%dma_start3A_194, %dma_start3A_195] : memref<10000x128xf32, #tpu.memory_space<vmem_shared>> -> memref<10000x128xf32, #tpu.memory_space<vmem_shared>>
        tpu.enqueue_indirect_dma source(%arg22 : memref<64x128xf32, #tpu.memory_space<vmem>>) target(%dma_start3A_196 : memref<10000x128xf32, #tpu.memory_space<vmem_shared>>) offsets(%arg16 : memref<64xi32, #tpu.memory_space<vmem>>) semaphore(%run_scoped3A : memref<!tpu.dma_semaphore, #tpu.memory_space<semaphore_mem>>) {add = true}
        %dma_wait3A_197 = arith.constant 0 : i32
        %dma_wait3A_198 = arith.constant 0 : i32
        %dma_wait3A_199 = tpu.memref_slice %arg27[%dma_wait3A_197, %dma_wait3A_198] : memref<10000x128xf32, #tpu.memory_space<vmem_shared>> -> memref<10000x128xf32, #tpu.memory_space<vmem_shared>>
        tpu.wait_indirect_dma semaphore(%run_scoped3A : memref<!tpu.dma_semaphore, #tpu.memory_space<semaphore_mem>>) src(%arg22 : memref<64x128xf32, #tpu.memory_space<vmem>>) dst(%dma_wait3A_199 : memref<10000x128xf32, #tpu.memory_space<vmem_shared>>)
        tpu.yield
      }) : () -> ()
      %add3A_149 = arith.constant 6 : i32
      %add3A_150 = arith.addi %add3A_138, %add3A_149 : i32
      %lt3A_151 = arith.constant 156 : i32
      %lt3A_152 = arith.cmpi slt, %add3A_150, %lt3A_151 : i32
      %convert_element_type3A_153 = arith.extui %lt3A_152 : i1 to i32
      %cond3A_154 = arith.constant 0 : i32
      %cond3A_155 = arith.cmpi ne, %convert_element_type3A_153, %cond3A_154 : i32
      scf.if %cond3A_155 {
        %add3A_194 = arith.constant 6 : i32
        %add3A_195 = arith.addi %add3A_138, %add3A_194 : i32
        %mul3A_196 = arith.constant 64 : i32
        %mul3A_197 = arith.muli %add3A_195, %mul3A_196 : i32
        %add3A_198 = arith.addi %mul3A_6, %mul3A_197 : i32
        %dma_start3A_199 = tpu.memref_slice %arg3[%add3A_198] : memref<320000xi32, #tpu.memory_space<hbm>> -> memref<64xi32, #tpu.memory_space<hbm>>
        %dma_start3A_200 = tpu.memref_slice %arg3[%add3A_198] : memref<320000xi32, #tpu.memory_space<hbm>> -> memref<64xi32, #tpu.memory_space<hbm>>
        tpu.enqueue_dma source(%dma_start3A_200 : memref<64xi32, #tpu.memory_space<hbm>>) target(%arg10 : memref<64xi32, #tpu.memory_space<vmem>>) target_semaphore(%arg31 : memref<!tpu.dma_semaphore, #tpu.memory_space<semaphore_mem>>)
        %dma_start3A_201 = tpu.memref_slice %arg4[%add3A_198] : memref<320000xi32, #tpu.memory_space<hbm>> -> memref<64xi32, #tpu.memory_space<hbm>>
        %dma_start3A_202 = tpu.memref_slice %arg4[%add3A_198] : memref<320000xi32, #tpu.memory_space<hbm>> -> memref<64xi32, #tpu.memory_space<hbm>>
        tpu.enqueue_dma source(%dma_start3A_202 : memref<64xi32, #tpu.memory_space<hbm>>) target(%arg16 : memref<64xi32, #tpu.memory_space<vmem>>) target_semaphore(%arg31 : memref<!tpu.dma_semaphore, #tpu.memory_space<semaphore_mem>>)
      } else {
      }
      %add3A_156 = arith.constant 4 : i32
      %add3A_157 = arith.addi %add3A_80, %add3A_156 : i32
      %add3A_158 = arith.constant 4 : i32
      %add3A_159 = arith.addi %add3A_157, %add3A_158 : i32
      %lt3A_160 = arith.constant 156 : i32
      %lt3A_161 = arith.cmpi slt, %add3A_159, %lt3A_160 : i32
      %convert_element_type3A_162 = arith.extui %lt3A_161 : i1 to i32
      %cond3A_163 = arith.constant 0 : i32
      %cond3A_164 = arith.cmpi ne, %convert_element_type3A_162, %cond3A_163 : i32
      scf.if %cond3A_164 {
        %dma_wait3A_194 = arith.constant 0 : i32
        %dma_wait3A_195 = tpu.memref_slice %arg3[%dma_wait3A_194] : memref<320000xi32, #tpu.memory_space<hbm>> -> memref<64xi32, #tpu.memory_space<hbm>>
        %dma_wait3A_196 = arith.constant 0 : i32
        %dma_wait3A_197 = tpu.memref_slice %arg3[%dma_wait3A_196] : memref<320000xi32, #tpu.memory_space<hbm>> -> memref<64xi32, #tpu.memory_space<hbm>>
        tpu.wait_dma2 semaphore(%arg30 : memref<!tpu.dma_semaphore, #tpu.memory_space<semaphore_mem>>) src(%dma_wait3A_197 : memref<64xi32, #tpu.memory_space<hbm>>) dst(%arg9 : memref<64xi32, #tpu.memory_space<vmem>>)
        %dma_wait3A_198 = arith.constant 0 : i32
        %dma_wait3A_199 = tpu.memref_slice %arg4[%dma_wait3A_198] : memref<320000xi32, #tpu.memory_space<hbm>> -> memref<64xi32, #tpu.memory_space<hbm>>
        %dma_wait3A_200 = arith.constant 0 : i32
        %dma_wait3A_201 = tpu.memref_slice %arg4[%dma_wait3A_200] : memref<320000xi32, #tpu.memory_space<hbm>> -> memref<64xi32, #tpu.memory_space<hbm>>
        tpu.wait_dma2 semaphore(%arg30 : memref<!tpu.dma_semaphore, #tpu.memory_space<semaphore_mem>>) src(%dma_wait3A_201 : memref<64xi32, #tpu.memory_space<hbm>>) dst(%arg15 : memref<64xi32, #tpu.memory_space<vmem>>)
        %dma_start3A_202 = arith.constant 0 : i32
        %dma_start3A_203 = arith.constant 0 : i32
        %dma_start3A_204 = tpu.memref_slice %arg2[%dma_start3A_202, %dma_start3A_203] : memref<10000x128xf32, #tpu.memory_space<hbm>> -> memref<10000x128xf32, #tpu.memory_space<hbm>>
        tpu.enqueue_indirect_dma source(%dma_start3A_204 : memref<10000x128xf32, #tpu.memory_space<hbm>>) target(%arg21 : memref<64x128xf32, #tpu.memory_space<vmem>>) offsets(%arg9 : memref<64xi32, #tpu.memory_space<vmem>>) semaphore(%arg36 : memref<!tpu.dma_semaphore, #tpu.memory_space<semaphore_mem>>)
      } else {
      }
      %dma_wait3A_165 = arith.constant 0 : i32
      %dma_wait3A_166 = arith.constant 0 : i32
      %dma_wait3A_167 = tpu.memref_slice %arg2[%dma_wait3A_165, %dma_wait3A_166] : memref<10000x128xf32, #tpu.memory_space<hbm>> -> memref<10000x128xf32, #tpu.memory_space<hbm>>
      tpu.wait_indirect_dma semaphore(%arg38 : memref<!tpu.dma_semaphore, #tpu.memory_space<semaphore_mem>>) src(%dma_wait3A_167 : memref<10000x128xf32, #tpu.memory_space<hbm>>) dst(%arg23 : memref<64x128xf32, #tpu.memory_space<vmem>>)
      "tpu.region"() ({
        %run_scoped3A = tpu.sem_alloc : memref<!tpu.dma_semaphore, #tpu.memory_space<semaphore_mem>>
        %dma_start3A_194 = arith.constant 0 : i32
        %dma_start3A_195 = arith.constant 0 : i32
        %dma_start3A_196 = tpu.memref_slice %arg27[%dma_start3A_194, %dma_start3A_195] : memref<10000x128xf32, #tpu.memory_space<vmem_shared>> -> memref<10000x128xf32, #tpu.memory_space<vmem_shared>>
        tpu.enqueue_indirect_dma source(%arg23 : memref<64x128xf32, #tpu.memory_space<vmem>>) target(%dma_start3A_196 : memref<10000x128xf32, #tpu.memory_space<vmem_shared>>) offsets(%arg17 : memref<64xi32, #tpu.memory_space<vmem>>) semaphore(%run_scoped3A : memref<!tpu.dma_semaphore, #tpu.memory_space<semaphore_mem>>) {add = true}
        %dma_wait3A_197 = arith.constant 0 : i32
        %dma_wait3A_198 = arith.constant 0 : i32
        %dma_wait3A_199 = tpu.memref_slice %arg27[%dma_wait3A_197, %dma_wait3A_198] : memref<10000x128xf32, #tpu.memory_space<vmem_shared>> -> memref<10000x128xf32, #tpu.memory_space<vmem_shared>>
        tpu.wait_indirect_dma semaphore(%run_scoped3A : memref<!tpu.dma_semaphore, #tpu.memory_space<semaphore_mem>>) src(%arg23 : memref<64x128xf32, #tpu.memory_space<vmem>>) dst(%dma_wait3A_199 : memref<10000x128xf32, #tpu.memory_space<vmem_shared>>)
        tpu.yield
      }) : () -> ()
      %add3A_168 = arith.constant 6 : i32
      %add3A_169 = arith.addi %add3A_157, %add3A_168 : i32
      %lt3A_170 = arith.constant 156 : i32
      %lt3A_171 = arith.cmpi slt, %add3A_169, %lt3A_170 : i32
      %convert_element_type3A_172 = arith.extui %lt3A_171 : i1 to i32
      %cond3A_173 = arith.constant 0 : i32
      %cond3A_174 = arith.cmpi ne, %convert_element_type3A_172, %cond3A_173 : i32
      scf.if %cond3A_174 {
        %add3A_194 = arith.constant 6 : i32
        %add3A_195 = arith.addi %add3A_157, %add3A_194 : i32
        %mul3A_196 = arith.constant 64 : i32
        %mul3A_197 = arith.muli %add3A_195, %mul3A_196 : i32
        %add3A_198 = arith.addi %mul3A_6, %mul3A_197 : i32
        %dma_start3A_199 = tpu.memref_slice %arg3[%add3A_198] : memref<320000xi32, #tpu.memory_space<hbm>> -> memref<64xi32, #tpu.memory_space<hbm>>
        %dma_start3A_200 = tpu.memref_slice %arg3[%add3A_198] : memref<320000xi32, #tpu.memory_space<hbm>> -> memref<64xi32, #tpu.memory_space<hbm>>
        tpu.enqueue_dma source(%dma_start3A_200 : memref<64xi32, #tpu.memory_space<hbm>>) target(%arg11 : memref<64xi32, #tpu.memory_space<vmem>>) target_semaphore(%arg32 : memref<!tpu.dma_semaphore, #tpu.memory_space<semaphore_mem>>)
        %dma_start3A_201 = tpu.memref_slice %arg4[%add3A_198] : memref<320000xi32, #tpu.memory_space<hbm>> -> memref<64xi32, #tpu.memory_space<hbm>>
        %dma_start3A_202 = tpu.memref_slice %arg4[%add3A_198] : memref<320000xi32, #tpu.memory_space<hbm>> -> memref<64xi32, #tpu.memory_space<hbm>>
        tpu.enqueue_dma source(%dma_start3A_202 : memref<64xi32, #tpu.memory_space<hbm>>) target(%arg17 : memref<64xi32, #tpu.memory_space<vmem>>) target_semaphore(%arg32 : memref<!tpu.dma_semaphore, #tpu.memory_space<semaphore_mem>>)
      } else {
      }
      %add3A_175 = arith.constant 5 : i32
      %add3A_176 = arith.addi %add3A_80, %add3A_175 : i32
      %add3A_177 = arith.constant 4 : i32
      %add3A_178 = arith.addi %add3A_176, %add3A_177 : i32
      %lt3A_179 = arith.constant 156 : i32
      %lt3A_180 = arith.cmpi slt, %add3A_178, %lt3A_179 : i32
      %convert_element_type3A_181 = arith.extui %lt3A_180 : i1 to i32
      %cond3A_182 = arith.constant 0 : i32
      %cond3A_183 = arith.cmpi ne, %convert_element_type3A_181, %cond3A_182 : i32
      scf.if %cond3A_183 {
        %dma_wait3A_194 = arith.constant 0 : i32
        %dma_wait3A_195 = tpu.memref_slice %arg3[%dma_wait3A_194] : memref<320000xi32, #tpu.memory_space<hbm>> -> memref<64xi32, #tpu.memory_space<hbm>>
        %dma_wait3A_196 = arith.constant 0 : i32
        %dma_wait3A_197 = tpu.memref_slice %arg3[%dma_wait3A_196] : memref<320000xi32, #tpu.memory_space<hbm>> -> memref<64xi32, #tpu.memory_space<hbm>>
        tpu.wait_dma2 semaphore(%arg31 : memref<!tpu.dma_semaphore, #tpu.memory_space<semaphore_mem>>) src(%dma_wait3A_197 : memref<64xi32, #tpu.memory_space<hbm>>) dst(%arg10 : memref<64xi32, #tpu.memory_space<vmem>>)
        %dma_wait3A_198 = arith.constant 0 : i32
        %dma_wait3A_199 = tpu.memref_slice %arg4[%dma_wait3A_198] : memref<320000xi32, #tpu.memory_space<hbm>> -> memref<64xi32, #tpu.memory_space<hbm>>
        %dma_wait3A_200 = arith.constant 0 : i32
        %dma_wait3A_201 = tpu.memref_slice %arg4[%dma_wait3A_200] : memref<320000xi32, #tpu.memory_space<hbm>> -> memref<64xi32, #tpu.memory_space<hbm>>
        tpu.wait_dma2 semaphore(%arg31 : memref<!tpu.dma_semaphore, #tpu.memory_space<semaphore_mem>>) src(%dma_wait3A_201 : memref<64xi32, #tpu.memory_space<hbm>>) dst(%arg16 : memref<64xi32, #tpu.memory_space<vmem>>)
        %dma_start3A_202 = arith.constant 0 : i32
        %dma_start3A_203 = arith.constant 0 : i32
        %dma_start3A_204 = tpu.memref_slice %arg2[%dma_start3A_202, %dma_start3A_203] : memref<10000x128xf32, #tpu.memory_space<hbm>> -> memref<10000x128xf32, #tpu.memory_space<hbm>>
        tpu.enqueue_indirect_dma source(%dma_start3A_204 : memref<10000x128xf32, #tpu.memory_space<hbm>>) target(%arg22 : memref<64x128xf32, #tpu.memory_space<vmem>>) offsets(%arg10 : memref<64xi32, #tpu.memory_space<vmem>>) semaphore(%arg37 : memref<!tpu.dma_semaphore, #tpu.memory_space<semaphore_mem>>)
      } else {
      }
      %dma_wait3A_184 = arith.constant 0 : i32
      %dma_wait3A_185 = arith.constant 0 : i32
      %dma_wait3A_186 = tpu.memref_slice %arg2[%dma_wait3A_184, %dma_wait3A_185] : memref<10000x128xf32, #tpu.memory_space<hbm>> -> memref<10000x128xf32, #tpu.memory_space<hbm>>
      tpu.wait_indirect_dma semaphore(%arg39 : memref<!tpu.dma_semaphore, #tpu.memory_space<semaphore_mem>>) src(%dma_wait3A_186 : memref<10000x128xf32, #tpu.memory_space<hbm>>) dst(%arg24 : memref<64x128xf32, #tpu.memory_space<vmem>>)
      "tpu.region"() ({
        %run_scoped3A = tpu.sem_alloc : memref<!tpu.dma_semaphore, #tpu.memory_space<semaphore_mem>>
        %dma_start3A_194 = arith.constant 0 : i32
        %dma_start3A_195 = arith.constant 0 : i32
        %dma_start3A_196 = tpu.memref_slice %arg27[%dma_start3A_194, %dma_start3A_195] : memref<10000x128xf32, #tpu.memory_space<vmem_shared>> -> memref<10000x128xf32, #tpu.memory_space<vmem_shared>>
        tpu.enqueue_indirect_dma source(%arg24 : memref<64x128xf32, #tpu.memory_space<vmem>>) target(%dma_start3A_196 : memref<10000x128xf32, #tpu.memory_space<vmem_shared>>) offsets(%arg18 : memref<64xi32, #tpu.memory_space<vmem>>) semaphore(%run_scoped3A : memref<!tpu.dma_semaphore, #tpu.memory_space<semaphore_mem>>) {add = true}
        %dma_wait3A_197 = arith.constant 0 : i32
        %dma_wait3A_198 = arith.constant 0 : i32
        %dma_wait3A_199 = tpu.memref_slice %arg27[%dma_wait3A_197, %dma_wait3A_198] : memref<10000x128xf32, #tpu.memory_space<vmem_shared>> -> memref<10000x128xf32, #tpu.memory_space<vmem_shared>>
        tpu.wait_indirect_dma semaphore(%run_scoped3A : memref<!tpu.dma_semaphore, #tpu.memory_space<semaphore_mem>>) src(%arg24 : memref<64x128xf32, #tpu.memory_space<vmem>>) dst(%dma_wait3A_199 : memref<10000x128xf32, #tpu.memory_space<vmem_shared>>)
        tpu.yield
      }) : () -> ()
      %add3A_187 = arith.constant 6 : i32
      %add3A_188 = arith.addi %add3A_176, %add3A_187 : i32
      %lt3A_189 = arith.constant 156 : i32
      %lt3A_190 = arith.cmpi slt, %add3A_188, %lt3A_189 : i32
      %convert_element_type3A_191 = arith.extui %lt3A_190 : i1 to i32
      %cond3A_192 = arith.constant 0 : i32
      %cond3A_193 = arith.cmpi ne, %convert_element_type3A_191, %cond3A_192 : i32
      scf.if %cond3A_193 {
        %add3A_194 = arith.constant 6 : i32
        %add3A_195 = arith.addi %add3A_176, %add3A_194 : i32
        %mul3A_196 = arith.constant 64 : i32
        %mul3A_197 = arith.muli %add3A_195, %mul3A_196 : i32
        %add3A_198 = arith.addi %mul3A_6, %mul3A_197 : i32
        %dma_start3A_199 = tpu.memref_slice %arg3[%add3A_198] : memref<320000xi32, #tpu.memory_space<hbm>> -> memref<64xi32, #tpu.memory_space<hbm>>
        %dma_start3A_200 = tpu.memref_slice %arg3[%add3A_198] : memref<320000xi32, #tpu.memory_space<hbm>> -> memref<64xi32, #tpu.memory_space<hbm>>
        tpu.enqueue_dma source(%dma_start3A_200 : memref<64xi32, #tpu.memory_space<hbm>>) target(%arg12 : memref<64xi32, #tpu.memory_space<vmem>>) target_semaphore(%arg33 : memref<!tpu.dma_semaphore, #tpu.memory_space<semaphore_mem>>)
        %dma_start3A_201 = tpu.memref_slice %arg4[%add3A_198] : memref<320000xi32, #tpu.memory_space<hbm>> -> memref<64xi32, #tpu.memory_space<hbm>>
        %dma_start3A_202 = tpu.memref_slice %arg4[%add3A_198] : memref<320000xi32, #tpu.memory_space<hbm>> -> memref<64xi32, #tpu.memory_space<hbm>>
        tpu.enqueue_dma source(%dma_start3A_202 : memref<64xi32, #tpu.memory_space<hbm>>) target(%arg18 : memref<64xi32, #tpu.memory_space<vmem>>) target_semaphore(%arg33 : memref<!tpu.dma_semaphore, #tpu.memory_space<semaphore_mem>>)
      } else {
      }
    }
    %scan3A_49 = arith.constant 26 : i32
    %add3A_50 = arith.constant 9984 : i32
    %add3A_51 = arith.addi %mul3A_6, %add3A_50 : i32
    "tpu.region"() ({
      %run_scoped3A = tpu.sem_alloc : memref<!tpu.dma_semaphore, #tpu.memory_space<semaphore_mem>>
      %dma_start3A_76 = tpu.memref_slice %arg3[%add3A_51] : memref<320000xi32, #tpu.memory_space<hbm>> -> memref<16xi32, #tpu.memory_space<hbm>>
      %dma_start3A_77 = tpu.memref_slice %arg3[%add3A_51] : memref<320000xi32, #tpu.memory_space<hbm>> -> memref<16xi32, #tpu.memory_space<hbm>>
      tpu.enqueue_dma source(%dma_start3A_77 : memref<16xi32, #tpu.memory_space<hbm>>) target(%arg25 : memref<16xi32, #tpu.memory_space<vmem>>) target_semaphore(%run_scoped3A : memref<!tpu.dma_semaphore, #tpu.memory_space<semaphore_mem>>)
      %dma_wait3A_78 = tpu.memref_slice %arg3[%add3A_51] : memref<320000xi32, #tpu.memory_space<hbm>> -> memref<16xi32, #tpu.memory_space<hbm>>
      %dma_wait3A_79 = tpu.memref_slice %arg3[%add3A_51] : memref<320000xi32, #tpu.memory_space<hbm>> -> memref<16xi32, #tpu.memory_space<hbm>>
      tpu.wait_dma2 semaphore(%run_scoped3A : memref<!tpu.dma_semaphore, #tpu.memory_space<semaphore_mem>>) src(%dma_wait3A_79 : memref<16xi32, #tpu.memory_space<hbm>>) dst(%arg25 : memref<16xi32, #tpu.memory_space<vmem>>)
      tpu.yield
    }) : () -> ()
    "tpu.region"() ({
      %run_scoped3A = tpu.sem_alloc : memref<!tpu.dma_semaphore, #tpu.memory_space<semaphore_mem>>
      %dma_start3A_76 = tpu.memref_slice %arg4[%add3A_51] : memref<320000xi32, #tpu.memory_space<hbm>> -> memref<16xi32, #tpu.memory_space<hbm>>
      %dma_start3A_77 = tpu.memref_slice %arg4[%add3A_51] : memref<320000xi32, #tpu.memory_space<hbm>> -> memref<16xi32, #tpu.memory_space<hbm>>
      tpu.enqueue_dma source(%dma_start3A_77 : memref<16xi32, #tpu.memory_space<hbm>>) target(%arg26 : memref<16xi32, #tpu.memory_space<vmem>>) target_semaphore(%run_scoped3A : memref<!tpu.dma_semaphore, #tpu.memory_space<semaphore_mem>>)
      %dma_wait3A_78 = tpu.memref_slice %arg4[%add3A_51] : memref<320000xi32, #tpu.memory_space<hbm>> -> memref<16xi32, #tpu.memory_space<hbm>>
      %dma_wait3A_79 = tpu.memref_slice %arg4[%add3A_51] : memref<320000xi32, #tpu.memory_space<hbm>> -> memref<16xi32, #tpu.memory_space<hbm>>
      tpu.wait_dma2 semaphore(%run_scoped3A : memref<!tpu.dma_semaphore, #tpu.memory_space<semaphore_mem>>) src(%dma_wait3A_79 : memref<16xi32, #tpu.memory_space<hbm>>) dst(%arg26 : memref<16xi32, #tpu.memory_space<vmem>>)
      tpu.yield
    }) : () -> ()
    %dma_start3A_52 = arith.constant 0 : i32
    %dma_start3A_53 = arith.constant 0 : i32
    %dma_start3A_54 = tpu.memref_slice %arg19[%dma_start3A_52, %dma_start3A_53] : memref<64x128xf32, #tpu.memory_space<vmem>> -> memref<16x128xf32, #tpu.memory_space<vmem>>
    %dma_start3A_55 = arith.constant 0 : i32
    %dma_start3A_56 = arith.constant 0 : i32
    %dma_start3A_57 = tpu.memref_slice %arg2[%dma_start3A_55, %dma_start3A_56] : memref<10000x128xf32, #tpu.memory_space<hbm>> -> memref<10000x128xf32, #tpu.memory_space<hbm>>
    tpu.enqueue_indirect_dma source(%dma_start3A_57 : memref<10000x128xf32, #tpu.memory_space<hbm>>) target(%dma_start3A_54 : memref<16x128xf32, #tpu.memory_space<vmem>>) offsets(%arg25 : memref<16xi32, #tpu.memory_space<vmem>>) semaphore(%arg34 : memref<!tpu.dma_semaphore, #tpu.memory_space<semaphore_mem>>)
    %dma_wait3A = arith.constant 0 : i32
    %dma_wait3A_58 = arith.constant 0 : i32
    %dma_wait3A_59 = tpu.memref_slice %arg19[%dma_wait3A, %dma_wait3A_58] : memref<64x128xf32, #tpu.memory_space<vmem>> -> memref<16x128xf32, #tpu.memory_space<vmem>>
    %dma_wait3A_60 = arith.constant 0 : i32
    %dma_wait3A_61 = arith.constant 0 : i32
    %dma_wait3A_62 = tpu.memref_slice %arg2[%dma_wait3A_60, %dma_wait3A_61] : memref<10000x128xf32, #tpu.memory_space<hbm>> -> memref<10000x128xf32, #tpu.memory_space<hbm>>
    tpu.wait_indirect_dma semaphore(%arg34 : memref<!tpu.dma_semaphore, #tpu.memory_space<semaphore_mem>>) src(%dma_wait3A_62 : memref<10000x128xf32, #tpu.memory_space<hbm>>) dst(%dma_wait3A_59 : memref<16x128xf32, #tpu.memory_space<vmem>>)
    "tpu.region"() ({
      %run_scoped3A = tpu.sem_alloc : memref<!tpu.dma_semaphore, #tpu.memory_space<semaphore_mem>>
      %dma_start3A_76 = arith.constant 0 : i32
      %dma_start3A_77 = arith.constant 0 : i32
      %dma_start3A_78 = tpu.memref_slice %arg19[%dma_start3A_76, %dma_start3A_77] : memref<64x128xf32, #tpu.memory_space<vmem>> -> memref<16x128xf32, #tpu.memory_space<vmem>>
      %dma_start3A_79 = arith.constant 0 : i32
      %dma_start3A_80 = arith.constant 0 : i32
      %dma_start3A_81 = tpu.memref_slice %arg27[%dma_start3A_79, %dma_start3A_80] : memref<10000x128xf32, #tpu.memory_space<vmem_shared>> -> memref<10000x128xf32, #tpu.memory_space<vmem_shared>>
      tpu.enqueue_indirect_dma source(%dma_start3A_78 : memref<16x128xf32, #tpu.memory_space<vmem>>) target(%dma_start3A_81 : memref<10000x128xf32, #tpu.memory_space<vmem_shared>>) offsets(%arg26 : memref<16xi32, #tpu.memory_space<vmem>>) semaphore(%run_scoped3A : memref<!tpu.dma_semaphore, #tpu.memory_space<semaphore_mem>>) {add = true}
      %dma_wait3A_82 = arith.constant 0 : i32
      %dma_wait3A_83 = arith.constant 0 : i32
      %dma_wait3A_84 = tpu.memref_slice %arg19[%dma_wait3A_82, %dma_wait3A_83] : memref<64x128xf32, #tpu.memory_space<vmem>> -> memref<16x128xf32, #tpu.memory_space<vmem>>
      %dma_wait3A_85 = arith.constant 0 : i32
      %dma_wait3A_86 = arith.constant 0 : i32
      %dma_wait3A_87 = tpu.memref_slice %arg27[%dma_wait3A_85, %dma_wait3A_86] : memref<10000x128xf32, #tpu.memory_space<vmem_shared>> -> memref<10000x128xf32, #tpu.memory_space<vmem_shared>>
      tpu.wait_indirect_dma semaphore(%run_scoped3A : memref<!tpu.dma_semaphore, #tpu.memory_space<semaphore_mem>>) src(%dma_wait3A_84 : memref<16x128xf32, #tpu.memory_space<vmem>>) dst(%dma_wait3A_87 : memref<10000x128xf32, #tpu.memory_space<vmem_shared>>)
      tpu.yield
    }) : () -> ()
    %barrier3A_63 = arith.constant 0 : index
    tpu.barrier barrier_id(%barrier3A_63)
    %mul3A_64 = arith.constant 10000 : i32
    %mul3A_65 = arith.muli %arg0, %mul3A_64 : i32
    %mul3A_66 = arith.constant 624 : i32
    %mul3A_67 = arith.muli %arg1, %mul3A_66 : i32
    %mul3A_68 = arith.constant 624 : i32
    %mul3A_69 = arith.muli %arg1, %mul3A_68 : i32
    %add3A_70 = arith.addi %mul3A_65, %mul3A_69 : i32
    "tpu.region"() ({
      %run_scoped3A = tpu.sem_alloc : memref<!tpu.dma_semaphore, #tpu.memory_space<semaphore_mem>>
      %dma_start3A_76 = arith.constant 0 : i32
      %dma_start3A_77 = tpu.memref_slice %arg6[%add3A_70, %dma_start3A_76] : memref<20000x128xf32, #tpu.memory_space<hbm>> -> memref<624x128xf32, #tpu.memory_space<hbm>>
      %dma_start3A_78 = arith.constant 0 : i32
      %dma_start3A_79 = tpu.memref_slice %arg27[%mul3A_67, %dma_start3A_78] : memref<10000x128xf32, #tpu.memory_space<vmem_shared>> -> memref<624x128xf32, #tpu.memory_space<vmem_shared>>
      tpu.enqueue_dma source(%dma_start3A_79 : memref<624x128xf32, #tpu.memory_space<vmem_shared>>) target(%dma_start3A_77 : memref<624x128xf32, #tpu.memory_space<hbm>>) target_semaphore(%run_scoped3A : memref<!tpu.dma_semaphore, #tpu.memory_space<semaphore_mem>>)
      %dma_wait3A_80 = arith.constant 0 : i32
      %dma_wait3A_81 = tpu.memref_slice %arg6[%add3A_70, %dma_wait3A_80] : memref<20000x128xf32, #tpu.memory_space<hbm>> -> memref<624x128xf32, #tpu.memory_space<hbm>>
      %dma_wait3A_82 = arith.constant 0 : i32
      %dma_wait3A_83 = tpu.memref_slice %arg27[%mul3A_67, %dma_wait3A_82] : memref<10000x128xf32, #tpu.memory_space<vmem_shared>> -> memref<624x128xf32, #tpu.memory_space<vmem_shared>>
      tpu.wait_dma2 semaphore(%run_scoped3A : memref<!tpu.dma_semaphore, #tpu.memory_space<semaphore_mem>>) src(%dma_wait3A_83 : memref<624x128xf32, #tpu.memory_space<vmem_shared>>) dst(%dma_wait3A_81 : memref<624x128xf32, #tpu.memory_space<hbm>>)
      tpu.yield
    }) : () -> ()
    %eq3A_71 = arith.constant 0 : i32
    %eq3A_72 = arith.cmpi eq, %arg1, %eq3A_71 : i32
    %convert_element_type3A_73 = arith.extui %eq3A_72 : i1 to i32
    %cond3A_74 = arith.constant 0 : i32
    %cond3A_75 = arith.cmpi ne, %convert_element_type3A_73, %cond3A_74 : i32
    scf.if %cond3A_75 {
      %add3A_76 = arith.constant 9984 : i32
      %add3A_77 = arith.addi %mul3A_65, %add3A_76 : i32
      "tpu.region"() ({
        %run_scoped3A = tpu.sem_alloc : memref<!tpu.dma_semaphore, #tpu.memory_space<semaphore_mem>>
        %dma_start3A_78 = arith.constant 0 : i32
        %dma_start3A_79 = tpu.memref_slice %arg6[%add3A_77, %dma_start3A_78] : memref<20000x128xf32, #tpu.memory_space<hbm>> -> memref<16x128xf32, #tpu.memory_space<hbm>>
        %dma_start3A_80 = arith.constant 9984 : i32
        %dma_start3A_81 = arith.constant 0 : i32
        %dma_start3A_82 = tpu.memref_slice %arg27[%dma_start3A_80, %dma_start3A_81] : memref<10000x128xf32, #tpu.memory_space<vmem_shared>> -> memref<16x128xf32, #tpu.memory_space<vmem_shared>>
        tpu.enqueue_dma source(%dma_start3A_82 : memref<16x128xf32, #tpu.memory_space<vmem_shared>>) target(%dma_start3A_79 : memref<16x128xf32, #tpu.memory_space<hbm>>) target_semaphore(%run_scoped3A : memref<!tpu.dma_semaphore, #tpu.memory_space<semaphore_mem>>)
        %dma_wait3A_83 = arith.constant 0 : i32
        %dma_wait3A_84 = tpu.memref_slice %arg6[%add3A_77, %dma_wait3A_83] : memref<20000x128xf32, #tpu.memory_space<hbm>> -> memref<16x128xf32, #tpu.memory_space<hbm>>
        %dma_wait3A_85 = arith.constant 9984 : i32
        %dma_wait3A_86 = arith.constant 0 : i32
        %dma_wait3A_87 = tpu.memref_slice %arg27[%dma_wait3A_85, %dma_wait3A_86] : memref<10000x128xf32, #tpu.memory_space<vmem_shared>> -> memref<16x128xf32, #tpu.memory_space<vmem_shared>>
        tpu.wait_dma2 semaphore(%run_scoped3A : memref<!tpu.dma_semaphore, #tpu.memory_space<semaphore_mem>>) src(%dma_wait3A_87 : memref<16x128xf32, #tpu.memory_space<vmem_shared>>) dst(%dma_wait3A_84 : memref<16x128xf32, #tpu.memory_space<hbm>>)
        tpu.yield
      }) : () -> ()
    } else {
    }
    return
  }
}

#map = affine_map<(d0, d1) -> (0, 0)>
#map1 = affine_map<(d0, d1) -> (0)>
module attributes {stable_mosaic.version = 14 : i64} {
  func.func @body(%arg0: i32, %arg1: i32, %arg2: memref<10000x128xf32, #tpu.memory_space<hbm>>, %arg3: memref<320000xi32, #tpu.memory_space<hbm>>, %arg4: memref<320000xi32, #tpu.memory_space<hbm>>, %arg5: memref<624x128xf32, #tpu.memory_space<hbm>>, %arg6: memref<20000x128xf32, #tpu.memory_space<hbm>>, %arg7: memref<64xi32, #tpu.memory_space<vmem>>, %arg8: memref<64xi32, #tpu.memory_space<vmem>>, %arg9: memref<64xi32, #tpu.memory_space<vmem>>, %arg10: memref<64xi32, #tpu.memory_space<vmem>>, %arg11: memref<64xi32, #tpu.memory_space<vmem>>, %arg12: memref<64xi32, #tpu.memory_space<vmem>>, %arg13: memref<64xi32, #tpu.memory_space<vmem>>, %arg14: memref<64xi32, #tpu.memory_space<vmem>>, %arg15: memref<64xi32, #tpu.memory_space<vmem>>, %arg16: memref<64xi32, #tpu.memory_space<vmem>>, %arg17: memref<64xi32, #tpu.memory_space<vmem>>, %arg18: memref<64xi32, #tpu.memory_space<vmem>>, %arg19: memref<64x128xf32, #tpu.memory_space<vmem>>, %arg20: memref<64x128xf32, #tpu.memory_space<vmem>>, %arg21: memref<64x128xf32, #tpu.memory_space<vmem>>, %arg22: memref<64x128xf32, #tpu.memory_space<vmem>>, %arg23: memref<64x128xf32, #tpu.memory_space<vmem>>, %arg24: memref<64x128xf32, #tpu.memory_space<vmem>>, %arg25: memref<16xi32, #tpu.memory_space<vmem>>, %arg26: memref<16xi32, #tpu.memory_space<vmem>>, %arg27: memref<10000x128xf32, #tpu.memory_space<vmem_shared>>, %arg28: memref<!tpu.dma_semaphore, #tpu.memory_space<semaphore_mem>>, %arg29: memref<!tpu.dma_semaphore, #tpu.memory_space<semaphore_mem>>, %arg30: memref<!tpu.dma_semaphore, #tpu.memory_space<semaphore_mem>>, %arg31: memref<!tpu.dma_semaphore, #tpu.memory_space<semaphore_mem>>, %arg32: memref<!tpu.dma_semaphore, #tpu.memory_space<semaphore_mem>>, %arg33: memref<!tpu.dma_semaphore, #tpu.memory_space<semaphore_mem>>, %arg34: memref<!tpu.dma_semaphore, #tpu.memory_space<semaphore_mem>>, %arg35: memref<!tpu.dma_semaphore, #tpu.memory_space<semaphore_mem>>, %arg36: memref<!tpu.dma_semaphore, #tpu.memory_space<semaphore_mem>>, %arg37: memref<!tpu.dma_semaphore, #tpu.memory_space<semaphore_mem>>, %arg38: memref<!tpu.dma_semaphore, #tpu.memory_space<semaphore_mem>>, %arg39: memref<!tpu.dma_semaphore, #tpu.memory_space<semaphore_mem>>, %arg40: memref<!tpu.dma_semaphore, #tpu.memory_space<semaphore_mem>>, %arg41: memref<!tpu.dma_semaphore, #tpu.memory_space<semaphore_mem>>, %arg42: memref<!tpu.dma_semaphore, #tpu.memory_space<semaphore_mem>>, %arg43: memref<!tpu.dma_semaphore, #tpu.memory_space<semaphore_mem>>, %arg44: memref<!tpu.dma_semaphore, #tpu.memory_space<semaphore_mem>>, %arg45: memref<!tpu.dma_semaphore, #tpu.memory_space<semaphore_mem>>) attributes {dimension_semantics = [#tpu.dimension_semantics<core_parallel>, #tpu.dimension_semantics<subcore_parallel>], iteration_bounds = array<i64: 2, 16>, scalar_prefetch = 0 : i64, scratch_operands = 39 : i64, tpu.core_type = #tpu.core_type<sc_vector_subcore>, window_params = [{transform_indices = #map}, {transform_indices = #map1}, {transform_indices = #map1}, {transform_indices = #map}, {transform_indices = #map}]} {
    %mul3A = arith.constant 624 : i32
    %mul3A_0 = arith.muli %arg1, %mul3A : i32
    "tpu.region"() ({
      %run_scoped3A = tpu.sem_alloc : memref<!tpu.dma_semaphore, #tpu.memory_space<semaphore_mem>>
      %dma_start3A_76 = arith.constant 0 : i32
      %dma_start3A_77 = tpu.memref_slice %arg27[%mul3A_0, %dma_start3A_76] : memref<10000x128xf32, #tpu.memory_space<vmem_shared>> -> memref<624x128xf32, #tpu.memory_space<vmem_shared>>
      tpu.enqueue_dma source(%arg5 : memref<624x128xf32, #tpu.memory_space<hbm>>) target(%dma_start3A_77 : memref<624x128xf32, #tpu.memory_space<vmem_shared>>) target_semaphore(%run_scoped3A : memref<!tpu.dma_semaphore, #tpu.memory_space<semaphore_mem>>)
      %dma_wait3A_78 = arith.constant 0 : i32
      %dma_wait3A_79 = tpu.memref_slice %arg27[%mul3A_0, %dma_wait3A_78] : memref<10000x128xf32, #tpu.memory_space<vmem_shared>> -> memref<624x128xf32, #tpu.memory_space<vmem_shared>>
      tpu.wait_dma2 semaphore(%run_scoped3A : memref<!tpu.dma_semaphore, #tpu.memory_space<semaphore_mem>>) src(%arg5 : memref<624x128xf32, #tpu.memory_space<hbm>>) dst(%dma_wait3A_79 : memref<624x128xf32, #tpu.memory_space<vmem_shared>>)
      tpu.yield
    }) : () -> ()
    %eq3A = arith.constant 0 : i32
    %eq3A_1 = arith.cmpi eq, %arg1, %eq3A : i32
    %convert_element_type3A = arith.extui %eq3A_1 : i1 to i32
    %cond3A = arith.constant 0 : i32
    %cond3A_2 = arith.cmpi ne, %convert_element_type3A, %cond3A : i32
    scf.if %cond3A_2 {
      "tpu.region"() ({
        %run_scoped3A = tpu.sem_alloc : memref<!tpu.dma_semaphore, #tpu.memory_space<semaphore_mem>>
        %dma_start3A_76 = arith.constant 9984 : i32
        %dma_start3A_77 = arith.constant 0 : i32
        %dma_start3A_78 = tpu.memref_slice %arg27[%dma_start3A_76, %dma_start3A_77] : memref<10000x128xf32, #tpu.memory_space<vmem_shared>> -> memref<16x128xf32, #tpu.memory_space<vmem_shared>>
        %dma_start3A_79 = arith.constant 0 : i32
        %dma_start3A_80 = arith.constant 0 : i32
        %dma_start3A_81 = tpu.memref_slice %arg5[%dma_start3A_79, %dma_start3A_80] : memref<624x128xf32, #tpu.memory_space<hbm>> -> memref<16x128xf32, #tpu.memory_space<hbm>>
        tpu.enqueue_dma source(%dma_start3A_81 : memref<16x128xf32, #tpu.memory_space<hbm>>) target(%dma_start3A_78 : memref<16x128xf32, #tpu.memory_space<vmem_shared>>) target_semaphore(%run_scoped3A : memref<!tpu.dma_semaphore, #tpu.memory_space<semaphore_mem>>)
        %dma_wait3A_82 = arith.constant 9984 : i32
        %dma_wait3A_83 = arith.constant 0 : i32
        %dma_wait3A_84 = tpu.memref_slice %arg27[%dma_wait3A_82, %dma_wait3A_83] : memref<10000x128xf32, #tpu.memory_space<vmem_shared>> -> memref<16x128xf32, #tpu.memory_space<vmem_shared>>
        %dma_wait3A_85 = arith.constant 0 : i32
        %dma_wait3A_86 = arith.constant 0 : i32
        %dma_wait3A_87 = tpu.memref_slice %arg5[%dma_wait3A_85, %dma_wait3A_86] : memref<624x128xf32, #tpu.memory_space<hbm>> -> memref<16x128xf32, #tpu.memory_space<hbm>>
        tpu.wait_dma2 semaphore(%run_scoped3A : memref<!tpu.dma_semaphore, #tpu.memory_space<semaphore_mem>>) src(%dma_wait3A_87 : memref<16x128xf32, #tpu.memory_space<hbm>>) dst(%dma_wait3A_84 : memref<16x128xf32, #tpu.memory_space<vmem_shared>>)
        tpu.yield
      }) : () -> ()
    } else {
    }
    %barrier3A = arith.constant 0 : index
    tpu.barrier barrier_id(%barrier3A)
    %mul3A_3 = arith.constant 16 : i32
    %mul3A_4 = arith.muli %arg0, %mul3A_3 : i32
    %add3A = arith.addi %mul3A_4, %arg1 : i32
    %mul3A_5 = arith.constant 10000 : i32
    %mul3A_6 = arith.muli %add3A, %mul3A_5 : i32
    %add3A_7 = arith.constant 0 : i32
    %add3A_8 = arith.addi %mul3A_6, %add3A_7 : i32
    "tpu.region"() ({
      %run_scoped3A = tpu.sem_alloc : memref<!tpu.dma_semaphore, #tpu.memory_space<semaphore_mem>>
      %dma_start3A_76 = tpu.memref_slice %arg3[%add3A_8] : memref<320000xi32, #tpu.memory_space<hbm>> -> memref<64xi32, #tpu.memory_space<hbm>>
      %dma_start3A_77 = tpu.memref_slice %arg3[%add3A_8] : memref<320000xi32, #tpu.memory_space<hbm>> -> memref<64xi32, #tpu.memory_space<hbm>>
      tpu.enqueue_dma source(%dma_start3A_77 : memref<64xi32, #tpu.memory_space<hbm>>) target(%arg7 : memref<64xi32, #tpu.memory_space<vmem>>) target_semaphore(%run_scoped3A : memref<!tpu.dma_semaphore, #tpu.memory_space<semaphore_mem>>)
      %dma_wait3A_78 = tpu.memref_slice %arg3[%add3A_8] : memref<320000xi32, #tpu.memory_space<hbm>> -> memref<64xi32, #tpu.memory_space<hbm>>
      %dma_wait3A_79 = tpu.memref_slice %arg3[%add3A_8] : memref<320000xi32, #tpu.memory_space<hbm>> -> memref<64xi32, #tpu.memory_space<hbm>>
      tpu.wait_dma2 semaphore(%run_scoped3A : memref<!tpu.dma_semaphore, #tpu.memory_space<semaphore_mem>>) src(%dma_wait3A_79 : memref<64xi32, #tpu.memory_space<hbm>>) dst(%arg7 : memref<64xi32, #tpu.memory_space<vmem>>)
      tpu.yield
    }) : () -> ()
    %add3A_9 = arith.constant 0 : i32
    %add3A_10 = arith.addi %mul3A_6, %add3A_9 : i32
    "tpu.region"() ({
      %run_scoped3A = tpu.sem_alloc : memref<!tpu.dma_semaphore, #tpu.memory_space<semaphore_mem>>
      %dma_start3A_76 = tpu.memref_slice %arg4[%add3A_10] : memref<320000xi32, #tpu.memory_space<hbm>> -> memref<64xi32, #tpu.memory_space<hbm>>
      %dma_start3A_77 = tpu.memref_slice %arg4[%add3A_10] : memref<320000xi32, #tpu.memory_space<hbm>> -> memref<64xi32, #tpu.memory_space<hbm>>
      tpu.enqueue_dma source(%dma_start3A_77 : memref<64xi32, #tpu.memory_space<hbm>>) target(%arg13 : memref<64xi32, #tpu.memory_space<vmem>>) target_semaphore(%run_scoped3A : memref<!tpu.dma_semaphore, #tpu.memory_space<semaphore_mem>>)
      %dma_wait3A_78 = tpu.memref_slice %arg4[%add3A_10] : memref<320000xi32, #tpu.memory_space<hbm>> -> memref<64xi32, #tpu.memory_space<hbm>>
      %dma_wait3A_79 = tpu.memref_slice %arg4[%add3A_10] : memref<320000xi32, #tpu.memory_space<hbm>> -> memref<64xi32, #tpu.memory_space<hbm>>
      tpu.wait_dma2 semaphore(%run_scoped3A : memref<!tpu.dma_semaphore, #tpu.memory_space<semaphore_mem>>) src(%dma_wait3A_79 : memref<64xi32, #tpu.memory_space<hbm>>) dst(%arg13 : memref<64xi32, #tpu.memory_space<vmem>>)
      tpu.yield
    }) : () -> ()
    %add3A_11 = arith.constant 64 : i32
    %add3A_12 = arith.addi %mul3A_6, %add3A_11 : i32
    "tpu.region"() ({
      %run_scoped3A = tpu.sem_alloc : memref<!tpu.dma_semaphore, #tpu.memory_space<semaphore_mem>>
      %dma_start3A_76 = tpu.memref_slice %arg3[%add3A_12] : memref<320000xi32, #tpu.memory_space<hbm>> -> memref<64xi32, #tpu.memory_space<hbm>>
      %dma_start3A_77 = tpu.memref_slice %arg3[%add3A_12] : memref<320000xi32, #tpu.memory_space<hbm>> -> memref<64xi32, #tpu.memory_space<hbm>>
      tpu.enqueue_dma source(%dma_start3A_77 : memref<64xi32, #tpu.memory_space<hbm>>) target(%arg8 : memref<64xi32, #tpu.memory_space<vmem>>) target_semaphore(%run_scoped3A : memref<!tpu.dma_semaphore, #tpu.memory_space<semaphore_mem>>)
      %dma_wait3A_78 = tpu.memref_slice %arg3[%add3A_12] : memref<320000xi32, #tpu.memory_space<hbm>> -> memref<64xi32, #tpu.memory_space<hbm>>
      %dma_wait3A_79 = tpu.memref_slice %arg3[%add3A_12] : memref<320000xi32, #tpu.memory_space<hbm>> -> memref<64xi32, #tpu.memory_space<hbm>>
      tpu.wait_dma2 semaphore(%run_scoped3A : memref<!tpu.dma_semaphore, #tpu.memory_space<semaphore_mem>>) src(%dma_wait3A_79 : memref<64xi32, #tpu.memory_space<hbm>>) dst(%arg8 : memref<64xi32, #tpu.memory_space<vmem>>)
      tpu.yield
    }) : () -> ()
    %add3A_13 = arith.constant 64 : i32
    %add3A_14 = arith.addi %mul3A_6, %add3A_13 : i32
    "tpu.region"() ({
      %run_scoped3A = tpu.sem_alloc : memref<!tpu.dma_semaphore, #tpu.memory_space<semaphore_mem>>
      %dma_start3A_76 = tpu.memref_slice %arg4[%add3A_14] : memref<320000xi32, #tpu.memory_space<hbm>> -> memref<64xi32, #tpu.memory_space<hbm>>
      %dma_start3A_77 = tpu.memref_slice %arg4[%add3A_14] : memref<320000xi32, #tpu.memory_space<hbm>> -> memref<64xi32, #tpu.memory_space<hbm>>
      tpu.enqueue_dma source(%dma_start3A_77 : memref<64xi32, #tpu.memory_space<hbm>>) target(%arg14 : memref<64xi32, #tpu.memory_space<vmem>>) target_semaphore(%run_scoped3A : memref<!tpu.dma_semaphore, #tpu.memory_space<semaphore_mem>>)
      %dma_wait3A_78 = tpu.memref_slice %arg4[%add3A_14] : memref<320000xi32, #tpu.memory_space<hbm>> -> memref<64xi32, #tpu.memory_space<hbm>>
      %dma_wait3A_79 = tpu.memref_slice %arg4[%add3A_14] : memref<320000xi32, #tpu.memory_space<hbm>> -> memref<64xi32, #tpu.memory_space<hbm>>
      tpu.wait_dma2 semaphore(%run_scoped3A : memref<!tpu.dma_semaphore, #tpu.memory_space<semaphore_mem>>) src(%dma_wait3A_79 : memref<64xi32, #tpu.memory_space<hbm>>) dst(%arg14 : memref<64xi32, #tpu.memory_space<vmem>>)
      tpu.yield
    }) : () -> ()
    %add3A_15 = arith.constant 128 : i32
    %add3A_16 = arith.addi %mul3A_6, %add3A_15 : i32
    "tpu.region"() ({
      %run_scoped3A = tpu.sem_alloc : memref<!tpu.dma_semaphore, #tpu.memory_space<semaphore_mem>>
      %dma_start3A_76 = tpu.memref_slice %arg3[%add3A_16] : memref<320000xi32, #tpu.memory_space<hbm>> -> memref<64xi32, #tpu.memory_space<hbm>>
      %dma_start3A_77 = tpu.memref_slice %arg3[%add3A_16] : memref<320000xi32, #tpu.memory_space<hbm>> -> memref<64xi32, #tpu.memory_space<hbm>>
      tpu.enqueue_dma source(%dma_start3A_77 : memref<64xi32, #tpu.memory_space<hbm>>) target(%arg9 : memref<64xi32, #tpu.memory_space<vmem>>) target_semaphore(%run_scoped3A : memref<!tpu.dma_semaphore, #tpu.memory_space<semaphore_mem>>)
      %dma_wait3A_78 = tpu.memref_slice %arg3[%add3A_16] : memref<320000xi32, #tpu.memory_space<hbm>> -> memref<64xi32, #tpu.memory_space<hbm>>
      %dma_wait3A_79 = tpu.memref_slice %arg3[%add3A_16] : memref<320000xi32, #tpu.memory_space<hbm>> -> memref<64xi32, #tpu.memory_space<hbm>>
      tpu.wait_dma2 semaphore(%run_scoped3A : memref<!tpu.dma_semaphore, #tpu.memory_space<semaphore_mem>>) src(%dma_wait3A_79 : memref<64xi32, #tpu.memory_space<hbm>>) dst(%arg9 : memref<64xi32, #tpu.memory_space<vmem>>)
      tpu.yield
    }) : () -> ()
    %add3A_17 = arith.constant 128 : i32
    %add3A_18 = arith.addi %mul3A_6, %add3A_17 : i32
    "tpu.region"() ({
      %run_scoped3A = tpu.sem_alloc : memref<!tpu.dma_semaphore, #tpu.memory_space<semaphore_mem>>
      %dma_start3A_76 = tpu.memref_slice %arg4[%add3A_18] : memref<320000xi32, #tpu.memory_space<hbm>> -> memref<64xi32, #tpu.memory_space<hbm>>
      %dma_start3A_77 = tpu.memref_slice %arg4[%add3A_18] : memref<320000xi32, #tpu.memory_space<hbm>> -> memref<64xi32, #tpu.memory_space<hbm>>
      tpu.enqueue_dma source(%dma_start3A_77 : memref<64xi32, #tpu.memory_space<hbm>>) target(%arg15 : memref<64xi32, #tpu.memory_space<vmem>>) target_semaphore(%run_scoped3A : memref<!tpu.dma_semaphore, #tpu.memory_space<semaphore_mem>>)
      %dma_wait3A_78 = tpu.memref_slice %arg4[%add3A_18] : memref<320000xi32, #tpu.memory_space<hbm>> -> memref<64xi32, #tpu.memory_space<hbm>>
      %dma_wait3A_79 = tpu.memref_slice %arg4[%add3A_18] : memref<320000xi32, #tpu.memory_space<hbm>> -> memref<64xi32, #tpu.memory_space<hbm>>
      tpu.wait_dma2 semaphore(%run_scoped3A : memref<!tpu.dma_semaphore, #tpu.memory_space<semaphore_mem>>) src(%dma_wait3A_79 : memref<64xi32, #tpu.memory_space<hbm>>) dst(%arg15 : memref<64xi32, #tpu.memory_space<vmem>>)
      tpu.yield
    }) : () -> ()
    %add3A_19 = arith.constant 192 : i32
    %add3A_20 = arith.addi %mul3A_6, %add3A_19 : i32
    "tpu.region"() ({
      %run_scoped3A = tpu.sem_alloc : memref<!tpu.dma_semaphore, #tpu.memory_space<semaphore_mem>>
      %dma_start3A_76 = tpu.memref_slice %arg3[%add3A_20] : memref<320000xi32, #tpu.memory_space<hbm>> -> memref<64xi32, #tpu.memory_space<hbm>>
      %dma_start3A_77 = tpu.memref_slice %arg3[%add3A_20] : memref<320000xi32, #tpu.memory_space<hbm>> -> memref<64xi32, #tpu.memory_space<hbm>>
      tpu.enqueue_dma source(%dma_start3A_77 : memref<64xi32, #tpu.memory_space<hbm>>) target(%arg10 : memref<64xi32, #tpu.memory_space<vmem>>) target_semaphore(%run_scoped3A : memref<!tpu.dma_semaphore, #tpu.memory_space<semaphore_mem>>)
      %dma_wait3A_78 = tpu.memref_slice %arg3[%add3A_20] : memref<320000xi32, #tpu.memory_space<hbm>> -> memref<64xi32, #tpu.memory_space<hbm>>
      %dma_wait3A_79 = tpu.memref_slice %arg3[%add3A_20] : memref<320000xi32, #tpu.memory_space<hbm>> -> memref<64xi32, #tpu.memory_space<hbm>>
      tpu.wait_dma2 semaphore(%run_scoped3A : memref<!tpu.dma_semaphore, #tpu.memory_space<semaphore_mem>>) src(%dma_wait3A_79 : memref<64xi32, #tpu.memory_space<hbm>>) dst(%arg10 : memref<64xi32, #tpu.memory_space<vmem>>)
      tpu.yield
    }) : () -> ()
    %add3A_21 = arith.constant 192 : i32
    %add3A_22 = arith.addi %mul3A_6, %add3A_21 : i32
    "tpu.region"() ({
      %run_scoped3A = tpu.sem_alloc : memref<!tpu.dma_semaphore, #tpu.memory_space<semaphore_mem>>
      %dma_start3A_76 = tpu.memref_slice %arg4[%add3A_22] : memref<320000xi32, #tpu.memory_space<hbm>> -> memref<64xi32, #tpu.memory_space<hbm>>
      %dma_start3A_77 = tpu.memref_slice %arg4[%add3A_22] : memref<320000xi32, #tpu.memory_space<hbm>> -> memref<64xi32, #tpu.memory_space<hbm>>
      tpu.enqueue_dma source(%dma_start3A_77 : memref<64xi32, #tpu.memory_space<hbm>>) target(%arg16 : memref<64xi32, #tpu.memory_space<vmem>>) target_semaphore(%run_scoped3A : memref<!tpu.dma_semaphore, #tpu.memory_space<semaphore_mem>>)
      %dma_wait3A_78 = tpu.memref_slice %arg4[%add3A_22] : memref<320000xi32, #tpu.memory_space<hbm>> -> memref<64xi32, #tpu.memory_space<hbm>>
      %dma_wait3A_79 = tpu.memref_slice %arg4[%add3A_22] : memref<320000xi32, #tpu.memory_space<hbm>> -> memref<64xi32, #tpu.memory_space<hbm>>
      tpu.wait_dma2 semaphore(%run_scoped3A : memref<!tpu.dma_semaphore, #tpu.memory_space<semaphore_mem>>) src(%dma_wait3A_79 : memref<64xi32, #tpu.memory_space<hbm>>) dst(%arg16 : memref<64xi32, #tpu.memory_space<vmem>>)
      tpu.yield
    }) : () -> ()
    %dma_start3A = arith.constant 0 : i32
    %dma_start3A_23 = arith.constant 0 : i32
    %dma_start3A_24 = tpu.memref_slice %arg2[%dma_start3A, %dma_start3A_23] : memref<10000x128xf32, #tpu.memory_space<hbm>> -> memref<10000x128xf32, #tpu.memory_space<hbm>>
    tpu.enqueue_indirect_dma source(%dma_start3A_24 : memref<10000x128xf32, #tpu.memory_space<hbm>>) target(%arg19 : memref<64x128xf32, #tpu.memory_space<vmem>>) offsets(%arg7 : memref<64xi32, #tpu.memory_space<vmem>>) semaphore(%arg34 : memref<!tpu.dma_semaphore, #tpu.memory_space<semaphore_mem>>)
    %dma_start3A_25 = arith.constant 0 : i32
    %dma_start3A_26 = arith.constant 0 : i32
    %dma_start3A_27 = tpu.memref_slice %arg2[%dma_start3A_25, %dma_start3A_26] : memref<10000x128xf32, #tpu.memory_space<hbm>> -> memref<10000x128xf32, #tpu.memory_space<hbm>>
    tpu.enqueue_indirect_dma source(%dma_start3A_27 : memref<10000x128xf32, #tpu.memory_space<hbm>>) target(%arg20 : memref<64x128xf32, #tpu.memory_space<vmem>>) offsets(%arg8 : memref<64xi32, #tpu.memory_space<vmem>>) semaphore(%arg35 : memref<!tpu.dma_semaphore, #tpu.memory_space<semaphore_mem>>)
    %dma_start3A_28 = arith.constant 0 : i32
    %dma_start3A_29 = arith.constant 0 : i32
    %dma_start3A_30 = tpu.memref_slice %arg2[%dma_start3A_28, %dma_start3A_29] : memref<10000x128xf32, #tpu.memory_space<hbm>> -> memref<10000x128xf32, #tpu.memory_space<hbm>>
    tpu.enqueue_indirect_dma source(%dma_start3A_30 : memref<10000x128xf32, #tpu.memory_space<hbm>>) target(%arg21 : memref<64x128xf32, #tpu.memory_space<vmem>>) offsets(%arg9 : memref<64xi32, #tpu.memory_space<vmem>>) semaphore(%arg36 : memref<!tpu.dma_semaphore, #tpu.memory_space<semaphore_mem>>)
    %dma_start3A_31 = arith.constant 0 : i32
    %dma_start3A_32 = arith.constant 0 : i32
    %dma_start3A_33 = tpu.memref_slice %arg2[%dma_start3A_31, %dma_start3A_32] : memref<10000x128xf32, #tpu.memory_space<hbm>> -> memref<10000x128xf32, #tpu.memory_space<hbm>>
    tpu.enqueue_indirect_dma source(%dma_start3A_33 : memref<10000x128xf32, #tpu.memory_space<hbm>>) target(%arg22 : memref<64x128xf32, #tpu.memory_space<vmem>>) offsets(%arg10 : memref<64xi32, #tpu.memory_space<vmem>>) semaphore(%arg37 : memref<!tpu.dma_semaphore, #tpu.memory_space<semaphore_mem>>)
    %add3A_34 = arith.constant 256 : i32
    %add3A_35 = arith.addi %mul3A_6, %add3A_34 : i32
    %dma_start3A_36 = tpu.memref_slice %arg3[%add3A_35] : memref<320000xi32, #tpu.memory_space<hbm>> -> memref<64xi32, #tpu.memory_space<hbm>>
    %dma_start3A_37 = tpu.memref_slice %arg3[%add3A_35] : memref<320000xi32, #tpu.memory_space<hbm>> -> memref<64xi32, #tpu.memory_space<hbm>>
    tpu.enqueue_dma source(%dma_start3A_37 : memref<64xi32, #tpu.memory_space<hbm>>) target(%arg11 : memref<64xi32, #tpu.memory_space<vmem>>) target_semaphore(%arg32 : memref<!tpu.dma_semaphore, #tpu.memory_space<semaphore_mem>>)
    %dma_start3A_38 = tpu.memref_slice %arg4[%add3A_35] : memref<320000xi32, #tpu.memory_space<hbm>> -> memref<64xi32, #tpu.memory_space<hbm>>
    %dma_start3A_39 = tpu.memref_slice %arg4[%add3A_35] : memref<320000xi32, #tpu.memory_space<hbm>> -> memref<64xi32, #tpu.memory_space<hbm>>
    tpu.enqueue_dma source(%dma_start3A_39 : memref<64xi32, #tpu.memory_space<hbm>>) target(%arg17 : memref<64xi32, #tpu.memory_space<vmem>>) target_semaphore(%arg32 : memref<!tpu.dma_semaphore, #tpu.memory_space<semaphore_mem>>)
    %add3A_40 = arith.constant 320 : i32
    %add3A_41 = arith.addi %mul3A_6, %add3A_40 : i32
    %dma_start3A_42 = tpu.memref_slice %arg3[%add3A_41] : memref<320000xi32, #tpu.memory_space<hbm>> -> memref<64xi32, #tpu.memory_space<hbm>>
    %dma_start3A_43 = tpu.memref_slice %arg3[%add3A_41] : memref<320000xi32, #tpu.memory_space<hbm>> -> memref<64xi32, #tpu.memory_space<hbm>>
    tpu.enqueue_dma source(%dma_start3A_43 : memref<64xi32, #tpu.memory_space<hbm>>) target(%arg12 : memref<64xi32, #tpu.memory_space<vmem>>) target_semaphore(%arg33 : memref<!tpu.dma_semaphore, #tpu.memory_space<semaphore_mem>>)
    %dma_start3A_44 = tpu.memref_slice %arg4[%add3A_41] : memref<320000xi32, #tpu.memory_space<hbm>> -> memref<64xi32, #tpu.memory_space<hbm>>
    %dma_start3A_45 = tpu.memref_slice %arg4[%add3A_41] : memref<320000xi32, #tpu.memory_space<hbm>> -> memref<64xi32, #tpu.memory_space<hbm>>
    tpu.enqueue_dma source(%dma_start3A_45 : memref<64xi32, #tpu.memory_space<hbm>>) target(%arg18 : memref<64xi32, #tpu.memory_space<vmem>>) target_semaphore(%arg33 : memref<!tpu.dma_semaphore, #tpu.memory_space<semaphore_mem>>)
    %scan3A = arith.constant 0 : i32
    %scan3A_46 = arith.constant 26 : i32
    %scan3A_47 = arith.addi %scan3A, %scan3A_46 : i32
    %scan3A_48 = arith.constant 1 : i32
    scf.for %scan3A_76 = %scan3A to %scan3A_47 step %scan3A_48  : i32 {
      %mul3A_77 = arith.constant 6 : i32
      %mul3A_78 = arith.muli %scan3A_76, %mul3A_77 : i32
      %add3A_79 = arith.constant 0 : i32
      %add3A_80 = arith.addi %add3A_79, %mul3A_78 : i32
      %add3A_81 = arith.constant 0 : i32
      %add3A_82 = arith.addi %add3A_80, %add3A_81 : i32
      %add3A_83 = arith.constant 4 : i32
      %add3A_84 = arith.addi %add3A_82, %add3A_83 : i32
      %lt3A = arith.constant 156 : i32
      %lt3A_85 = arith.cmpi slt, %add3A_84, %lt3A : i32
      %convert_element_type3A_86 = arith.extui %lt3A_85 : i1 to i32
      %cond3A_87 = arith.constant 0 : i32
      %cond3A_88 = arith.cmpi ne, %convert_element_type3A_86, %cond3A_87 : i32
      scf.if %cond3A_88 {
        %dma_wait3A_194 = arith.constant 0 : i32
        %dma_wait3A_195 = tpu.memref_slice %arg3[%dma_wait3A_194] : memref<320000xi32, #tpu.memory_space<hbm>> -> memref<64xi32, #tpu.memory_space<hbm>>
        %dma_wait3A_196 = arith.constant 0 : i32
        %dma_wait3A_197 = tpu.memref_slice %arg3[%dma_wait3A_196] : memref<320000xi32, #tpu.memory_space<hbm>> -> memref<64xi32, #tpu.memory_space<hbm>>
        tpu.wait_dma2 semaphore(%arg32 : memref<!tpu.dma_semaphore, #tpu.memory_space<semaphore_mem>>) src(%dma_wait3A_197 : memref<64xi32, #tpu.memory_space<hbm>>) dst(%arg11 : memref<64xi32, #tpu.memory_space<vmem>>)
        %dma_wait3A_198 = arith.constant 0 : i32
        %dma_wait3A_199 = tpu.memref_slice %arg4[%dma_wait3A_198] : memref<320000xi32, #tpu.memory_space<hbm>> -> memref<64xi32, #tpu.memory_space<hbm>>
        %dma_wait3A_200 = arith.constant 0 : i32
        %dma_wait3A_201 = tpu.memref_slice %arg4[%dma_wait3A_200] : memref<320000xi32, #tpu.memory_space<hbm>> -> memref<64xi32, #tpu.memory_space<hbm>>
        tpu.wait_dma2 semaphore(%arg32 : memref<!tpu.dma_semaphore, #tpu.memory_space<semaphore_mem>>) src(%dma_wait3A_201 : memref<64xi32, #tpu.memory_space<hbm>>) dst(%arg17 : memref<64xi32, #tpu.memory_space<vmem>>)
        %dma_start3A_202 = arith.constant 0 : i32
        %dma_start3A_203 = arith.constant 0 : i32
        %dma_start3A_204 = tpu.memref_slice %arg2[%dma_start3A_202, %dma_start3A_203] : memref<10000x128xf32, #tpu.memory_space<hbm>> -> memref<10000x128xf32, #tpu.memory_space<hbm>>
        tpu.enqueue_indirect_dma source(%dma_start3A_204 : memref<10000x128xf32, #tpu.memory_space<hbm>>) target(%arg23 : memref<64x128xf32, #tpu.memory_space<vmem>>) offsets(%arg11 : memref<64xi32, #tpu.memory_space<vmem>>) semaphore(%arg38 : memref<!tpu.dma_semaphore, #tpu.memory_space<semaphore_mem>>)
      } else {
      }
      %dma_wait3A_89 = arith.constant 0 : i32
      %dma_wait3A_90 = arith.constant 0 : i32
      %dma_wait3A_91 = tpu.memref_slice %arg2[%dma_wait3A_89, %dma_wait3A_90] : memref<10000x128xf32, #tpu.memory_space<hbm>> -> memref<10000x128xf32, #tpu.memory_space<hbm>>
      tpu.wait_indirect_dma semaphore(%arg34 : memref<!tpu.dma_semaphore, #tpu.memory_space<semaphore_mem>>) src(%dma_wait3A_91 : memref<10000x128xf32, #tpu.memory_space<hbm>>) dst(%arg19 : memref<64x128xf32, #tpu.memory_space<vmem>>)
      "tpu.region"() ({
        %run_scoped3A = tpu.sem_alloc : memref<!tpu.dma_semaphore, #tpu.memory_space<semaphore_mem>>
        %dma_start3A_194 = arith.constant 0 : i32
        %dma_start3A_195 = arith.constant 0 : i32
        %dma_start3A_196 = tpu.memref_slice %arg27[%dma_start3A_194, %dma_start3A_195] : memref<10000x128xf32, #tpu.memory_space<vmem_shared>> -> memref<10000x128xf32, #tpu.memory_space<vmem_shared>>
        tpu.enqueue_indirect_dma source(%arg19 : memref<64x128xf32, #tpu.memory_space<vmem>>) target(%dma_start3A_196 : memref<10000x128xf32, #tpu.memory_space<vmem_shared>>) offsets(%arg13 : memref<64xi32, #tpu.memory_space<vmem>>) semaphore(%run_scoped3A : memref<!tpu.dma_semaphore, #tpu.memory_space<semaphore_mem>>) {add = true}
        %dma_wait3A_197 = arith.constant 0 : i32
        %dma_wait3A_198 = arith.constant 0 : i32
        %dma_wait3A_199 = tpu.memref_slice %arg27[%dma_wait3A_197, %dma_wait3A_198] : memref<10000x128xf32, #tpu.memory_space<vmem_shared>> -> memref<10000x128xf32, #tpu.memory_space<vmem_shared>>
        tpu.wait_indirect_dma semaphore(%run_scoped3A : memref<!tpu.dma_semaphore, #tpu.memory_space<semaphore_mem>>) src(%arg19 : memref<64x128xf32, #tpu.memory_space<vmem>>) dst(%dma_wait3A_199 : memref<10000x128xf32, #tpu.memory_space<vmem_shared>>)
        tpu.yield
      }) : () -> ()
      %add3A_92 = arith.constant 6 : i32
      %add3A_93 = arith.addi %add3A_82, %add3A_92 : i32
      %lt3A_94 = arith.constant 156 : i32
      %lt3A_95 = arith.cmpi slt, %add3A_93, %lt3A_94 : i32
      %convert_element_type3A_96 = arith.extui %lt3A_95 : i1 to i32
      %cond3A_97 = arith.constant 0 : i32
      %cond3A_98 = arith.cmpi ne, %convert_element_type3A_96, %cond3A_97 : i32
      scf.if %cond3A_98 {
        %add3A_194 = arith.constant 6 : i32
        %add3A_195 = arith.addi %add3A_82, %add3A_194 : i32
        %mul3A_196 = arith.constant 64 : i32
        %mul3A_197 = arith.muli %add3A_195, %mul3A_196 : i32
        %add3A_198 = arith.addi %mul3A_6, %mul3A_197 : i32
        %dma_start3A_199 = tpu.memref_slice %arg3[%add3A_198] : memref<320000xi32, #tpu.memory_space<hbm>> -> memref<64xi32, #tpu.memory_space<hbm>>
        %dma_start3A_200 = tpu.memref_slice %arg3[%add3A_198] : memref<320000xi32, #tpu.memory_space<hbm>> -> memref<64xi32, #tpu.memory_space<hbm>>
        tpu.enqueue_dma source(%dma_start3A_200 : memref<64xi32, #tpu.memory_space<hbm>>) target(%arg7 : memref<64xi32, #tpu.memory_space<vmem>>) target_semaphore(%arg28 : memref<!tpu.dma_semaphore, #tpu.memory_space<semaphore_mem>>)
        %dma_start3A_201 = tpu.memref_slice %arg4[%add3A_198] : memref<320000xi32, #tpu.memory_space<hbm>> -> memref<64xi32, #tpu.memory_space<hbm>>
        %dma_start3A_202 = tpu.memref_slice %arg4[%add3A_198] : memref<320000xi32, #tpu.memory_space<hbm>> -> memref<64xi32, #tpu.memory_space<hbm>>
        tpu.enqueue_dma source(%dma_start3A_202 : memref<64xi32, #tpu.memory_space<hbm>>) target(%arg13 : memref<64xi32, #tpu.memory_space<vmem>>) target_semaphore(%arg28 : memref<!tpu.dma_semaphore, #tpu.memory_space<semaphore_mem>>)
      } else {
      }
      %add3A_99 = arith.constant 1 : i32
      %add3A_100 = arith.addi %add3A_80, %add3A_99 : i32
      %add3A_101 = arith.constant 4 : i32
      %add3A_102 = arith.addi %add3A_100, %add3A_101 : i32
      %lt3A_103 = arith.constant 156 : i32
      %lt3A_104 = arith.cmpi slt, %add3A_102, %lt3A_103 : i32
      %convert_element_type3A_105 = arith.extui %lt3A_104 : i1 to i32
      %cond3A_106 = arith.constant 0 : i32
      %cond3A_107 = arith.cmpi ne, %convert_element_type3A_105, %cond3A_106 : i32
      scf.if %cond3A_107 {
        %dma_wait3A_194 = arith.constant 0 : i32
        %dma_wait3A_195 = tpu.memref_slice %arg3[%dma_wait3A_194] : memref<320000xi32, #tpu.memory_space<hbm>> -> memref<64xi32, #tpu.memory_space<hbm>>
        %dma_wait3A_196 = arith.constant 0 : i32
        %dma_wait3A_197 = tpu.memref_slice %arg3[%dma_wait3A_196] : memref<320000xi32, #tpu.memory_space<hbm>> -> memref<64xi32, #tpu.memory_space<hbm>>
        tpu.wait_dma2 semaphore(%arg33 : memref<!tpu.dma_semaphore, #tpu.memory_space<semaphore_mem>>) src(%dma_wait3A_197 : memref<64xi32, #tpu.memory_space<hbm>>) dst(%arg12 : memref<64xi32, #tpu.memory_space<vmem>>)
        %dma_wait3A_198 = arith.constant 0 : i32
        %dma_wait3A_199 = tpu.memref_slice %arg4[%dma_wait3A_198] : memref<320000xi32, #tpu.memory_space<hbm>> -> memref<64xi32, #tpu.memory_space<hbm>>
        %dma_wait3A_200 = arith.constant 0 : i32
        %dma_wait3A_201 = tpu.memref_slice %arg4[%dma_wait3A_200] : memref<320000xi32, #tpu.memory_space<hbm>> -> memref<64xi32, #tpu.memory_space<hbm>>
        tpu.wait_dma2 semaphore(%arg33 : memref<!tpu.dma_semaphore, #tpu.memory_space<semaphore_mem>>) src(%dma_wait3A_201 : memref<64xi32, #tpu.memory_space<hbm>>) dst(%arg18 : memref<64xi32, #tpu.memory_space<vmem>>)
        %dma_start3A_202 = arith.constant 0 : i32
        %dma_start3A_203 = arith.constant 0 : i32
        %dma_start3A_204 = tpu.memref_slice %arg2[%dma_start3A_202, %dma_start3A_203] : memref<10000x128xf32, #tpu.memory_space<hbm>> -> memref<10000x128xf32, #tpu.memory_space<hbm>>
        tpu.enqueue_indirect_dma source(%dma_start3A_204 : memref<10000x128xf32, #tpu.memory_space<hbm>>) target(%arg24 : memref<64x128xf32, #tpu.memory_space<vmem>>) offsets(%arg12 : memref<64xi32, #tpu.memory_space<vmem>>) semaphore(%arg39 : memref<!tpu.dma_semaphore, #tpu.memory_space<semaphore_mem>>)
      } else {
      }
      %dma_wait3A_108 = arith.constant 0 : i32
      %dma_wait3A_109 = arith.constant 0 : i32
      %dma_wait3A_110 = tpu.memref_slice %arg2[%dma_wait3A_108, %dma_wait3A_109] : memref<10000x128xf32, #tpu.memory_space<hbm>> -> memref<10000x128xf32, #tpu.memory_space<hbm>>
      tpu.wait_indirect_dma semaphore(%arg35 : memref<!tpu.dma_semaphore, #tpu.memory_space<semaphore_mem>>) src(%dma_wait3A_110 : memref<10000x128xf32, #tpu.memory_space<hbm>>) dst(%arg20 : memref<64x128xf32, #tpu.memory_space<vmem>>)
      "tpu.region"() ({
        %run_scoped3A = tpu.sem_alloc : memref<!tpu.dma_semaphore, #tpu.memory_space<semaphore_mem>>
        %dma_start3A_194 = arith.constant 0 : i32
        %dma_start3A_195 = arith.constant 0 : i32
        %dma_start3A_196 = tpu.memref_slice %arg27[%dma_start3A_194, %dma_start3A_195] : memref<10000x128xf32, #tpu.memory_space<vmem_shared>> -> memref<10000x128xf32, #tpu.memory_space<vmem_shared>>
        tpu.enqueue_indirect_dma source(%arg20 : memref<64x128xf32, #tpu.memory_space<vmem>>) target(%dma_start3A_196 : memref<10000x128xf32, #tpu.memory_space<vmem_shared>>) offsets(%arg14 : memref<64xi32, #tpu.memory_space<vmem>>) semaphore(%run_scoped3A : memref<!tpu.dma_semaphore, #tpu.memory_space<semaphore_mem>>) {add = true}
        %dma_wait3A_197 = arith.constant 0 : i32
        %dma_wait3A_198 = arith.constant 0 : i32
        %dma_wait3A_199 = tpu.memref_slice %arg27[%dma_wait3A_197, %dma_wait3A_198] : memref<10000x128xf32, #tpu.memory_space<vmem_shared>> -> memref<10000x128xf32, #tpu.memory_space<vmem_shared>>
        tpu.wait_indirect_dma semaphore(%run_scoped3A : memref<!tpu.dma_semaphore, #tpu.memory_space<semaphore_mem>>) src(%arg20 : memref<64x128xf32, #tpu.memory_space<vmem>>) dst(%dma_wait3A_199 : memref<10000x128xf32, #tpu.memory_space<vmem_shared>>)
        tpu.yield
      }) : () -> ()
      %add3A_111 = arith.constant 6 : i32
      %add3A_112 = arith.addi %add3A_100, %add3A_111 : i32
      %lt3A_113 = arith.constant 156 : i32
      %lt3A_114 = arith.cmpi slt, %add3A_112, %lt3A_113 : i32
      %convert_element_type3A_115 = arith.extui %lt3A_114 : i1 to i32
      %cond3A_116 = arith.constant 0 : i32
      %cond3A_117 = arith.cmpi ne, %convert_element_type3A_115, %cond3A_116 : i32
      scf.if %cond3A_117 {
        %add3A_194 = arith.constant 6 : i32
        %add3A_195 = arith.addi %add3A_100, %add3A_194 : i32
        %mul3A_196 = arith.constant 64 : i32
        %mul3A_197 = arith.muli %add3A_195, %mul3A_196 : i32
        %add3A_198 = arith.addi %mul3A_6, %mul3A_197 : i32
        %dma_start3A_199 = tpu.memref_slice %arg3[%add3A_198] : memref<320000xi32, #tpu.memory_space<hbm>> -> memref<64xi32, #tpu.memory_space<hbm>>
        %dma_start3A_200 = tpu.memref_slice %arg3[%add3A_198] : memref<320000xi32, #tpu.memory_space<hbm>> -> memref<64xi32, #tpu.memory_space<hbm>>
        tpu.enqueue_dma source(%dma_start3A_200 : memref<64xi32, #tpu.memory_space<hbm>>) target(%arg8 : memref<64xi32, #tpu.memory_space<vmem>>) target_semaphore(%arg29 : memref<!tpu.dma_semaphore, #tpu.memory_space<semaphore_mem>>)
        %dma_start3A_201 = tpu.memref_slice %arg4[%add3A_198] : memref<320000xi32, #tpu.memory_space<hbm>> -> memref<64xi32, #tpu.memory_space<hbm>>
        %dma_start3A_202 = tpu.memref_slice %arg4[%add3A_198] : memref<320000xi32, #tpu.memory_space<hbm>> -> memref<64xi32, #tpu.memory_space<hbm>>
        tpu.enqueue_dma source(%dma_start3A_202 : memref<64xi32, #tpu.memory_space<hbm>>) target(%arg14 : memref<64xi32, #tpu.memory_space<vmem>>) target_semaphore(%arg29 : memref<!tpu.dma_semaphore, #tpu.memory_space<semaphore_mem>>)
      } else {
      }
      %add3A_118 = arith.constant 2 : i32
      %add3A_119 = arith.addi %add3A_80, %add3A_118 : i32
      %add3A_120 = arith.constant 4 : i32
      %add3A_121 = arith.addi %add3A_119, %add3A_120 : i32
      %lt3A_122 = arith.constant 156 : i32
      %lt3A_123 = arith.cmpi slt, %add3A_121, %lt3A_122 : i32
      %convert_element_type3A_124 = arith.extui %lt3A_123 : i1 to i32
      %cond3A_125 = arith.constant 0 : i32
      %cond3A_126 = arith.cmpi ne, %convert_element_type3A_124, %cond3A_125 : i32
      scf.if %cond3A_126 {
        %dma_wait3A_194 = arith.constant 0 : i32
        %dma_wait3A_195 = tpu.memref_slice %arg3[%dma_wait3A_194] : memref<320000xi32, #tpu.memory_space<hbm>> -> memref<64xi32, #tpu.memory_space<hbm>>
        %dma_wait3A_196 = arith.constant 0 : i32
        %dma_wait3A_197 = tpu.memref_slice %arg3[%dma_wait3A_196] : memref<320000xi32, #tpu.memory_space<hbm>> -> memref<64xi32, #tpu.memory_space<hbm>>
        tpu.wait_dma2 semaphore(%arg28 : memref<!tpu.dma_semaphore, #tpu.memory_space<semaphore_mem>>) src(%dma_wait3A_197 : memref<64xi32, #tpu.memory_space<hbm>>) dst(%arg7 : memref<64xi32, #tpu.memory_space<vmem>>)
        %dma_wait3A_198 = arith.constant 0 : i32
        %dma_wait3A_199 = tpu.memref_slice %arg4[%dma_wait3A_198] : memref<320000xi32, #tpu.memory_space<hbm>> -> memref<64xi32, #tpu.memory_space<hbm>>
        %dma_wait3A_200 = arith.constant 0 : i32
        %dma_wait3A_201 = tpu.memref_slice %arg4[%dma_wait3A_200] : memref<320000xi32, #tpu.memory_space<hbm>> -> memref<64xi32, #tpu.memory_space<hbm>>
        tpu.wait_dma2 semaphore(%arg28 : memref<!tpu.dma_semaphore, #tpu.memory_space<semaphore_mem>>) src(%dma_wait3A_201 : memref<64xi32, #tpu.memory_space<hbm>>) dst(%arg13 : memref<64xi32, #tpu.memory_space<vmem>>)
        %dma_start3A_202 = arith.constant 0 : i32
        %dma_start3A_203 = arith.constant 0 : i32
        %dma_start3A_204 = tpu.memref_slice %arg2[%dma_start3A_202, %dma_start3A_203] : memref<10000x128xf32, #tpu.memory_space<hbm>> -> memref<10000x128xf32, #tpu.memory_space<hbm>>
        tpu.enqueue_indirect_dma source(%dma_start3A_204 : memref<10000x128xf32, #tpu.memory_space<hbm>>) target(%arg19 : memref<64x128xf32, #tpu.memory_space<vmem>>) offsets(%arg7 : memref<64xi32, #tpu.memory_space<vmem>>) semaphore(%arg34 : memref<!tpu.dma_semaphore, #tpu.memory_space<semaphore_mem>>)
      } else {
      }
      %dma_wait3A_127 = arith.constant 0 : i32
      %dma_wait3A_128 = arith.constant 0 : i32
      %dma_wait3A_129 = tpu.memref_slice %arg2[%dma_wait3A_127, %dma_wait3A_128] : memref<10000x128xf32, #tpu.memory_space<hbm>> -> memref<10000x128xf32, #tpu.memory_space<hbm>>
      tpu.wait_indirect_dma semaphore(%arg36 : memref<!tpu.dma_semaphore, #tpu.memory_space<semaphore_mem>>) src(%dma_wait3A_129 : memref<10000x128xf32, #tpu.memory_space<hbm>>) dst(%arg21 : memref<64x128xf32, #tpu.memory_space<vmem>>)
      "tpu.region"() ({
        %run_scoped3A = tpu.sem_alloc : memref<!tpu.dma_semaphore, #tpu.memory_space<semaphore_mem>>
        %dma_start3A_194 = arith.constant 0 : i32
        %dma_start3A_195 = arith.constant 0 : i32
        %dma_start3A_196 = tpu.memref_slice %arg27[%dma_start3A_194, %dma_start3A_195] : memref<10000x128xf32, #tpu.memory_space<vmem_shared>> -> memref<10000x128xf32, #tpu.memory_space<vmem_shared>>
        tpu.enqueue_indirect_dma source(%arg21 : memref<64x128xf32, #tpu.memory_space<vmem>>) target(%dma_start3A_196 : memref<10000x128xf32, #tpu.memory_space<vmem_shared>>) offsets(%arg15 : memref<64xi32, #tpu.memory_space<vmem>>) semaphore(%run_scoped3A : memref<!tpu.dma_semaphore, #tpu.memory_space<semaphore_mem>>) {add = true}
        %dma_wait3A_197 = arith.constant 0 : i32
        %dma_wait3A_198 = arith.constant 0 : i32
        %dma_wait3A_199 = tpu.memref_slice %arg27[%dma_wait3A_197, %dma_wait3A_198] : memref<10000x128xf32, #tpu.memory_space<vmem_shared>> -> memref<10000x128xf32, #tpu.memory_space<vmem_shared>>
        tpu.wait_indirect_dma semaphore(%run_scoped3A : memref<!tpu.dma_semaphore, #tpu.memory_space<semaphore_mem>>) src(%arg21 : memref<64x128xf32, #tpu.memory_space<vmem>>) dst(%dma_wait3A_199 : memref<10000x128xf32, #tpu.memory_space<vmem_shared>>)
        tpu.yield
      }) : () -> ()
      %add3A_130 = arith.constant 6 : i32
      %add3A_131 = arith.addi %add3A_119, %add3A_130 : i32
      %lt3A_132 = arith.constant 156 : i32
      %lt3A_133 = arith.cmpi slt, %add3A_131, %lt3A_132 : i32
      %convert_element_type3A_134 = arith.extui %lt3A_133 : i1 to i32
      %cond3A_135 = arith.constant 0 : i32
      %cond3A_136 = arith.cmpi ne, %convert_element_type3A_134, %cond3A_135 : i32
      scf.if %cond3A_136 {
        %add3A_194 = arith.constant 6 : i32
        %add3A_195 = arith.addi %add3A_119, %add3A_194 : i32
        %mul3A_196 = arith.constant 64 : i32
        %mul3A_197 = arith.muli %add3A_195, %mul3A_196 : i32
        %add3A_198 = arith.addi %mul3A_6, %mul3A_197 : i32
        %dma_start3A_199 = tpu.memref_slice %arg3[%add3A_198] : memref<320000xi32, #tpu.memory_space<hbm>> -> memref<64xi32, #tpu.memory_space<hbm>>
        %dma_start3A_200 = tpu.memref_slice %arg3[%add3A_198] : memref<320000xi32, #tpu.memory_space<hbm>> -> memref<64xi32, #tpu.memory_space<hbm>>
        tpu.enqueue_dma source(%dma_start3A_200 : memref<64xi32, #tpu.memory_space<hbm>>) target(%arg9 : memref<64xi32, #tpu.memory_space<vmem>>) target_semaphore(%arg30 : memref<!tpu.dma_semaphore, #tpu.memory_space<semaphore_mem>>)
        %dma_start3A_201 = tpu.memref_slice %arg4[%add3A_198] : memref<320000xi32, #tpu.memory_space<hbm>> -> memref<64xi32, #tpu.memory_space<hbm>>
        %dma_start3A_202 = tpu.memref_slice %arg4[%add3A_198] : memref<320000xi32, #tpu.memory_space<hbm>> -> memref<64xi32, #tpu.memory_space<hbm>>
        tpu.enqueue_dma source(%dma_start3A_202 : memref<64xi32, #tpu.memory_space<hbm>>) target(%arg15 : memref<64xi32, #tpu.memory_space<vmem>>) target_semaphore(%arg30 : memref<!tpu.dma_semaphore, #tpu.memory_space<semaphore_mem>>)
      } else {
      }
      %add3A_137 = arith.constant 3 : i32
      %add3A_138 = arith.addi %add3A_80, %add3A_137 : i32
      %add3A_139 = arith.constant 4 : i32
      %add3A_140 = arith.addi %add3A_138, %add3A_139 : i32
      %lt3A_141 = arith.constant 156 : i32
      %lt3A_142 = arith.cmpi slt, %add3A_140, %lt3A_141 : i32
      %convert_element_type3A_143 = arith.extui %lt3A_142 : i1 to i32
      %cond3A_144 = arith.constant 0 : i32
      %cond3A_145 = arith.cmpi ne, %convert_element_type3A_143, %cond3A_144 : i32
      scf.if %cond3A_145 {
        %dma_wait3A_194 = arith.constant 0 : i32
        %dma_wait3A_195 = tpu.memref_slice %arg3[%dma_wait3A_194] : memref<320000xi32, #tpu.memory_space<hbm>> -> memref<64xi32, #tpu.memory_space<hbm>>
        %dma_wait3A_196 = arith.constant 0 : i32
        %dma_wait3A_197 = tpu.memref_slice %arg3[%dma_wait3A_196] : memref<320000xi32, #tpu.memory_space<hbm>> -> memref<64xi32, #tpu.memory_space<hbm>>
        tpu.wait_dma2 semaphore(%arg29 : memref<!tpu.dma_semaphore, #tpu.memory_space<semaphore_mem>>) src(%dma_wait3A_197 : memref<64xi32, #tpu.memory_space<hbm>>) dst(%arg8 : memref<64xi32, #tpu.memory_space<vmem>>)
        %dma_wait3A_198 = arith.constant 0 : i32
        %dma_wait3A_199 = tpu.memref_slice %arg4[%dma_wait3A_198] : memref<320000xi32, #tpu.memory_space<hbm>> -> memref<64xi32, #tpu.memory_space<hbm>>
        %dma_wait3A_200 = arith.constant 0 : i32
        %dma_wait3A_201 = tpu.memref_slice %arg4[%dma_wait3A_200] : memref<320000xi32, #tpu.memory_space<hbm>> -> memref<64xi32, #tpu.memory_space<hbm>>
        tpu.wait_dma2 semaphore(%arg29 : memref<!tpu.dma_semaphore, #tpu.memory_space<semaphore_mem>>) src(%dma_wait3A_201 : memref<64xi32, #tpu.memory_space<hbm>>) dst(%arg14 : memref<64xi32, #tpu.memory_space<vmem>>)
        %dma_start3A_202 = arith.constant 0 : i32
        %dma_start3A_203 = arith.constant 0 : i32
        %dma_start3A_204 = tpu.memref_slice %arg2[%dma_start3A_202, %dma_start3A_203] : memref<10000x128xf32, #tpu.memory_space<hbm>> -> memref<10000x128xf32, #tpu.memory_space<hbm>>
        tpu.enqueue_indirect_dma source(%dma_start3A_204 : memref<10000x128xf32, #tpu.memory_space<hbm>>) target(%arg20 : memref<64x128xf32, #tpu.memory_space<vmem>>) offsets(%arg8 : memref<64xi32, #tpu.memory_space<vmem>>) semaphore(%arg35 : memref<!tpu.dma_semaphore, #tpu.memory_space<semaphore_mem>>)
      } else {
      }
      %dma_wait3A_146 = arith.constant 0 : i32
      %dma_wait3A_147 = arith.constant 0 : i32
      %dma_wait3A_148 = tpu.memref_slice %arg2[%dma_wait3A_146, %dma_wait3A_147] : memref<10000x128xf32, #tpu.memory_space<hbm>> -> memref<10000x128xf32, #tpu.memory_space<hbm>>
      tpu.wait_indirect_dma semaphore(%arg37 : memref<!tpu.dma_semaphore, #tpu.memory_space<semaphore_mem>>) src(%dma_wait3A_148 : memref<10000x128xf32, #tpu.memory_space<hbm>>) dst(%arg22 : memref<64x128xf32, #tpu.memory_space<vmem>>)
      "tpu.region"() ({
        %run_scoped3A = tpu.sem_alloc : memref<!tpu.dma_semaphore, #tpu.memory_space<semaphore_mem>>
        %dma_start3A_194 = arith.constant 0 : i32
        %dma_start3A_195 = arith.constant 0 : i32
        %dma_start3A_196 = tpu.memref_slice %arg27[%dma_start3A_194, %dma_start3A_195] : memref<10000x128xf32, #tpu.memory_space<vmem_shared>> -> memref<10000x128xf32, #tpu.memory_space<vmem_shared>>
        tpu.enqueue_indirect_dma source(%arg22 : memref<64x128xf32, #tpu.memory_space<vmem>>) target(%dma_start3A_196 : memref<10000x128xf32, #tpu.memory_space<vmem_shared>>) offsets(%arg16 : memref<64xi32, #tpu.memory_space<vmem>>) semaphore(%run_scoped3A : memref<!tpu.dma_semaphore, #tpu.memory_space<semaphore_mem>>) {add = true}
        %dma_wait3A_197 = arith.constant 0 : i32
        %dma_wait3A_198 = arith.constant 0 : i32
        %dma_wait3A_199 = tpu.memref_slice %arg27[%dma_wait3A_197, %dma_wait3A_198] : memref<10000x128xf32, #tpu.memory_space<vmem_shared>> -> memref<10000x128xf32, #tpu.memory_space<vmem_shared>>
        tpu.wait_indirect_dma semaphore(%run_scoped3A : memref<!tpu.dma_semaphore, #tpu.memory_space<semaphore_mem>>) src(%arg22 : memref<64x128xf32, #tpu.memory_space<vmem>>) dst(%dma_wait3A_199 : memref<10000x128xf32, #tpu.memory_space<vmem_shared>>)
        tpu.yield
      }) : () -> ()
      %add3A_149 = arith.constant 6 : i32
      %add3A_150 = arith.addi %add3A_138, %add3A_149 : i32
      %lt3A_151 = arith.constant 156 : i32
      %lt3A_152 = arith.cmpi slt, %add3A_150, %lt3A_151 : i32
      %convert_element_type3A_153 = arith.extui %lt3A_152 : i1 to i32
      %cond3A_154 = arith.constant 0 : i32
      %cond3A_155 = arith.cmpi ne, %convert_element_type3A_153, %cond3A_154 : i32
      scf.if %cond3A_155 {
        %add3A_194 = arith.constant 6 : i32
        %add3A_195 = arith.addi %add3A_138, %add3A_194 : i32
        %mul3A_196 = arith.constant 64 : i32
        %mul3A_197 = arith.muli %add3A_195, %mul3A_196 : i32
        %add3A_198 = arith.addi %mul3A_6, %mul3A_197 : i32
        %dma_start3A_199 = tpu.memref_slice %arg3[%add3A_198] : memref<320000xi32, #tpu.memory_space<hbm>> -> memref<64xi32, #tpu.memory_space<hbm>>
        %dma_start3A_200 = tpu.memref_slice %arg3[%add3A_198] : memref<320000xi32, #tpu.memory_space<hbm>> -> memref<64xi32, #tpu.memory_space<hbm>>
        tpu.enqueue_dma source(%dma_start3A_200 : memref<64xi32, #tpu.memory_space<hbm>>) target(%arg10 : memref<64xi32, #tpu.memory_space<vmem>>) target_semaphore(%arg31 : memref<!tpu.dma_semaphore, #tpu.memory_space<semaphore_mem>>)
        %dma_start3A_201 = tpu.memref_slice %arg4[%add3A_198] : memref<320000xi32, #tpu.memory_space<hbm>> -> memref<64xi32, #tpu.memory_space<hbm>>
        %dma_start3A_202 = tpu.memref_slice %arg4[%add3A_198] : memref<320000xi32, #tpu.memory_space<hbm>> -> memref<64xi32, #tpu.memory_space<hbm>>
        tpu.enqueue_dma source(%dma_start3A_202 : memref<64xi32, #tpu.memory_space<hbm>>) target(%arg16 : memref<64xi32, #tpu.memory_space<vmem>>) target_semaphore(%arg31 : memref<!tpu.dma_semaphore, #tpu.memory_space<semaphore_mem>>)
      } else {
      }
      %add3A_156 = arith.constant 4 : i32
      %add3A_157 = arith.addi %add3A_80, %add3A_156 : i32
      %add3A_158 = arith.constant 4 : i32
      %add3A_159 = arith.addi %add3A_157, %add3A_158 : i32
      %lt3A_160 = arith.constant 156 : i32
      %lt3A_161 = arith.cmpi slt, %add3A_159, %lt3A_160 : i32
      %convert_element_type3A_162 = arith.extui %lt3A_161 : i1 to i32
      %cond3A_163 = arith.constant 0 : i32
      %cond3A_164 = arith.cmpi ne, %convert_element_type3A_162, %cond3A_163 : i32
      scf.if %cond3A_164 {
        %dma_wait3A_194 = arith.constant 0 : i32
        %dma_wait3A_195 = tpu.memref_slice %arg3[%dma_wait3A_194] : memref<320000xi32, #tpu.memory_space<hbm>> -> memref<64xi32, #tpu.memory_space<hbm>>
        %dma_wait3A_196 = arith.constant 0 : i32
        %dma_wait3A_197 = tpu.memref_slice %arg3[%dma_wait3A_196] : memref<320000xi32, #tpu.memory_space<hbm>> -> memref<64xi32, #tpu.memory_space<hbm>>
        tpu.wait_dma2 semaphore(%arg30 : memref<!tpu.dma_semaphore, #tpu.memory_space<semaphore_mem>>) src(%dma_wait3A_197 : memref<64xi32, #tpu.memory_space<hbm>>) dst(%arg9 : memref<64xi32, #tpu.memory_space<vmem>>)
        %dma_wait3A_198 = arith.constant 0 : i32
        %dma_wait3A_199 = tpu.memref_slice %arg4[%dma_wait3A_198] : memref<320000xi32, #tpu.memory_space<hbm>> -> memref<64xi32, #tpu.memory_space<hbm>>
        %dma_wait3A_200 = arith.constant 0 : i32
        %dma_wait3A_201 = tpu.memref_slice %arg4[%dma_wait3A_200] : memref<320000xi32, #tpu.memory_space<hbm>> -> memref<64xi32, #tpu.memory_space<hbm>>
        tpu.wait_dma2 semaphore(%arg30 : memref<!tpu.dma_semaphore, #tpu.memory_space<semaphore_mem>>) src(%dma_wait3A_201 : memref<64xi32, #tpu.memory_space<hbm>>) dst(%arg15 : memref<64xi32, #tpu.memory_space<vmem>>)
        %dma_start3A_202 = arith.constant 0 : i32
        %dma_start3A_203 = arith.constant 0 : i32
        %dma_start3A_204 = tpu.memref_slice %arg2[%dma_start3A_202, %dma_start3A_203] : memref<10000x128xf32, #tpu.memory_space<hbm>> -> memref<10000x128xf32, #tpu.memory_space<hbm>>
        tpu.enqueue_indirect_dma source(%dma_start3A_204 : memref<10000x128xf32, #tpu.memory_space<hbm>>) target(%arg21 : memref<64x128xf32, #tpu.memory_space<vmem>>) offsets(%arg9 : memref<64xi32, #tpu.memory_space<vmem>>) semaphore(%arg36 : memref<!tpu.dma_semaphore, #tpu.memory_space<semaphore_mem>>)
      } else {
      }
      %dma_wait3A_165 = arith.constant 0 : i32
      %dma_wait3A_166 = arith.constant 0 : i32
      %dma_wait3A_167 = tpu.memref_slice %arg2[%dma_wait3A_165, %dma_wait3A_166] : memref<10000x128xf32, #tpu.memory_space<hbm>> -> memref<10000x128xf32, #tpu.memory_space<hbm>>
      tpu.wait_indirect_dma semaphore(%arg38 : memref<!tpu.dma_semaphore, #tpu.memory_space<semaphore_mem>>) src(%dma_wait3A_167 : memref<10000x128xf32, #tpu.memory_space<hbm>>) dst(%arg23 : memref<64x128xf32, #tpu.memory_space<vmem>>)
      "tpu.region"() ({
        %run_scoped3A = tpu.sem_alloc : memref<!tpu.dma_semaphore, #tpu.memory_space<semaphore_mem>>
        %dma_start3A_194 = arith.constant 0 : i32
        %dma_start3A_195 = arith.constant 0 : i32
        %dma_start3A_196 = tpu.memref_slice %arg27[%dma_start3A_194, %dma_start3A_195] : memref<10000x128xf32, #tpu.memory_space<vmem_shared>> -> memref<10000x128xf32, #tpu.memory_space<vmem_shared>>
        tpu.enqueue_indirect_dma source(%arg23 : memref<64x128xf32, #tpu.memory_space<vmem>>) target(%dma_start3A_196 : memref<10000x128xf32, #tpu.memory_space<vmem_shared>>) offsets(%arg17 : memref<64xi32, #tpu.memory_space<vmem>>) semaphore(%run_scoped3A : memref<!tpu.dma_semaphore, #tpu.memory_space<semaphore_mem>>) {add = true}
        %dma_wait3A_197 = arith.constant 0 : i32
        %dma_wait3A_198 = arith.constant 0 : i32
        %dma_wait3A_199 = tpu.memref_slice %arg27[%dma_wait3A_197, %dma_wait3A_198] : memref<10000x128xf32, #tpu.memory_space<vmem_shared>> -> memref<10000x128xf32, #tpu.memory_space<vmem_shared>>
        tpu.wait_indirect_dma semaphore(%run_scoped3A : memref<!tpu.dma_semaphore, #tpu.memory_space<semaphore_mem>>) src(%arg23 : memref<64x128xf32, #tpu.memory_space<vmem>>) dst(%dma_wait3A_199 : memref<10000x128xf32, #tpu.memory_space<vmem_shared>>)
        tpu.yield
      }) : () -> ()
      %add3A_168 = arith.constant 6 : i32
      %add3A_169 = arith.addi %add3A_157, %add3A_168 : i32
      %lt3A_170 = arith.constant 156 : i32
      %lt3A_171 = arith.cmpi slt, %add3A_169, %lt3A_170 : i32
      %convert_element_type3A_172 = arith.extui %lt3A_171 : i1 to i32
      %cond3A_173 = arith.constant 0 : i32
      %cond3A_174 = arith.cmpi ne, %convert_element_type3A_172, %cond3A_173 : i32
      scf.if %cond3A_174 {
        %add3A_194 = arith.constant 6 : i32
        %add3A_195 = arith.addi %add3A_157, %add3A_194 : i32
        %mul3A_196 = arith.constant 64 : i32
        %mul3A_197 = arith.muli %add3A_195, %mul3A_196 : i32
        %add3A_198 = arith.addi %mul3A_6, %mul3A_197 : i32
        %dma_start3A_199 = tpu.memref_slice %arg3[%add3A_198] : memref<320000xi32, #tpu.memory_space<hbm>> -> memref<64xi32, #tpu.memory_space<hbm>>
        %dma_start3A_200 = tpu.memref_slice %arg3[%add3A_198] : memref<320000xi32, #tpu.memory_space<hbm>> -> memref<64xi32, #tpu.memory_space<hbm>>
        tpu.enqueue_dma source(%dma_start3A_200 : memref<64xi32, #tpu.memory_space<hbm>>) target(%arg11 : memref<64xi32, #tpu.memory_space<vmem>>) target_semaphore(%arg32 : memref<!tpu.dma_semaphore, #tpu.memory_space<semaphore_mem>>)
        %dma_start3A_201 = tpu.memref_slice %arg4[%add3A_198] : memref<320000xi32, #tpu.memory_space<hbm>> -> memref<64xi32, #tpu.memory_space<hbm>>
        %dma_start3A_202 = tpu.memref_slice %arg4[%add3A_198] : memref<320000xi32, #tpu.memory_space<hbm>> -> memref<64xi32, #tpu.memory_space<hbm>>
        tpu.enqueue_dma source(%dma_start3A_202 : memref<64xi32, #tpu.memory_space<hbm>>) target(%arg17 : memref<64xi32, #tpu.memory_space<vmem>>) target_semaphore(%arg32 : memref<!tpu.dma_semaphore, #tpu.memory_space<semaphore_mem>>)
      } else {
      }
      %add3A_175 = arith.constant 5 : i32
      %add3A_176 = arith.addi %add3A_80, %add3A_175 : i32
      %add3A_177 = arith.constant 4 : i32
      %add3A_178 = arith.addi %add3A_176, %add3A_177 : i32
      %lt3A_179 = arith.constant 156 : i32
      %lt3A_180 = arith.cmpi slt, %add3A_178, %lt3A_179 : i32
      %convert_element_type3A_181 = arith.extui %lt3A_180 : i1 to i32
      %cond3A_182 = arith.constant 0 : i32
      %cond3A_183 = arith.cmpi ne, %convert_element_type3A_181, %cond3A_182 : i32
      scf.if %cond3A_183 {
        %dma_wait3A_194 = arith.constant 0 : i32
        %dma_wait3A_195 = tpu.memref_slice %arg3[%dma_wait3A_194] : memref<320000xi32, #tpu.memory_space<hbm>> -> memref<64xi32, #tpu.memory_space<hbm>>
        %dma_wait3A_196 = arith.constant 0 : i32
        %dma_wait3A_197 = tpu.memref_slice %arg3[%dma_wait3A_196] : memref<320000xi32, #tpu.memory_space<hbm>> -> memref<64xi32, #tpu.memory_space<hbm>>
        tpu.wait_dma2 semaphore(%arg31 : memref<!tpu.dma_semaphore, #tpu.memory_space<semaphore_mem>>) src(%dma_wait3A_197 : memref<64xi32, #tpu.memory_space<hbm>>) dst(%arg10 : memref<64xi32, #tpu.memory_space<vmem>>)
        %dma_wait3A_198 = arith.constant 0 : i32
        %dma_wait3A_199 = tpu.memref_slice %arg4[%dma_wait3A_198] : memref<320000xi32, #tpu.memory_space<hbm>> -> memref<64xi32, #tpu.memory_space<hbm>>
        %dma_wait3A_200 = arith.constant 0 : i32
        %dma_wait3A_201 = tpu.memref_slice %arg4[%dma_wait3A_200] : memref<320000xi32, #tpu.memory_space<hbm>> -> memref<64xi32, #tpu.memory_space<hbm>>
        tpu.wait_dma2 semaphore(%arg31 : memref<!tpu.dma_semaphore, #tpu.memory_space<semaphore_mem>>) src(%dma_wait3A_201 : memref<64xi32, #tpu.memory_space<hbm>>) dst(%arg16 : memref<64xi32, #tpu.memory_space<vmem>>)
        %dma_start3A_202 = arith.constant 0 : i32
        %dma_start3A_203 = arith.constant 0 : i32
        %dma_start3A_204 = tpu.memref_slice %arg2[%dma_start3A_202, %dma_start3A_203] : memref<10000x128xf32, #tpu.memory_space<hbm>> -> memref<10000x128xf32, #tpu.memory_space<hbm>>
        tpu.enqueue_indirect_dma source(%dma_start3A_204 : memref<10000x128xf32, #tpu.memory_space<hbm>>) target(%arg22 : memref<64x128xf32, #tpu.memory_space<vmem>>) offsets(%arg10 : memref<64xi32, #tpu.memory_space<vmem>>) semaphore(%arg37 : memref<!tpu.dma_semaphore, #tpu.memory_space<semaphore_mem>>)
      } else {
      }
      %dma_wait3A_184 = arith.constant 0 : i32
      %dma_wait3A_185 = arith.constant 0 : i32
      %dma_wait3A_186 = tpu.memref_slice %arg2[%dma_wait3A_184, %dma_wait3A_185] : memref<10000x128xf32, #tpu.memory_space<hbm>> -> memref<10000x128xf32, #tpu.memory_space<hbm>>
      tpu.wait_indirect_dma semaphore(%arg39 : memref<!tpu.dma_semaphore, #tpu.memory_space<semaphore_mem>>) src(%dma_wait3A_186 : memref<10000x128xf32, #tpu.memory_space<hbm>>) dst(%arg24 : memref<64x128xf32, #tpu.memory_space<vmem>>)
      "tpu.region"() ({
        %run_scoped3A = tpu.sem_alloc : memref<!tpu.dma_semaphore, #tpu.memory_space<semaphore_mem>>
        %dma_start3A_194 = arith.constant 0 : i32
        %dma_start3A_195 = arith.constant 0 : i32
        %dma_start3A_196 = tpu.memref_slice %arg27[%dma_start3A_194, %dma_start3A_195] : memref<10000x128xf32, #tpu.memory_space<vmem_shared>> -> memref<10000x128xf32, #tpu.memory_space<vmem_shared>>
        tpu.enqueue_indirect_dma source(%arg24 : memref<64x128xf32, #tpu.memory_space<vmem>>) target(%dma_start3A_196 : memref<10000x128xf32, #tpu.memory_space<vmem_shared>>) offsets(%arg18 : memref<64xi32, #tpu.memory_space<vmem>>) semaphore(%run_scoped3A : memref<!tpu.dma_semaphore, #tpu.memory_space<semaphore_mem>>) {add = true}
        %dma_wait3A_197 = arith.constant 0 : i32
        %dma_wait3A_198 = arith.constant 0 : i32
        %dma_wait3A_199 = tpu.memref_slice %arg27[%dma_wait3A_197, %dma_wait3A_198] : memref<10000x128xf32, #tpu.memory_space<vmem_shared>> -> memref<10000x128xf32, #tpu.memory_space<vmem_shared>>
        tpu.wait_indirect_dma semaphore(%run_scoped3A : memref<!tpu.dma_semaphore, #tpu.memory_space<semaphore_mem>>) src(%arg24 : memref<64x128xf32, #tpu.memory_space<vmem>>) dst(%dma_wait3A_199 : memref<10000x128xf32, #tpu.memory_space<vmem_shared>>)
        tpu.yield
      }) : () -> ()
      %add3A_187 = arith.constant 6 : i32
      %add3A_188 = arith.addi %add3A_176, %add3A_187 : i32
      %lt3A_189 = arith.constant 156 : i32
      %lt3A_190 = arith.cmpi slt, %add3A_188, %lt3A_189 : i32
      %convert_element_type3A_191 = arith.extui %lt3A_190 : i1 to i32
      %cond3A_192 = arith.constant 0 : i32
      %cond3A_193 = arith.cmpi ne, %convert_element_type3A_191, %cond3A_192 : i32
      scf.if %cond3A_193 {
        %add3A_194 = arith.constant 6 : i32
        %add3A_195 = arith.addi %add3A_176, %add3A_194 : i32
        %mul3A_196 = arith.constant 64 : i32
        %mul3A_197 = arith.muli %add3A_195, %mul3A_196 : i32
        %add3A_198 = arith.addi %mul3A_6, %mul3A_197 : i32
        %dma_start3A_199 = tpu.memref_slice %arg3[%add3A_198] : memref<320000xi32, #tpu.memory_space<hbm>> -> memref<64xi32, #tpu.memory_space<hbm>>
        %dma_start3A_200 = tpu.memref_slice %arg3[%add3A_198] : memref<320000xi32, #tpu.memory_space<hbm>> -> memref<64xi32, #tpu.memory_space<hbm>>
        tpu.enqueue_dma source(%dma_start3A_200 : memref<64xi32, #tpu.memory_space<hbm>>) target(%arg12 : memref<64xi32, #tpu.memory_space<vmem>>) target_semaphore(%arg33 : memref<!tpu.dma_semaphore, #tpu.memory_space<semaphore_mem>>)
        %dma_start3A_201 = tpu.memref_slice %arg4[%add3A_198] : memref<320000xi32, #tpu.memory_space<hbm>> -> memref<64xi32, #tpu.memory_space<hbm>>
        %dma_start3A_202 = tpu.memref_slice %arg4[%add3A_198] : memref<320000xi32, #tpu.memory_space<hbm>> -> memref<64xi32, #tpu.memory_space<hbm>>
        tpu.enqueue_dma source(%dma_start3A_202 : memref<64xi32, #tpu.memory_space<hbm>>) target(%arg18 : memref<64xi32, #tpu.memory_space<vmem>>) target_semaphore(%arg33 : memref<!tpu.dma_semaphore, #tpu.memory_space<semaphore_mem>>)
      } else {
      }
    }
    %scan3A_49 = arith.constant 26 : i32
    %add3A_50 = arith.constant 9984 : i32
    %add3A_51 = arith.addi %mul3A_6, %add3A_50 : i32
    "tpu.region"() ({
      %run_scoped3A = tpu.sem_alloc : memref<!tpu.dma_semaphore, #tpu.memory_space<semaphore_mem>>
      %dma_start3A_76 = tpu.memref_slice %arg3[%add3A_51] : memref<320000xi32, #tpu.memory_space<hbm>> -> memref<16xi32, #tpu.memory_space<hbm>>
      %dma_start3A_77 = tpu.memref_slice %arg3[%add3A_51] : memref<320000xi32, #tpu.memory_space<hbm>> -> memref<16xi32, #tpu.memory_space<hbm>>
      tpu.enqueue_dma source(%dma_start3A_77 : memref<16xi32, #tpu.memory_space<hbm>>) target(%arg25 : memref<16xi32, #tpu.memory_space<vmem>>) target_semaphore(%run_scoped3A : memref<!tpu.dma_semaphore, #tpu.memory_space<semaphore_mem>>)
      %dma_wait3A_78 = tpu.memref_slice %arg3[%add3A_51] : memref<320000xi32, #tpu.memory_space<hbm>> -> memref<16xi32, #tpu.memory_space<hbm>>
      %dma_wait3A_79 = tpu.memref_slice %arg3[%add3A_51] : memref<320000xi32, #tpu.memory_space<hbm>> -> memref<16xi32, #tpu.memory_space<hbm>>
      tpu.wait_dma2 semaphore(%run_scoped3A : memref<!tpu.dma_semaphore, #tpu.memory_space<semaphore_mem>>) src(%dma_wait3A_79 : memref<16xi32, #tpu.memory_space<hbm>>) dst(%arg25 : memref<16xi32, #tpu.memory_space<vmem>>)
      tpu.yield
    }) : () -> ()
    "tpu.region"() ({
      %run_scoped3A = tpu.sem_alloc : memref<!tpu.dma_semaphore, #tpu.memory_space<semaphore_mem>>
      %dma_start3A_76 = tpu.memref_slice %arg4[%add3A_51] : memref<320000xi32, #tpu.memory_space<hbm>> -> memref<16xi32, #tpu.memory_space<hbm>>
      %dma_start3A_77 = tpu.memref_slice %arg4[%add3A_51] : memref<320000xi32, #tpu.memory_space<hbm>> -> memref<16xi32, #tpu.memory_space<hbm>>
      tpu.enqueue_dma source(%dma_start3A_77 : memref<16xi32, #tpu.memory_space<hbm>>) target(%arg26 : memref<16xi32, #tpu.memory_space<vmem>>) target_semaphore(%run_scoped3A : memref<!tpu.dma_semaphore, #tpu.memory_space<semaphore_mem>>)
      %dma_wait3A_78 = tpu.memref_slice %arg4[%add3A_51] : memref<320000xi32, #tpu.memory_space<hbm>> -> memref<16xi32, #tpu.memory_space<hbm>>
      %dma_wait3A_79 = tpu.memref_slice %arg4[%add3A_51] : memref<320000xi32, #tpu.memory_space<hbm>> -> memref<16xi32, #tpu.memory_space<hbm>>
      tpu.wait_dma2 semaphore(%run_scoped3A : memref<!tpu.dma_semaphore, #tpu.memory_space<semaphore_mem>>) src(%dma_wait3A_79 : memref<16xi32, #tpu.memory_space<hbm>>) dst(%arg26 : memref<16xi32, #tpu.memory_space<vmem>>)
      tpu.yield
    }) : () -> ()
    %dma_start3A_52 = arith.constant 0 : i32
    %dma_start3A_53 = arith.constant 0 : i32
    %dma_start3A_54 = tpu.memref_slice %arg19[%dma_start3A_52, %dma_start3A_53] : memref<64x128xf32, #tpu.memory_space<vmem>> -> memref<16x128xf32, #tpu.memory_space<vmem>>
    %dma_start3A_55 = arith.constant 0 : i32
    %dma_start3A_56 = arith.constant 0 : i32
    %dma_start3A_57 = tpu.memref_slice %arg2[%dma_start3A_55, %dma_start3A_56] : memref<10000x128xf32, #tpu.memory_space<hbm>> -> memref<10000x128xf32, #tpu.memory_space<hbm>>
    tpu.enqueue_indirect_dma source(%dma_start3A_57 : memref<10000x128xf32, #tpu.memory_space<hbm>>) target(%dma_start3A_54 : memref<16x128xf32, #tpu.memory_space<vmem>>) offsets(%arg25 : memref<16xi32, #tpu.memory_space<vmem>>) semaphore(%arg34 : memref<!tpu.dma_semaphore, #tpu.memory_space<semaphore_mem>>)
    %dma_wait3A = arith.constant 0 : i32
    %dma_wait3A_58 = arith.constant 0 : i32
    %dma_wait3A_59 = tpu.memref_slice %arg19[%dma_wait3A, %dma_wait3A_58] : memref<64x128xf32, #tpu.memory_space<vmem>> -> memref<16x128xf32, #tpu.memory_space<vmem>>
    %dma_wait3A_60 = arith.constant 0 : i32
    %dma_wait3A_61 = arith.constant 0 : i32
    %dma_wait3A_62 = tpu.memref_slice %arg2[%dma_wait3A_60, %dma_wait3A_61] : memref<10000x128xf32, #tpu.memory_space<hbm>> -> memref<10000x128xf32, #tpu.memory_space<hbm>>
    tpu.wait_indirect_dma semaphore(%arg34 : memref<!tpu.dma_semaphore, #tpu.memory_space<semaphore_mem>>) src(%dma_wait3A_62 : memref<10000x128xf32, #tpu.memory_space<hbm>>) dst(%dma_wait3A_59 : memref<16x128xf32, #tpu.memory_space<vmem>>)
    "tpu.region"() ({
      %run_scoped3A = tpu.sem_alloc : memref<!tpu.dma_semaphore, #tpu.memory_space<semaphore_mem>>
      %dma_start3A_76 = arith.constant 0 : i32
      %dma_start3A_77 = arith.constant 0 : i32
      %dma_start3A_78 = tpu.memref_slice %arg19[%dma_start3A_76, %dma_start3A_77] : memref<64x128xf32, #tpu.memory_space<vmem>> -> memref<16x128xf32, #tpu.memory_space<vmem>>
      %dma_start3A_79 = arith.constant 0 : i32
      %dma_start3A_80 = arith.constant 0 : i32
      %dma_start3A_81 = tpu.memref_slice %arg27[%dma_start3A_79, %dma_start3A_80] : memref<10000x128xf32, #tpu.memory_space<vmem_shared>> -> memref<10000x128xf32, #tpu.memory_space<vmem_shared>>
      tpu.enqueue_indirect_dma source(%dma_start3A_78 : memref<16x128xf32, #tpu.memory_space<vmem>>) target(%dma_start3A_81 : memref<10000x128xf32, #tpu.memory_space<vmem_shared>>) offsets(%arg26 : memref<16xi32, #tpu.memory_space<vmem>>) semaphore(%run_scoped3A : memref<!tpu.dma_semaphore, #tpu.memory_space<semaphore_mem>>) {add = true}
      %dma_wait3A_82 = arith.constant 0 : i32
      %dma_wait3A_83 = arith.constant 0 : i32
      %dma_wait3A_84 = tpu.memref_slice %arg19[%dma_wait3A_82, %dma_wait3A_83] : memref<64x128xf32, #tpu.memory_space<vmem>> -> memref<16x128xf32, #tpu.memory_space<vmem>>
      %dma_wait3A_85 = arith.constant 0 : i32
      %dma_wait3A_86 = arith.constant 0 : i32
      %dma_wait3A_87 = tpu.memref_slice %arg27[%dma_wait3A_85, %dma_wait3A_86] : memref<10000x128xf32, #tpu.memory_space<vmem_shared>> -> memref<10000x128xf32, #tpu.memory_space<vmem_shared>>
      tpu.wait_indirect_dma semaphore(%run_scoped3A : memref<!tpu.dma_semaphore, #tpu.memory_space<semaphore_mem>>) src(%dma_wait3A_84 : memref<16x128xf32, #tpu.memory_space<vmem>>) dst(%dma_wait3A_87 : memref<10000x128xf32, #tpu.memory_space<vmem_shared>>)
      tpu.yield
    }) : () -> ()
    %barrier3A_63 = arith.constant 0 : index
    tpu.barrier barrier_id(%barrier3A_63)
    %mul3A_64 = arith.constant 10000 : i32
    %mul3A_65 = arith.muli %arg0, %mul3A_64 : i32
    %mul3A_66 = arith.constant 624 : i32
    %mul3A_67 = arith.muli %arg1, %mul3A_66 : i32
    %mul3A_68 = arith.constant 624 : i32
    %mul3A_69 = arith.muli %arg1, %mul3A_68 : i32
    %add3A_70 = arith.addi %mul3A_65, %mul3A_69 : i32
    "tpu.region"() ({
      %run_scoped3A = tpu.sem_alloc : memref<!tpu.dma_semaphore, #tpu.memory_space<semaphore_mem>>
      %dma_start3A_76 = arith.constant 0 : i32
      %dma_start3A_77 = tpu.memref_slice %arg6[%add3A_70, %dma_start3A_76] : memref<20000x128xf32, #tpu.memory_space<hbm>> -> memref<624x128xf32, #tpu.memory_space<hbm>>
      %dma_start3A_78 = arith.constant 0 : i32
      %dma_start3A_79 = tpu.memref_slice %arg27[%mul3A_67, %dma_start3A_78] : memref<10000x128xf32, #tpu.memory_space<vmem_shared>> -> memref<624x128xf32, #tpu.memory_space<vmem_shared>>
      tpu.enqueue_dma source(%dma_start3A_79 : memref<624x128xf32, #tpu.memory_space<vmem_shared>>) target(%dma_start3A_77 : memref<624x128xf32, #tpu.memory_space<hbm>>) target_semaphore(%run_scoped3A : memref<!tpu.dma_semaphore, #tpu.memory_space<semaphore_mem>>)
      %dma_wait3A_80 = arith.constant 0 : i32
      %dma_wait3A_81 = tpu.memref_slice %arg6[%add3A_70, %dma_wait3A_80] : memref<20000x128xf32, #tpu.memory_space<hbm>> -> memref<624x128xf32, #tpu.memory_space<hbm>>
      %dma_wait3A_82 = arith.constant 0 : i32
      %dma_wait3A_83 = tpu.memref_slice %arg27[%mul3A_67, %dma_wait3A_82] : memref<10000x128xf32, #tpu.memory_space<vmem_shared>> -> memref<624x128xf32, #tpu.memory_space<vmem_shared>>
      tpu.wait_dma2 semaphore(%run_scoped3A : memref<!tpu.dma_semaphore, #tpu.memory_space<semaphore_mem>>) src(%dma_wait3A_83 : memref<624x128xf32, #tpu.memory_space<vmem_shared>>) dst(%dma_wait3A_81 : memref<624x128xf32, #tpu.memory_space<hbm>>)
      tpu.yield
    }) : () -> ()
    %eq3A_71 = arith.constant 0 : i32
    %eq3A_72 = arith.cmpi eq, %arg1, %eq3A_71 : i32
    %convert_element_type3A_73 = arith.extui %eq3A_72 : i1 to i32
    %cond3A_74 = arith.constant 0 : i32
    %cond3A_75 = arith.cmpi ne, %convert_element_type3A_73, %cond3A_74 : i32
    scf.if %cond3A_75 {
      %add3A_76 = arith.constant 9984 : i32
      %add3A_77 = arith.addi %mul3A_65, %add3A_76 : i32
      "tpu.region"() ({
        %run_scoped3A = tpu.sem_alloc : memref<!tpu.dma_semaphore, #tpu.memory_space<semaphore_mem>>
        %dma_start3A_78 = arith.constant 0 : i32
        %dma_start3A_79 = tpu.memref_slice %arg6[%add3A_77, %dma_start3A_78] : memref<20000x128xf32, #tpu.memory_space<hbm>> -> memref<16x128xf32, #tpu.memory_space<hbm>>
        %dma_start3A_80 = arith.constant 9984 : i32
        %dma_start3A_81 = arith.constant 0 : i32
        %dma_start3A_82 = tpu.memref_slice %arg27[%dma_start3A_80, %dma_start3A_81] : memref<10000x128xf32, #tpu.memory_space<vmem_shared>> -> memref<16x128xf32, #tpu.memory_space<vmem_shared>>
        tpu.enqueue_dma source(%dma_start3A_82 : memref<16x128xf32, #tpu.memory_space<vmem_shared>>) target(%dma_start3A_79 : memref<16x128xf32, #tpu.memory_space<hbm>>) target_semaphore(%run_scoped3A : memref<!tpu.dma_semaphore, #tpu.memory_space<semaphore_mem>>)
        %dma_wait3A_83 = arith.constant 0 : i32
        %dma_wait3A_84 = tpu.memref_slice %arg6[%add3A_77, %dma_wait3A_83] : memref<20000x128xf32, #tpu.memory_space<hbm>> -> memref<16x128xf32, #tpu.memory_space<hbm>>
        %dma_wait3A_85 = arith.constant 9984 : i32
        %dma_wait3A_86 = arith.constant 0 : i32
        %dma_wait3A_87 = tpu.memref_slice %arg27[%dma_wait3A_85, %dma_wait3A_86] : memref<10000x128xf32, #tpu.memory_space<vmem_shared>> -> memref<16x128xf32, #tpu.memory_space<vmem_shared>>
        tpu.wait_dma2 semaphore(%run_scoped3A : memref<!tpu.dma_semaphore, #tpu.memory_space<semaphore_mem>>) src(%dma_wait3A_87 : memref<16x128xf32, #tpu.memory_space<vmem_shared>>) dst(%dma_wait3A_84 : memref<16x128xf32, #tpu.memory_space<hbm>>)
        tpu.yield
      }) : () -> ()
    } else {
    }
    return
  }
}

module attributes {stable_mosaic.version = 14 : i64} {
  func.func @_gru_step_body(%arg0: i32, %arg1: memref<2000x128xf32, #tpu.memory_space<vmem>>, %arg2: memref<2000x128xf32, #tpu.memory_space<vmem>>, %arg3: memref<2000x128xf32, #tpu.memory_space<vmem>>, %arg4: memref<128x128xf32, #tpu.memory_space<vmem>>, %arg5: memref<256x256xf32, #tpu.memory_space<vmem>>, %arg6: memref<1x256xf32, #tpu.memory_space<vmem>>, %arg7: memref<256x128xf32, #tpu.memory_space<vmem>>, %arg8: memref<1x128xf32, #tpu.memory_space<vmem>>, %arg9: memref<2000x128xf32, #tpu.memory_space<vmem>>) attributes {dimension_semantics = [#tpu.dimension_semantics<arbitrary>], iteration_bounds = array<i64: 5>, scalar_prefetch = 0 : i64, scratch_operands = 0 : i64, tpu.core_type = #tpu.core_type<tc>, window_params = [{transform_indices = @transform_0, window_bounds = array<i64: 2000, 128>}, {transform_indices = @transform_1, window_bounds = array<i64: 2000, 128>}, {transform_indices = @transform_2, window_bounds = array<i64: 2000, 128>}, {pipeline_mode = #tpu.pipeline_mode<synchronous>, transform_indices = @transform_3, window_bounds = array<i64: 128, 128>}, {pipeline_mode = #tpu.pipeline_mode<synchronous>, transform_indices = @transform_4, window_bounds = array<i64: 256, 256>}, {pipeline_mode = #tpu.pipeline_mode<synchronous>, transform_indices = @transform_5, window_bounds = array<i64: 1, 256>}, {pipeline_mode = #tpu.pipeline_mode<synchronous>, transform_indices = @transform_6, window_bounds = array<i64: 256, 128>}, {pipeline_mode = #tpu.pipeline_mode<synchronous>, transform_indices = @transform_7, window_bounds = array<i64: 1, 128>}, {transform_indices = @transform_8, window_bounds = array<i64: 2000, 128>}]} {
    %get3A = arith.constant 0 : index
    %get3A_0 = arith.constant 0 : index
    %get3A_1 = vector.load %arg1[%get3A, %get3A_0] : memref<2000x128xf32, #tpu.memory_space<vmem>>, vector<2000x128xf32>
    %get3A_2 = arith.constant 0 : index
    %get3A_3 = arith.constant 0 : index
    %get3A_4 = vector.load %arg2[%get3A_2, %get3A_3] : memref<2000x128xf32, #tpu.memory_space<vmem>>, vector<2000x128xf32>
    %add3A = arith.addf %get3A_1, %get3A_4 : vector<2000x128xf32>
    %get3A_5 = arith.constant 0 : index
    %get3A_6 = arith.constant 0 : index
    %get3A_7 = vector.load %arg4[%get3A_5, %get3A_6] : memref<128x128xf32, #tpu.memory_space<vmem>>, vector<128x128xf32>
    %dot_general3A = arith.constant dense<0.000000e+00> : vector<2000x128xf32>
    %dot_general3A_8 = tpu.matmul %add3A, %get3A_7, %dot_general3A {dimension_numbers = #tpu.dot_dimension_numbers<[1], [0], [0], [1], [0, 0, 1, 1], [], []>, transpose_lhs_hint = false} : vector<2000x128xf32>, vector<128x128xf32>, vector<2000x128xf32> -> vector<2000x128xf32>
    %get3A_9 = arith.constant 0 : index
    %get3A_10 = arith.constant 0 : index
    %get3A_11 = vector.load %arg3[%get3A_9, %get3A_10] : memref<2000x128xf32, #tpu.memory_space<vmem>>, vector<2000x128xf32>
    %concatenate3A = tpu.concatenate %dot_general3A_8, %get3A_11 in 1 : vector<2000x128xf32>, vector<2000x128xf32> -> vector<2000x256xf32>
    %get3A_12 = arith.constant 0 : index
    %get3A_13 = arith.constant 0 : index
    %get3A_14 = vector.load %arg5[%get3A_12, %get3A_13] : memref<256x256xf32, #tpu.memory_space<vmem>>, vector<256x256xf32>
    %dot_general3A_15 = arith.constant dense<0.000000e+00> : vector<2000x256xf32>
    %dot_general3A_16 = tpu.matmul %concatenate3A, %get3A_14, %dot_general3A_15 {dimension_numbers = #tpu.dot_dimension_numbers<[1], [0], [0], [1], [0, 0, 1, 1], [], []>, transpose_lhs_hint = false} : vector<2000x256xf32>, vector<256x256xf32>, vector<2000x256xf32> -> vector<2000x256xf32>
    %get3A_17 = arith.constant 0 : index
    %get3A_18 = arith.constant 0 : index
    %get3A_19 = vector.load %arg6[%get3A_17, %get3A_18] : memref<1x256xf32, #tpu.memory_space<vmem>>, vector<1x256xf32>
    %add3A_20 = vector.broadcast %get3A_19 : vector<1x256xf32> to vector<2000x256xf32>
    %add3A_21 = arith.addf %dot_general3A_16, %add3A_20 : vector<2000x256xf32>
    %logistic3A = arith.negf %add3A_21 : vector<2000x256xf32>
    %logistic3A_22 = math.exp %logistic3A : vector<2000x256xf32>
    %logistic3A_23 = arith.constant 1.000000e+00 : f32
    %logistic3A_24 = vector.broadcast %logistic3A_23 : f32 to vector<2000x256xf32>
    %logistic3A_25 = arith.addf %logistic3A_24, %logistic3A_22 : vector<2000x256xf32>
    %logistic3A_26 = arith.divf %logistic3A_24, %logistic3A_25 : vector<2000x256xf32>
    %slice3A = vector.extract_strided_slice %logistic3A_26 {offsets = [0, 0], sizes = [2000, 128], strides = [1, 1]} : vector<2000x256xf32> to vector<2000x128xf32>
    %slice3A_27 = vector.extract_strided_slice %logistic3A_26 {offsets = [0, 128], sizes = [2000, 128], strides = [1, 1]} : vector<2000x256xf32> to vector<2000x128xf32>
    %mul3A = arith.mulf %slice3A_27, %get3A_11 : vector<2000x128xf32>
    %concatenate3A_28 = tpu.concatenate %dot_general3A_8, %mul3A in 1 : vector<2000x128xf32>, vector<2000x128xf32> -> vector<2000x256xf32>
    %get3A_29 = arith.constant 0 : index
    %get3A_30 = arith.constant 0 : index
    %get3A_31 = vector.load %arg7[%get3A_29, %get3A_30] : memref<256x128xf32, #tpu.memory_space<vmem>>, vector<256x128xf32>
    %dot_general3A_32 = arith.constant dense<0.000000e+00> : vector<2000x128xf32>
    %dot_general3A_33 = tpu.matmul %concatenate3A_28, %get3A_31, %dot_general3A_32 {dimension_numbers = #tpu.dot_dimension_numbers<[1], [0], [0], [1], [0, 0, 1, 1], [], []>, transpose_lhs_hint = false} : vector<2000x256xf32>, vector<256x128xf32>, vector<2000x128xf32> -> vector<2000x128xf32>
    %get3A_34 = arith.constant 0 : index
    %get3A_35 = arith.constant 0 : index
    %get3A_36 = vector.load %arg8[%get3A_34, %get3A_35] : memref<1x128xf32, #tpu.memory_space<vmem>>, vector<1x128xf32>
    %add3A_37 = vector.broadcast %get3A_36 : vector<1x128xf32> to vector<2000x128xf32>
    %add3A_38 = arith.addf %dot_general3A_33, %add3A_37 : vector<2000x128xf32>
    %tanh3A = math.tanh %add3A_38 : vector<2000x128xf32>
    %sub3A = arith.constant 1.000000e+00 : f32
    %sub3A_39 = vector.broadcast %sub3A : f32 to vector<2000x128xf32>
    %sub3A_40 = arith.subf %sub3A_39, %slice3A : vector<2000x128xf32>
    %mul3A_41 = arith.mulf %sub3A_40, %get3A_11 : vector<2000x128xf32>
    %mul3A_42 = arith.mulf %slice3A, %tanh3A : vector<2000x128xf32>
    %add3A_43 = arith.addf %mul3A_41, %mul3A_42 : vector<2000x128xf32>
    %swap3A = arith.constant 0 : index
    %swap3A_44 = arith.constant 0 : index
    %swap3A_45 = vector.load %arg9[%swap3A, %swap3A_44] : memref<2000x128xf32, #tpu.memory_space<vmem>>, vector<2000x128xf32>
    tpu.vector_store %arg9[%swap3A, %swap3A_44], %add3A_43 {strides = array<i32>} : memref<2000x128xf32, #tpu.memory_space<vmem>>, vector<2000x128xf32>,
    return
  }
  func.func @transform_0(%arg0: i32) -> (i32, i32) {
    %add3A = arith.constant 0 : i32
    %add3A_0 = arith.addi %arg0, %add3A : i32
    %c0_i32 = arith.constant 0 : i32
    %c0_i32_1 = arith.constant 0 : i32
    return %add3A_0, %c0_i32 : i32, i32
  }
  func.func @transform_1(%arg0: i32) -> (i32, i32) {
    %add3A = arith.constant 5 : i32
    %add3A_0 = arith.addi %arg0, %add3A : i32
    %c0_i32 = arith.constant 0 : i32
    %c0_i32_1 = arith.constant 0 : i32
    return %add3A_0, %c0_i32 : i32, i32
  }
  func.func @transform_2(%arg0: i32) -> (i32, i32) {
    %add3A = arith.constant 0 : i32
    %add3A_0 = arith.addi %arg0, %add3A : i32
    %c0_i32 = arith.constant 0 : i32
    %c0_i32_1 = arith.constant 0 : i32
    return %add3A_0, %c0_i32 : i32, i32
  }
  func.func @transform_3(%arg0: i32) -> (i32, i32) {
    %c0_i32 = arith.constant 0 : i32
    %c0_i32_0 = arith.constant 0 : i32
    %c0_i32_1 = arith.constant 0 : i32
    return %c0_i32, %c0_i32_0 : i32, i32
  }
  func.func @transform_4(%arg0: i32) -> (i32, i32) {
    %c0_i32 = arith.constant 0 : i32
    %c0_i32_0 = arith.constant 0 : i32
    %c0_i32_1 = arith.constant 0 : i32
    return %c0_i32, %c0_i32_0 : i32, i32
  }
  func.func @transform_5(%arg0: i32) -> (i32, i32) {
    %c0_i32 = arith.constant 0 : i32
    %c0_i32_0 = arith.constant 0 : i32
    %c0_i32_1 = arith.constant 0 : i32
    return %c0_i32, %c0_i32_0 : i32, i32
  }
  func.func @transform_6(%arg0: i32) -> (i32, i32) {
    %c0_i32 = arith.constant 0 : i32
    %c0_i32_0 = arith.constant 0 : i32
    %c0_i32_1 = arith.constant 0 : i32
    return %c0_i32, %c0_i32_0 : i32, i32
  }
  func.func @transform_7(%arg0: i32) -> (i32, i32) {
    %c0_i32 = arith.constant 0 : i32
    %c0_i32_0 = arith.constant 0 : i32
    %c0_i32_1 = arith.constant 0 : i32
    return %c0_i32, %c0_i32_0 : i32, i32
  }
  func.func @transform_8(%arg0: i32) -> (i32, i32) {
    %add3A = arith.constant 0 : i32
    %add3A_0 = arith.addi %arg0, %add3A : i32
    %c0_i32 = arith.constant 0 : i32
    %c0_i32_1 = arith.constant 0 : i32
    return %add3A_0, %c0_i32 : i32, i32
  }
}

module attributes {stable_mosaic.version = 14 : i64} {
  func.func @_gru_mlp_body(%arg0: i32, %arg1: memref<2000x128xf32, #tpu.memory_space<vmem>>, %arg2: memref<2000x128xf32, #tpu.memory_space<vmem>>, %arg3: memref<2000x128xf32, #tpu.memory_space<vmem>>, %arg4: memref<2000x128xf32, #tpu.memory_space<vmem>>, %arg5: memref<128x128xf32, #tpu.memory_space<vmem>>, %arg6: memref<256x256xf32, #tpu.memory_space<vmem>>, %arg7: memref<1x256xf32, #tpu.memory_space<vmem>>, %arg8: memref<256x128xf32, #tpu.memory_space<vmem>>, %arg9: memref<1x128xf32, #tpu.memory_space<vmem>>, %arg10: memref<256x128xf32, #tpu.memory_space<vmem>>, %arg11: memref<1x128xf32, #tpu.memory_space<vmem>>, %arg12: memref<128x128xf32, #tpu.memory_space<vmem>>, %arg13: memref<1x128xf32, #tpu.memory_space<vmem>>, %arg14: memref<2000x128xf32, #tpu.memory_space<vmem>>) attributes {dimension_semantics = [#tpu.dimension_semantics<arbitrary>], iteration_bounds = array<i64: 5>, scalar_prefetch = 0 : i64, scratch_operands = 0 : i64, tpu.core_type = #tpu.core_type<tc>, window_params = [{transform_indices = @transform_0, window_bounds = array<i64: 2000, 128>}, {transform_indices = @transform_1, window_bounds = array<i64: 2000, 128>}, {transform_indices = @transform_2, window_bounds = array<i64: 2000, 128>}, {transform_indices = @transform_3, window_bounds = array<i64: 2000, 128>}, {pipeline_mode = #tpu.pipeline_mode<synchronous>, transform_indices = @transform_4, window_bounds = array<i64: 128, 128>}, {pipeline_mode = #tpu.pipeline_mode<synchronous>, transform_indices = @transform_5, window_bounds = array<i64: 256, 256>}, {pipeline_mode = #tpu.pipeline_mode<synchronous>, transform_indices = @transform_6, window_bounds = array<i64: 1, 256>}, {pipeline_mode = #tpu.pipeline_mode<synchronous>, transform_indices = @transform_7, window_bounds = array<i64: 256, 128>}, {pipeline_mode = #tpu.pipeline_mode<synchronous>, transform_indices = @transform_8, window_bounds = array<i64: 1, 128>}, {pipeline_mode = #tpu.pipeline_mode<synchronous>, transform_indices = @transform_9, window_bounds = array<i64: 256, 128>}, {pipeline_mode = #tpu.pipeline_mode<synchronous>, transform_indices = @transform_10, window_bounds = array<i64: 1, 128>}, {pipeline_mode = #tpu.pipeline_mode<synchronous>, transform_indices = @transform_11, window_bounds = array<i64: 128, 128>}, {pipeline_mode = #tpu.pipeline_mode<synchronous>, transform_indices = @transform_12, window_bounds = array<i64: 1, 128>}, {transform_indices = @transform_13, window_bounds = array<i64: 2000, 128>}]} {
    %get3A = arith.constant 0 : index
    %get3A_0 = arith.constant 0 : index
    %get3A_1 = vector.load %arg1[%get3A, %get3A_0] : memref<2000x128xf32, #tpu.memory_space<vmem>>, vector<2000x128xf32>
    %get3A_2 = arith.constant 0 : index
    %get3A_3 = arith.constant 0 : index
    %get3A_4 = vector.load %arg2[%get3A_2, %get3A_3] : memref<2000x128xf32, #tpu.memory_space<vmem>>, vector<2000x128xf32>
    %add3A = arith.addf %get3A_1, %get3A_4 : vector<2000x128xf32>
    %get3A_5 = arith.constant 0 : index
    %get3A_6 = arith.constant 0 : index
    %get3A_7 = vector.load %arg5[%get3A_5, %get3A_6] : memref<128x128xf32, #tpu.memory_space<vmem>>, vector<128x128xf32>
    %dot_general3A = arith.constant dense<0.000000e+00> : vector<2000x128xf32>
    %dot_general3A_8 = tpu.matmul %add3A, %get3A_7, %dot_general3A {dimension_numbers = #tpu.dot_dimension_numbers<[1], [0], [0], [1], [0, 0, 1, 1], [], []>, transpose_lhs_hint = false} : vector<2000x128xf32>, vector<128x128xf32>, vector<2000x128xf32> -> vector<2000x128xf32>
    %get3A_9 = arith.constant 0 : index
    %get3A_10 = arith.constant 0 : index
    %get3A_11 = vector.load %arg3[%get3A_9, %get3A_10] : memref<2000x128xf32, #tpu.memory_space<vmem>>, vector<2000x128xf32>
    %concatenate3A = tpu.concatenate %dot_general3A_8, %get3A_11 in 1 : vector<2000x128xf32>, vector<2000x128xf32> -> vector<2000x256xf32>
    %get3A_12 = arith.constant 0 : index
    %get3A_13 = arith.constant 0 : index
    %get3A_14 = vector.load %arg6[%get3A_12, %get3A_13] : memref<256x256xf32, #tpu.memory_space<vmem>>, vector<256x256xf32>
    %dot_general3A_15 = arith.constant dense<0.000000e+00> : vector<2000x256xf32>
    %dot_general3A_16 = tpu.matmul %concatenate3A, %get3A_14, %dot_general3A_15 {dimension_numbers = #tpu.dot_dimension_numbers<[1], [0], [0], [1], [0, 0, 1, 1], [], []>, transpose_lhs_hint = false} : vector<2000x256xf32>, vector<256x256xf32>, vector<2000x256xf32> -> vector<2000x256xf32>
    %get3A_17 = arith.constant 0 : index
    %get3A_18 = arith.constant 0 : index
    %get3A_19 = vector.load %arg7[%get3A_17, %get3A_18] : memref<1x256xf32, #tpu.memory_space<vmem>>, vector<1x256xf32>
    %add3A_20 = vector.broadcast %get3A_19 : vector<1x256xf32> to vector<2000x256xf32>
    %add3A_21 = arith.addf %dot_general3A_16, %add3A_20 : vector<2000x256xf32>
    %logistic3A = arith.negf %add3A_21 : vector<2000x256xf32>
    %logistic3A_22 = math.exp %logistic3A : vector<2000x256xf32>
    %logistic3A_23 = arith.constant 1.000000e+00 : f32
    %logistic3A_24 = vector.broadcast %logistic3A_23 : f32 to vector<2000x256xf32>
    %logistic3A_25 = arith.addf %logistic3A_24, %logistic3A_22 : vector<2000x256xf32>
    %logistic3A_26 = arith.divf %logistic3A_24, %logistic3A_25 : vector<2000x256xf32>
    %slice3A = vector.extract_strided_slice %logistic3A_26 {offsets = [0, 0], sizes = [2000, 128], strides = [1, 1]} : vector<2000x256xf32> to vector<2000x128xf32>
    %slice3A_27 = vector.extract_strided_slice %logistic3A_26 {offsets = [0, 128], sizes = [2000, 128], strides = [1, 1]} : vector<2000x256xf32> to vector<2000x128xf32>
    %mul3A = arith.mulf %slice3A_27, %get3A_11 : vector<2000x128xf32>
    %concatenate3A_28 = tpu.concatenate %dot_general3A_8, %mul3A in 1 : vector<2000x128xf32>, vector<2000x128xf32> -> vector<2000x256xf32>
    %get3A_29 = arith.constant 0 : index
    %get3A_30 = arith.constant 0 : index
    %get3A_31 = vector.load %arg8[%get3A_29, %get3A_30] : memref<256x128xf32, #tpu.memory_space<vmem>>, vector<256x128xf32>
    %dot_general3A_32 = arith.constant dense<0.000000e+00> : vector<2000x128xf32>
    %dot_general3A_33 = tpu.matmul %concatenate3A_28, %get3A_31, %dot_general3A_32 {dimension_numbers = #tpu.dot_dimension_numbers<[1], [0], [0], [1], [0, 0, 1, 1], [], []>, transpose_lhs_hint = false} : vector<2000x256xf32>, vector<256x128xf32>, vector<2000x128xf32> -> vector<2000x128xf32>
    %get3A_34 = arith.constant 0 : index
    %get3A_35 = arith.constant 0 : index
    %get3A_36 = vector.load %arg9[%get3A_34, %get3A_35] : memref<1x128xf32, #tpu.memory_space<vmem>>, vector<1x128xf32>
    %add3A_37 = vector.broadcast %get3A_36 : vector<1x128xf32> to vector<2000x128xf32>
    %add3A_38 = arith.addf %dot_general3A_33, %add3A_37 : vector<2000x128xf32>
    %tanh3A = math.tanh %add3A_38 : vector<2000x128xf32>
    %sub3A = arith.constant 1.000000e+00 : f32
    %sub3A_39 = vector.broadcast %sub3A : f32 to vector<2000x128xf32>
    %sub3A_40 = arith.subf %sub3A_39, %slice3A : vector<2000x128xf32>
    %mul3A_41 = arith.mulf %sub3A_40, %get3A_11 : vector<2000x128xf32>
    %mul3A_42 = arith.mulf %slice3A, %tanh3A : vector<2000x128xf32>
    %add3A_43 = arith.addf %mul3A_41, %mul3A_42 : vector<2000x128xf32>
    %get3A_44 = arith.constant 0 : index
    %get3A_45 = arith.constant 0 : index
    %get3A_46 = vector.load %arg4[%get3A_44, %get3A_45] : memref<2000x128xf32, #tpu.memory_space<vmem>>, vector<2000x128xf32>
    %concatenate3A_47 = tpu.concatenate %add3A_43, %get3A_46 in 1 : vector<2000x128xf32>, vector<2000x128xf32> -> vector<2000x256xf32>
    %get3A_48 = arith.constant 0 : index
    %get3A_49 = arith.constant 0 : index
    %get3A_50 = vector.load %arg10[%get3A_48, %get3A_49] : memref<256x128xf32, #tpu.memory_space<vmem>>, vector<256x128xf32>
    %dot_general3A_51 = arith.constant dense<0.000000e+00> : vector<2000x128xf32>
    %dot_general3A_52 = tpu.matmul %concatenate3A_47, %get3A_50, %dot_general3A_51 {dimension_numbers = #tpu.dot_dimension_numbers<[1], [0], [0], [1], [0, 0, 1, 1], [], []>, transpose_lhs_hint = false} : vector<2000x256xf32>, vector<256x128xf32>, vector<2000x128xf32> -> vector<2000x128xf32>
    %get3A_53 = arith.constant 0 : index
    %get3A_54 = arith.constant 0 : index
    %get3A_55 = vector.load %arg11[%get3A_53, %get3A_54] : memref<1x128xf32, #tpu.memory_space<vmem>>, vector<1x128xf32>
    %add3A_56 = vector.broadcast %get3A_55 : vector<1x128xf32> to vector<2000x128xf32>
    %add3A_57 = arith.addf %dot_general3A_52, %add3A_56 : vector<2000x128xf32>
    %get3A_58 = arith.constant 0 : index
    %get3A_59 = arith.constant 0 : index
    %get3A_60 = vector.load %arg12[%get3A_58, %get3A_59] : memref<128x128xf32, #tpu.memory_space<vmem>>, vector<128x128xf32>
    %dot_general3A_61 = arith.constant dense<0.000000e+00> : vector<2000x128xf32>
    %dot_general3A_62 = tpu.matmul %add3A_57, %get3A_60, %dot_general3A_61 {dimension_numbers = #tpu.dot_dimension_numbers<[1], [0], [0], [1], [0, 0, 1, 1], [], []>, transpose_lhs_hint = false} : vector<2000x128xf32>, vector<128x128xf32>, vector<2000x128xf32> -> vector<2000x128xf32>
    %get3A_63 = arith.constant 0 : index
    %get3A_64 = arith.constant 0 : index
    %get3A_65 = vector.load %arg13[%get3A_63, %get3A_64] : memref<1x128xf32, #tpu.memory_space<vmem>>, vector<1x128xf32>
    %add3A_66 = vector.broadcast %get3A_65 : vector<1x128xf32> to vector<2000x128xf32>
    %add3A_67 = arith.addf %dot_general3A_62, %add3A_66 : vector<2000x128xf32>
    %logistic3A_68 = arith.negf %add3A_67 : vector<2000x128xf32>
    %logistic3A_69 = math.exp %logistic3A_68 : vector<2000x128xf32>
    %logistic3A_70 = arith.constant 1.000000e+00 : f32
    %logistic3A_71 = vector.broadcast %logistic3A_70 : f32 to vector<2000x128xf32>
    %logistic3A_72 = arith.addf %logistic3A_71, %logistic3A_69 : vector<2000x128xf32>
    %logistic3A_73 = arith.divf %logistic3A_71, %logistic3A_72 : vector<2000x128xf32>
    %swap3A = arith.constant 0 : index
    %swap3A_74 = arith.constant 0 : index
    %swap3A_75 = vector.load %arg14[%swap3A, %swap3A_74] : memref<2000x128xf32, #tpu.memory_space<vmem>>, vector<2000x128xf32>
    tpu.vector_store %arg14[%swap3A, %swap3A_74], %logistic3A_73 {strides = array<i32>} : memref<2000x128xf32, #tpu.memory_space<vmem>>, vector<2000x128xf32>,
    return
  }
  func.func @transform_0(%arg0: i32) -> (i32, i32) {
    %add3A = arith.constant 0 : i32
    %add3A_0 = arith.addi %arg0, %add3A : i32
    %c0_i32 = arith.constant 0 : i32
    %c0_i32_1 = arith.constant 0 : i32
    return %add3A_0, %c0_i32 : i32, i32
  }
  func.func @transform_1(%arg0: i32) -> (i32, i32) {
    %add3A = arith.constant 5 : i32
    %add3A_0 = arith.addi %arg0, %add3A : i32
    %c0_i32 = arith.constant 0 : i32
    %c0_i32_1 = arith.constant 0 : i32
    return %add3A_0, %c0_i32 : i32, i32
  }
  func.func @transform_2(%arg0: i32) -> (i32, i32) {
    %add3A = arith.constant 0 : i32
    %add3A_0 = arith.addi %arg0, %add3A : i32
    %c0_i32 = arith.constant 0 : i32
    %c0_i32_1 = arith.constant 0 : i32
    return %add3A_0, %c0_i32 : i32, i32
  }
  func.func @transform_3(%arg0: i32) -> (i32, i32) {
    %add3A = arith.constant 0 : i32
    %add3A_0 = arith.addi %arg0, %add3A : i32
    %c0_i32 = arith.constant 0 : i32
    %c0_i32_1 = arith.constant 0 : i32
    return %add3A_0, %c0_i32 : i32, i32
  }
  func.func @transform_4(%arg0: i32) -> (i32, i32) {
    %c0_i32 = arith.constant 0 : i32
    %c0_i32_0 = arith.constant 0 : i32
    %c0_i32_1 = arith.constant 0 : i32
    return %c0_i32, %c0_i32_0 : i32, i32
  }
  func.func @transform_5(%arg0: i32) -> (i32, i32) {
    %c0_i32 = arith.constant 0 : i32
    %c0_i32_0 = arith.constant 0 : i32
    %c0_i32_1 = arith.constant 0 : i32
    return %c0_i32, %c0_i32_0 : i32, i32
  }
  func.func @transform_6(%arg0: i32) -> (i32, i32) {
    %c0_i32 = arith.constant 0 : i32
    %c0_i32_0 = arith.constant 0 : i32
    %c0_i32_1 = arith.constant 0 : i32
    return %c0_i32, %c0_i32_0 : i32, i32
  }
  func.func @transform_7(%arg0: i32) -> (i32, i32) {
    %c0_i32 = arith.constant 0 : i32
    %c0_i32_0 = arith.constant 0 : i32
    %c0_i32_1 = arith.constant 0 : i32
    return %c0_i32, %c0_i32_0 : i32, i32
  }
  func.func @transform_8(%arg0: i32) -> (i32, i32) {
    %c0_i32 = arith.constant 0 : i32
    %c0_i32_0 = arith.constant 0 : i32
    %c0_i32_1 = arith.constant 0 : i32
    return %c0_i32, %c0_i32_0 : i32, i32
  }
  func.func @transform_9(%arg0: i32) -> (i32, i32) {
    %c0_i32 = arith.constant 0 : i32
    %c0_i32_0 = arith.constant 0 : i32
    %c0_i32_1 = arith.constant 0 : i32
    return %c0_i32, %c0_i32_0 : i32, i32
  }
  func.func @transform_10(%arg0: i32) -> (i32, i32) {
    %c0_i32 = arith.constant 0 : i32
    %c0_i32_0 = arith.constant 0 : i32
    %c0_i32_1 = arith.constant 0 : i32
    return %c0_i32, %c0_i32_0 : i32, i32
  }
  func.func @transform_11(%arg0: i32) -> (i32, i32) {
    %c0_i32 = arith.constant 0 : i32
    %c0_i32_0 = arith.constant 0 : i32
    %c0_i32_1 = arith.constant 0 : i32
    return %c0_i32, %c0_i32_0 : i32, i32
  }
  func.func @transform_12(%arg0: i32) -> (i32, i32) {
    %c0_i32 = arith.constant 0 : i32
    %c0_i32_0 = arith.constant 0 : i32
    %c0_i32_1 = arith.constant 0 : i32
    return %c0_i32, %c0_i32_0 : i32, i32
  }
  func.func @transform_13(%arg0: i32) -> (i32, i32) {
    %add3A = arith.constant 0 : i32
    %add3A_0 = arith.addi %arg0, %add3A : i32
    %c0_i32 = arith.constant 0 : i32
    %c0_i32_1 = arith.constant 0 : i32
    return %add3A_0, %c0_i32 : i32, i32
  }
}

</mosaic_0001>

<sc_bundles>
// kernel: kernel.6.cloned.1.call-start
scs
__scs_entry_jumppad:
0x0: {  	(pc) =	sbr.rel $0x88, $3  }
0x1: {  	(tag) =	ssettag $0x0;
	lr =	simm.s32 $0x1  }
0x2: {  	[smem:$0x3F91] =	sst lr;
	_ =	strace $0xD0000000  }
0x3: {  	_ = 	snop  }
0x4: {  	_ = 	snop  }
0x5: {  	_ = 	snop  }
0x6: {  	_ = 	snop  }
0x7: {  	_ = 	snop  }
__scs_overlays_trampoline_lowered:
0x8: {  	[smem:$0x3FA0] =	sst s0  }
0x9: {  	[smem:$0x3FA1] =	sst s1  }
0xa: {  	[smem:$0x3FA2] =	sst s2  }
0xb: {  	[smem:$0x3FA3] =	sst s3  }
0xc: {  	[smem:$0x3FA4] =	sst s4  }
0xd: {  	[smem:$0x3FA5] =	sst s5  }
0xe: {  	[smem:$0x3FA6] =	sst s6  }
0xf: {  	[smem:$0x3FA7] =	sst s7  }
0x10: {  	[smem:$0x3FA8] =	sst s8  }
0x11: {  	[smem:$0x3FA9] =	sst s9;
	s0 =	simm.s32 @!p0 $0x0  }
0x12: {  	s1 =	sld [smem:$0x3F8F];
	s0 =	simm.s32 @p0 $0x1  }
0x13: {  	[smem:$0x3FAA] =	sst s0;
	s0 =	simm.s32 @!p1 $0x0  }
0x14: {  	s2 =	sld [smem:$0x3F8E];
	s0 =	simm.s32 @p1 $0x1  }
0x15: {  	[smem:$0x3FAB] =	sst s0;
	s0 =	simm.s32 @!p2 $0x0  }
0x16: {  	s3 =	sld [smem:$0x3FDB];
	s0 =	simm.s32 @p2 $0x1  }
0x17: {  	s4 =	simm.s32 $0x1BF5;
	[smem:$0x3FAD] =	sst s0  }
0x18: {  	s0 =	sld [smem:$0x3F90];
	_ =	swait.ge [sflag:s4], $0x0  }
0x19: {  	s7 =	sld [smem:$0x3F91]  }
0x1a: {  	s8 =	sadd.s32 $0xFFFFE003, lr  }
0x1b: {  	s9 =	sadd.s32 $0xFFFFFEF7, lr;
	s5 =	simm.s32 $0xFFFFFFFF;
	p2 =	slt.u32 s8, $0xFFFFF086  }
0x1c: {  	p1 =	slt.u32 s9, $0xF7A;
	s5 =	simm.s32 @!p2 $0x0  }
0x1d: {  	s5 =	simm.s32 @p1 $0x1;
	p0 =	seq.s32 s7, s2  }
0x1e: {  	s7 =	smul.u32 @!p0 $0xF7A, s2;
	p2 =	seq.s32 @!p0 s5, $0x0  }
0x1f: {  	s9 =	smul.u32 $0xF7A, s1;
	s8 =	simm.s32 @!p0 $0x1BF5;
	p2 =	por !p2, p0  }
0x20: {  	[sflag:s8] =	ssyncset.s32 @!p0 $0xFFFFF086;
	s6 =	sadd.s32 @!p0 s3, s7;
	s7 =	simm.s32 @!p0 $0x108  }
0x21: {  	s3 =	sadd.s32 s3, s9;
	s6 =	sadd.s32 @!p0 $0x88, s6;
	s7 =	simm.s32 @p2 $0x1082  }
0x22: {  	[simem:s7], [sflag:s8] =	dma.local @!p0 [hbm:s6], $0xF7A  }
0x23: {  	s9 =	sor.u32 $0xD0000000, s2;
	s6 =	simm.s32 $0x108;
	_ =	swait.ge @!p0 [sflag:s8], $0x0  }
0x24: {  	s3 =	sadd.s32 $0x88, s3;
	s6 =	simm.s32 @!p1 $0x1082;
	[sflag:s4] =	ssyncset.s32 $0xFFFFF086  }
0x25: {  	[simem:s6], [sflag:s4] =	dma.local [hbm:s3], $0xF7A  }
0x26: {  	[smem:$0x3F91] =	sst s1;
	(tag) =	ssettag s2;
	_ =	strace s9  }
0x27: {  	s1 =	sld [smem:$0x3FA1]  }
0x28: {  	s2 =	sld [smem:$0x3FA2]  }
0x29: {  	s4 =	sld [smem:$0x3FA4]  }
0x2a: {  	p0 =	seq.s32 s5, $0x0;
	s5 =	sld [smem:$0x3FA5]  }
0x2b: {  	s6 =	sld [smem:$0x3FA6]  }
0x2c: {  	s7 =	sld [smem:$0x3FA7]  }
0x2d: {  	s3 =	simm.s32 $0x108;
	s8 =	sld [smem:$0x3FA8]  }
0x2e: {  	s3 =	simm.s32 @!p0 $0x1082;
	s9 =	sld [smem:$0x3FA9]  }
0x2f: {  	lr =	sadd.s32 s0, s3;
	s0 =	sld [smem:$0x3FA0]  }
0x30: {  	s3 =	sld [smem:$0x3FA3]  }
0x31: {  	[smem:$0x3FAC] =	sst s10  }
0x32: {  	s10 =	sld [smem:$0x3FAA];
	_ =	sdelay $0x3  }
0x33: {  	p0 =	seq.s32 s10, $0x1;
	s10 =	sld [smem:$0x3FAC];
	_ =	sdelay $0x3  }
0x34: {  	[smem:$0x3FAC] =	sst s10  }
0x35: {  	s10 =	sld [smem:$0x3FAB];
	_ =	sdelay $0x3  }
0x36: {  	p1 =	seq.s32 s10, $0x1;
	s10 =	sld [smem:$0x3FAC];
	_ =	sdelay $0x3  }
0x37: {  	[smem:$0x3FAC] =	sst s10  }
0x38: {  	s10 =	sld [smem:$0x3FAD]  }
0x39: {  	_ = 	snop;
	(pc) =	sbr.ind lr, $3  }
0x3a: {  	_ = 	snop  }
0x3b: {  	_ = 	snop  }
0x3c: {  	p2 =	seq.s32 s10, $0x1;
	s10 =	sld [smem:$0x3FAC]  }
0x3d: {  	_ =	shalt  }
0x3e: {  	_ =	shalt  }
0x3f: {  	_ =	shalt  }
0x40: {  	_ =	shalt  }
0x41: {  	_ =	shalt  }
0x42: {  	_ =	shalt  }
0x43: {  	_ =	shalt  }
0x44: {  	_ =	shalt  }
0x45: {  	_ =	shalt  }
0x46: {  	_ =	shalt  }
0x47: {  	_ =	shalt  }
0x48: {  	_ =	shalt  }
0x49: {  	_ =	shalt  }
0x4a: {  	_ =	shalt  }
0x4b: {  	_ =	shalt  }
0x4c: {  	_ =	shalt  }
0x4d: {  	_ =	shalt  }
0x4e: {  	_ =	shalt  }
0x4f: {  	_ =	shalt  }
0x50: {  	_ =	shalt  }
0x51: {  	_ =	shalt  }
0x52: {  	_ =	shalt  }
0x53: {  	_ =	shalt  }
0x54: {  	_ =	shalt  }
0x55: {  	_ =	shalt  }
0x56: {  	_ =	shalt  }
0x57: {  	_ =	shalt  }
0x58: {  	_ =	shalt  }
0x59: {  	_ =	shalt  }
0x5a: {  	_ =	shalt  }
0x5b: {  	_ =	shalt  }
0x5c: {  	_ =	shalt  }
0x5d: {  	_ =	shalt  }
0x5e: {  	_ =	shalt  }
0x5f: {  	_ =	shalt  }
0x60: {  	_ =	shalt  }
0x61: {  	_ =	shalt  }
0x62: {  	_ =	shalt  }
0x63: {  	_ =	shalt  }
0x64: {  	_ =	shalt  }
0x65: {  	_ =	shalt  }
0x66: {  	_ =	shalt  }
0x67: {  	_ =	shalt  }
0x68: {  	_ =	shalt  }
0x69: {  	_ =	shalt  }
0x6a: {  	_ =	shalt  }
0x6b: {  	_ =	shalt  }
0x6c: {  	_ =	shalt  }
0x6d: {  	_ =	shalt  }
0x6e: {  	_ =	shalt  }
0x6f: {  	_ =	shalt  }
0x70: {  	_ =	shalt  }
0x71: {  	_ =	shalt  }
0x72: {  	_ =	shalt  }
0x73: {  	_ =	shalt  }
0x74: {  	_ =	shalt  }
0x75: {  	_ =	shalt  }
0x76: {  	_ =	shalt  }
0x77: {  	_ =	shalt  }
0x78: {  	_ =	shalt  }
0x79: {  	_ =	shalt  }
0x7a: {  	_ =	shalt  }
0x7b: {  	_ =	shalt  }
0x7c: {  	_ =	shalt  }
0x7d: {  	_ =	shalt  }
0x7e: {  	_ =	shalt  }
0x7f: {  	_ =	shalt  }
0x80: {  	_ =	shalt  }
0x81: {  	_ =	shalt  }
0x82: {  	_ =	shalt  }
0x83: {  	_ =	shalt  }
0x84: {  	_ =	shalt  }
0x85: {  	_ =	shalt  }
0x86: {  	_ =	shalt  }
0x87: {  	_ =	shalt  }
.Lfunc_end0:
.L_simem_size_0:
called_computation_lowered:
.L_overlay_start_0:
0x88: {  	s2 =	sld [smem:$0x3FD9]  }
0x89: {  	s3 =	sld [smem:$0x3FFE];
	_ =	sdelay $0x1  }
0x8a: {  	s1 =	srdreg.scid  }
0x8b: {  	s0 =	sand.u32 $0x1, s1  }
0x8c: {  	s17 =	sshll.u32 s0, $0xA;
	s2 =	sadd.s32 s3, s2  }
0x8d: {  	s2 =	sadd.s32 s2, s17  }
0x8e: {  	[smem:$0x3FB8] =	sst s2  }
0x8f: {  	_ = 	snop  }
0x90: {  	s2 =	sld [smem:$0x3FC9];
	(tm) =	ssettm $0x1  }
0x91: {  	s18 =	sld [smem:$0x3FFB];
	_ =	sdelay $0x3  }
0x92: {  	_ =	strace s18  }
0x93: {  	s3 =	sld [smem:$0x3FFC];
	_ =	sdelay $0x3  }
0x94: {  	_ =	strace s3  }
0x95: {  	s3 =	sld [smem:$0x3FFD];
	_ =	sdelay $0x3  }
0x96: {  	_ =	strace s3  }
0x97: {  	_ =	strace $0x8FFFFFFF  }
0x98: {  	s19 =	sld [smem:$0x3FDB];
	_ =	sdelay $0x1  }
0x99: {  	s4 =	simm.s32 $_scs_section_size  }
0x9a: {  	s5 =	simm.s32 $_size__tile_overlayer_lowered;
	s6 =	simm.s32 $_tile_overlayer_lowered  }
0x9b: {  	s22 =	simm.s32 $0x1BFF;
	s21 =	sshll.u32 s6, $0x1;
	s3 =	sadd.s32 s4, s19  }
0x9c: {  	s7 =	simm.s32 $0x0;
	s20 =	sshll.u32 s5, $0x1;
	s5 =	sadd.s32 s21, s3  }
0x9d: {  	[timem:s7], [sflag:s22] =	dma.local [hbm:s5], s20  }
0x9e: {  	_ =	swait.ge [sflag:s22], s20  }
0x9f: {  	s4 =	ssub.s32 $0x0, s20;
	[sflag:s22] =	ssyncset.done $0x0  }
0xa0: {  	[sflag:s22] =	ssyncadd.s32 s4;
	_ =	sdelay $0x1  }
0xa1: {  	s23 =	simm.s32 $0x1B8B  }
0xa2: {  	_ =	swait.ge [sflag:s23], $0x1  }
0xa3: {  	[sflag:s23] =	ssyncset.done $0x0  }
0xa4: {  	s25 =	simm.s32 $0x1B8E;
	s24 =	sld [smem:$0x3FFE];
	[sflag:s23] =	ssyncadd.s32 $0xFFFFFFFF  }
0xa5: {  	s26 =	simm.s32 $execute0_lowered;
	[smem:$0x3FD2] =	sst s25  }
0xa6: {  	s5 =	sshll.u32 s26, $0x1;
	_ =	strace $0x80000046;
	[dreg:$0x1] =	wrdreg $0xFFFFFFFF  }
0xa7: {  	s28 =	simm.s32 $_size_execute0_lowered;
	s3 =	sadd.s32 s3, s5;
	[dreg:$0x0] =	wrdreg $0x0  }
0xa8: {  	s5 =	sshll.u32 s28, $0x1;
	[dreg:$0x2] =	wrdreg s3  }
0xa9: {  	[dreg:$0x3] =	wrdreg s5  }
0xaa: {  	[dreg:$0x4] =	wrdreg $0xC0  }
0xab: {  	_ =	task [dreg:s7], $0x5FFFF  }
0xac: {  	[dreg:$0x1] =	wrdreg $0xFFFFFFFF  }
0xad: {  	[dreg:$0x0] =	wrdreg $0x60  }
0xae: {  	[dreg:$0x2] =	wrdreg s2  }
0xaf: {  	[dreg:$0x3] =	wrdreg s24  }
0xb0: {  	[dreg:$0x4] =	wrdreg $0xC7000  }
0xb1: {  	[dreg:$0x5] =	wrdreg $0x9  }
0xb2: {  	_ =	task.clear_ibuf [dreg:s7], $0x6FFFF;
	_ =	strace $0x90000046  }
0xb3: {  	s29 =	simm.s32 $0x9;
	_ =	strace $0x80000048  }
0xb4: {  	_ =	swait.ge [sflag:s29], $0x1  }
0xb5: {  	[sflag:s29] =	ssyncadd.s32 $0xFFFFFFFF  }
0xb6: {  	_ =	strace $0x90000048  }
0xb7: {  	_ =	sfence  }
0xb8: {  	s30 =	sld [smem:$0x0];
	_ =	sdelay $0x2  }
0xb9: {  	s31 =	sshll.u32 s1, $0xD;
	s1 =	sshrl.u32 s1, $0x2  }
0xba: {  	s3 =	sand.u32 $0x4000, s31;
	s1 =	sadd.s32 s1, s30  }
0xbb: {  	s0 =	sor.u32 s3, s0;
	s1 =	sshll.u32 s1, $0x11  }
0xbc: {  	s0 =	sor.u32 s1, s0  }
0xbd: {  	s0 =	sadd.s32 $0x8F2B, s0  }
0xbe: {  	[sflag:s0] =	ssyncadd.remote.s32 $0x1  }
0xbf: {  	_ =	sfence.sel $0xFFFF  }
0xc0: {  	[dreg:$0x0] =	wrdreg $0xFFFFFFFF;
	(pc) =	sbr.abs _section_cstart, $3  }
0xc1: {  	[dreg:$0x1] =	wrdreg $0xFFFFFFFF  }
0xc2: {  	_ =	task.clear_ibuf [dreg:s7], $0x2FFFF;
	_ =	strace $0x9FFFFFFF  }
0xc3: {  	(tm) =	ssettm $0x7FFFFFFF  }
tec
execute0_lowered:
.L_overlay_start_1:
0x0: {  	(tag) =	ssettag $0x1  }
0x1: {  	s1 =	rddreg [dreg:$0x0]  }
0x2: {  	s0 =	rddreg [dreg:$0x1]  }
0x3: {  	s2 =	rddreg [dreg:$0x2]  }
0x4: {  	s4 =	simm.s32 $0x0;
	s5 =	srdreg.scid;
	s7 =	stileid.u32  }
0x5: {  	[smem:$0x7FF] =	sst s4;
	s3 =	sadd.s32 $0xCA00, s0;
	s6 =	sand.u32 $0x1, s5  }
0x6: {  	s5 =	sadd.s32 $0x2C00, s0;
	s10 =	smul.u32 $0x4E000, s7;
	s11 =	sadd.s32 $0x16800, s0  }
0x7: {  	s0 =	sadd.s32 $0x19000, s0;
	s30 =	smul.u32 $0x2700, s7;
	s12 =	sshll.u32 s7, $0x6  }
0x8: {  	s24 =	smul.u32 $0x2710, s7;
	p0 =	sne.s32 s7, $0x0;
	_ =	strace $0x80000047  }
0x9: {  	s8 =	sshll.u32 s6, $0x4;
	s9 =	ssub.s32 $0x2, s6;
	s18 =	smul.u32 $0x27100, s6  }
0xa: {  	[dreg:$0x4] =	wrdreg s11;
	s22 =	sor.u32 $0x1C0D, s12;
	s6 =	smul.u32 $0x138800, s6  }
0xb: {  	s31 =	smov.u32 s3;
	s8 =	sor.u32 s7, s8;
	s29 =	sshrl.u32 s9, $0x1  }
0xc: {  	s10 =	sshrl.u32 s10, $0x2;
	[dreg:$0x6] =	wrdreg s22;
	s8 =	smul.u32 $0x2710, s8  }
0xd: {  	s9 =	ssub.s32 s9, s29;
	s10 =	sadd.s32 s10, s2;
	s23 =	sadd.s32 s30, s18  }
0xe: {  	s6 =	sshrl.u32 s6, $0x3;
	s29 =	sadd.s32 s24, s18;
	s8 =	sshrl.u32 s8, $0x3  }
0xf: {  	[dreg:$0x5] =	wrdreg s10;
	s24 =	sadd.s32 $0x200, s29;
	s14 =	sadd.s32 s3, s8  }
0x10: {  	s13 =	sadd.s32 $0x8, s8;
	s15 =	sadd.s32 s5, s8;
	[dreg:$0x7] =	wrdreg s14  }
0x11: {  	s17 =	sadd.s32 $0x10, s8;
	[dreg:$0x8] =	wrdreg s15;
	s16 =	sadd.s32 s3, s13  }
0x12: {  	s19 =	sadd.s32 $0x18, s8;
	s10 =	sadd.s32 s5, s13;
	[dreg:$0x9] =	wrdreg s16  }
0x13: {  	s25 =	sadd.s32 $0x20, s8;
	s13 =	sadd.s32 s3, s17;
	[dreg:$0xa] =	wrdreg s10  }
0x14: {  	s30 =	sadd.s32 $0x28, s8;
	s20 =	sadd.s32 s3, s19;
	[dreg:$0xb] =	wrdreg s13  }
0x15: {  	s8 =	sadd.s32 $0x4E0, s8;
	s21 =	sadd.s32 s5, s19;
	[dreg:$0xd] =	wrdreg s20  }
0x16: {  	s26 =	sadd.s32 s3, s25;
	s28 =	sadd.s32 s5, s25;
	[dreg:$0xe] =	wrdreg s21  }
0x17: {  	s11 =	sadd.s32 s3, s30;
	s12 =	sadd.s32 s5, s30;
	[dreg:$0x10] =	wrdreg s26  }
0x18: {  	s14 =	sadd.s32 s5, s8;
	s15 =	sadd.s32 $0x2C0, s29;
	[dreg:$0x11] =	wrdreg s28  }
0x19: {  	s19 =	sadd.s32 $0x240, s29;
	s25 =	sshrl.u32 s24, $0x3;
	[dreg:$0x12] =	wrdreg s11  }
0x1a: {  	s30 =	sadd.s32 $0x138000, s2;
	s24 =	simm.s32 $0x600;
	[dreg:$0x13] =	wrdreg s12  }
0x1b: {  	s10 =	sadd.s32 s5, s17;
	s13 =	sadd.s32 s3, s8;
	[dreg:$0x15] =	wrdreg s14  }
0x1c: {  	s16 =	smax.u32 s9, $0x1;
	s17 =	sadd.s32 $0x280, s29;
	s20 =	sshrl.u32 s19, $0x3  }
0x1d: {  	s26 =	sadd.s32 $0x1C0, s29;
	s9 =	sadd.s32 s25, s3;
	s29 =	sadd.s32 $0x180, s29  }
0x1e: {  	[dreg:$0x1f] =	wrdreg s30;
	s14 =	simm.s32 $0xD;
	s19 =	simm.s32 $0x7  }
0x1f: {  	s8 =	simm.s32 $0xA600;
	s12 =	simm.s32 $0x0;
	[dreg:$0xc] =	wrdreg s10  }
0x20: {  	s10 =	sadd.s32 s0, s23;
	s0 =	sadd.s32 s0, s6;
	[dreg:$0x14] =	wrdreg s13  }
0x21: {  	[dreg:$0x17] =	wrdreg s16;
	s7 =	sshrl.u32 s17, $0x3;
	s23 =	sadd.s32 s20, s5  }
0x22: {  	s28 =	sshrl.u32 s26, $0x3;
	[dreg:$0x1e] =	wrdreg s29;
	s16 =	simm.s32 $0x280  }
0x23: {  	s13 =	simm.s32 $0x580;
	s6 =	simm.s32 $0x6;
	[dreg:$0xf] =	wrdreg s10  }
0x24: {  	s17 =	simm.s32 $0xA;
	s0 =	sadd.s32 $0x27000, s0;
	[dreg:$0x1c] =	wrdreg s23  }
0x25: {  	s21 =	sadd.s32 s7, s5;
	s7 =	sadd.s32 s7, s3;
	[dreg:$0x16] =	wrdreg s0  }
0x26: {  	s10 =	sadd.s32 s28, s5;
	s11 =	sadd.s32 s28, s3;
	[dreg:$0x1a] =	wrdreg s21  }
.Ltmp0:
0x27: {  	s0 =	sshrl.u32 s15, $0x3;
	[dreg:$0x1b] =	wrdreg s7;
	(pc) =	sbr.rel .LBB2_1-.Ltmp0, $4  }
0x28: {  	s7 =	sadd.s32 s25, s5;
	s21 =	simm.s32 $0x40;
	s18 =	sadd.s32 s0, s5  }
0x29: {  	s15 =	simm.s32 $0x8;
	s0 =	sadd.s32 s0, s3;
	[dreg:$0x18] =	wrdreg s18  }
0x2a: {  	[dreg:$0x19] =	wrdreg s0;
	s0 =	sadd.s32 s20, s3;
	s18 =	simm.s32 $0x5  }
0x2b: {  	s20 =	simm.s32 $0xC;
	[dreg:$0x1d] =	wrdreg s0;
	s0 =	smov.u32 s5  }
.LBB2_4:
0x2c: {  	s4 =	simm.s32 $0x0;
	s3 =	rddreg [dreg:$0x14];
	s5 =	simm.s32 $0xC600  }
0x2d: {  	[tilespmem:s5], [sflag:$0xD] =	stream.linear.gather [hbm4b:s3+s4], $0x10, $0x38;
	[tilespmem:$0x1FF80] =	vst v63  }
0x2e: {  	_ =	swait.ge [sflag:s14], $0x10  }
0x2f: {  	[sflag:s14] =	ssyncset.done $0x0  }
0x30: {  	s12 =	simm.s32 $0xC680;
	s24 =	rddreg [dreg:$0x15];
	[sflag:s14] =	ssyncadd.s32 $0xFFFFFFF0  }
0x31: {  	[tilespmem:s12], [sflag:$0xD] =	stream.linear.gather [hbm4b:s24+s4], $0x10, $0x38;
	[tilespmem:$0x1FF80] =	vst v63  }
0x32: {  	_ =	swait.ge [sflag:s14], $0x10  }
0x33: {  	[sflag:s14] =	ssyncset.done $0x0  }
0x34: {  	s25 =	simm.s32 $0x10;
	s24 =	simm.s32 $0x600;
	[sflag:s14] =	ssyncadd.s32 $0xFFFFFFF0  }
0x35: {  	[tilespmem:s24], [sflag:$0x7] =	stream.indirect.gather [hbm4b:s1+s25], $0x80, s5, s25, $0xb8;
	[tilespmem:$0x1FF80] =	vst v63  }
0x36: {  	_ =	swait.ge [sflag:s19], $0x800  }
0x37: {  	[sflag:s19] =	ssyncset.done $0x0  }
0x38: {  	[sflag:s19] =	ssyncadd.s32 $0xFFFFF800  }
0x39: {  	[spmem:s2] =	stream.indirect.scatter.add.f32 [tilespmem:s24], [sflag:$0xD], $0x80, s12, s25, $0xb8;
	[tilespmem:$0x1FF80] =	vst v63  }
0x3a: {  	_ =	swait.ge [sflag:s14], $0x800  }
0x3b: {  	[sflag:s14] =	ssyncset.done $0x0  }
0x3c: {  	[sflag:s14] =	ssyncadd.s32 $0xFFFFF800  }
0x3d: {  	[bflag:$0x0] =	sbarrier.arrive $0xFFFF  }
0x3e: {  	s28 =	sld [smem:$0x7FC]  }
0x3f: {  	s22 =	rddreg [dreg:$0x6]  }
0x40: {  	s26 =	rddreg [dreg:$0xf]  }
0x41: {  	[hbm:s26], [sflag:s22] =	dma.local [spmem:s28], $0x2700  }
0x42: {  	_ =	swait.ge [sflag:s14], $0x2700  }
0x43: {  	s5 =	sld [smem:$0x7FD]  }
0x44: {  	[sflag:s14] =	ssyncset.done $0x0  }
0x45: {  	s3 =	rddreg [dreg:$0x16];
	[sflag:s14] =	ssyncadd.s32 $0xFFFFD900  }
0x46: {  	[hbm:s3], [sflag:s22] =	dma.local @!p0 [spmem:s5], $0x100  }
0x47: {  	s3 =	simm.s32 @!p0 $0xD  }
0x48: {  	_ =	swait.ge @!p0 [sflag:s3], $0x100  }
0x49: {  	s29 =	sld [smem:$0x7FB];
	_ =	sdelay $0x2  }
0x4a: {  	s30 =	rddreg [dreg:$0x17];
	s12 =	sadd.s32 $0x1, s29  }
0x4b: {  	p1 =	sne.s32 s12, s30  }
.Ltmp1:
0x4c: {  	_ = 	snop;
	(pc) =	sbr.rel @!p1 .LBB2_5-.Ltmp1, $3  }
0x4d: {  	_ =	sdelay $0x1  }
0x4e: {  	[sflag:s3] =	ssyncset.done @!p0 $0x0  }
0x4f: {  	[sflag:s3] =	ssyncadd.s32 @!p0 $0xFFFFFF00  }
.LBB2_1:
0x50: {  	[smem:$0x7FB] =	sst s12  }
0x51: {  	s3 =	rddreg [dreg:$0x5]  }
0x52: {  	s5 =	sshrl.u32 s3, $0x3;
	s3 =	rddreg [dreg:$0x4]  }
0x53: {  	[smem:$0x7FC] =	sst s5  }
0x54: {  	[spmem:s5], [sflag:s22] =	dma.local [hbm:s3], $0x2700  }
0x55: {  	_ =	swait.ge [sflag:s14], $0x2700  }
0x56: {  	s5 =	rddreg [dreg:$0x1f]  }
0x57: {  	[sflag:s14] =	ssyncset.done $0x0;
	s5 =	sshrl.u32 @!p0 s5, $0x3  }
0x58: {  	s12 =	simm.s32 @!p0 $0xD;
	[sflag:s14] =	ssyncadd.s32 $0xFFFFD900;
	[smem:$0x7FD] =	sst s5  }
0x59: {  	[spmem:s5], [sflag:s22] =	dma.local @!p0 [hbm:s3], $0x100  }
0x5a: {  	_ =	swait.ge @!p0 [sflag:s12], $0x100  }
0x5b: {  	[sflag:s12] =	ssyncset.done @!p0 $0x0  }
0x5c: {  	[sflag:s12] =	ssyncadd.s32 @!p0 $0xFFFFFF00  }
0x5d: {  	[bflag:$0x0] =	sbarrier.arrive $0xFFFF  }
0x5e: {  	s23 =	rddreg [dreg:$0x7]  }
0x5f: {  	[tilespmem:s4], [sflag:$0xD] =	stream.linear.gather [hbm4b:s23+s4], $0x40, $0x38;
	[tilespmem:$0x1FF80] =	vst v63  }
0x60: {  	_ =	swait.ge [sflag:s14], $0x40  }
0x61: {  	[sflag:s14] =	ssyncset.done $0x0  }
0x62: {  	s26 =	simm.s32 $0x300;
	s25 =	rddreg [dreg:$0x8];
	[sflag:s14] =	ssyncadd.s32 $0xFFFFFFC0  }
0x63: {  	[tilespmem:s26], [sflag:$0xD] =	stream.linear.gather [hbm4b:s25+s4], $0x40, $0x38;
	[tilespmem:$0x1FF80] =	vst v63  }
0x64: {  	_ =	swait.ge [sflag:s14], $0x40  }
0x65: {  	[sflag:s14] =	ssyncset.done $0x0  }
0x66: {  	s5 =	simm.s32 $0x80;
	s28 =	rddreg [dreg:$0x9];
	[sflag:s14] =	ssyncadd.s32 $0xFFFFFFC0  }
0x67: {  	[tilespmem:s5], [sflag:$0xD] =	stream.linear.gather [hbm4b:s28+s4], $0x40, $0x38;
	[tilespmem:$0x1FF80] =	vst v63  }
0x68: {  	_ =	swait.ge [sflag:s14], $0x40  }
0x69: {  	[sflag:s14] =	ssyncset.done $0x0  }
0x6a: {  	s30 =	simm.s32 $0x380;
	s29 =	rddreg [dreg:$0xa];
	[sflag:s14] =	ssyncadd.s32 $0xFFFFFFC0  }
0x6b: {  	[tilespmem:s30], [sflag:$0xD] =	stream.linear.gather [hbm4b:s29+s4], $0x40, $0x38;
	[tilespmem:$0x1FF80] =	vst v63  }
0x6c: {  	_ =	swait.ge [sflag:s14], $0x40  }
0x6d: {  	[sflag:s14] =	ssyncset.done $0x0  }
0x6e: {  	s12 =	simm.s32 $0x100;
	s22 =	rddreg [dreg:$0xb];
	[sflag:s14] =	ssyncadd.s32 $0xFFFFFFC0  }
0x6f: {  	[tilespmem:s12], [sflag:$0xD] =	stream.linear.gather [hbm4b:s22+s4], $0x40, $0x38;
	[tilespmem:$0x1FF80] =	vst v63  }
0x70: {  	_ =	swait.ge [sflag:s14], $0x40  }
0x71: {  	[sflag:s14] =	ssyncset.done $0x0  }
0x72: {  	s25 =	simm.s32 $0x400;
	s23 =	rddreg [dreg:$0xc];
	[sflag:s14] =	ssyncadd.s32 $0xFFFFFFC0  }
0x73: {  	[tilespmem:s25], [sflag:$0xD] =	stream.linear.gather [hbm4b:s23+s4], $0x40, $0x38;
	[tilespmem:$0x1FF80] =	vst v63  }
0x74: {  	_ =	swait.ge [sflag:s14], $0x40  }
0x75: {  	[sflag:s14] =	ssyncset.done $0x0  }
0x76: {  	s28 =	simm.s32 $0x180;
	s26 =	rddreg [dreg:$0xd];
	[sflag:s14] =	ssyncadd.s32 $0xFFFFFFC0  }
0x77: {  	[tilespmem:s28], [sflag:$0xD] =	stream.linear.gather [hbm4b:s26+s4], $0x40, $0x38;
	[tilespmem:$0x1FF80] =	vst v63  }
0x78: {  	_ =	swait.ge [sflag:s14], $0x40  }
0x79: {  	[sflag:s14] =	ssyncset.done $0x0  }
0x7a: {  	s23 =	simm.s32 $0x480;
	s29 =	rddreg [dreg:$0xe];
	[sflag:s14] =	ssyncadd.s32 $0xFFFFFFC0  }
0x7b: {  	[tilespmem:s23], [sflag:$0xD] =	stream.linear.gather [hbm4b:s29+s4], $0x40, $0x38;
	[tilespmem:$0x1FF80] =	vst v63  }
0x7c: {  	_ =	swait.ge [sflag:s14], $0x40  }
0x7d: {  	[sflag:s14] =	ssyncset.done $0x0  }
0x7e: {  	[sflag:s14] =	ssyncadd.s32 $0xFFFFFFC0  }
0x7f: {  	[tilespmem:s24], [sflag:$0x7] =	stream.indirect.gather [hbm4b:s1+s21], $0x80, s4, s21, $0xb8;
	[tilespmem:$0x1FF80] =	vst v63  }
0x80: {  	s30 =	simm.s32 $0x2600  }
0x81: {  	[tilespmem:s30], [sflag:$0x8] =	stream.indirect.gather [hbm4b:s1+s21], $0x80, s5, s21, $0xb8;
	[tilespmem:$0x1FF80] =	vst v63  }
0x82: {  	s5 =	simm.s32 $0x4600  }
0x83: {  	[tilespmem:s5], [sflag:$0x9] =	stream.indirect.gather [hbm4b:s1+s21], $0x80, s12, s21, $0xb8;
	[tilespmem:$0x1FF80] =	vst v63  }
0x84: {  	s23 =	rddreg [dreg:$0x10];
	s12 =	simm.s32 $0x6600  }
0x85: {  	[tilespmem:s12], [sflag:$0xA] =	stream.indirect.gather [hbm4b:s1+s21], $0x80, s28, s21, $0xb8;
	[tilespmem:$0x1FF80] =	vst v63  }
0x86: {  	s25 =	simm.s32 $0x200;
	s26 =	rddreg [dreg:$0x11]  }
0x87: {  	[tilespmem:s25], [sflag:$0x5] =	stream.linear.gather [hbm4b:s23+s4], $0x40, $0x38;
	[tilespmem:$0x1FF80] =	vst v63  }
0x88: {  	s29 =	rddreg [dreg:$0x12];
	s28 =	simm.s32 $0x500  }
0x89: {  	[tilespmem:s28], [sflag:$0x5] =	stream.linear.gather [hbm4b:s26+s4], $0x40, $0x38;
	[tilespmem:$0x1FF80] =	vst v63  }
0x8a: {  	s30 =	rddreg [dreg:$0x13]  }
0x8b: {  	[tilespmem:s16], [sflag:$0x6] =	stream.linear.gather [hbm4b:s29+s4], $0x40, $0x38;
	[tilespmem:$0x1FF80] =	vst v63  }
0x8c: {  	s12 =	rddreg [dreg:$0x1e];
	s23 =	simm.s32 $0x0  }
0x8d: {  	[tilespmem:s13], [sflag:$0x6] =	stream.linear.gather [hbm4b:s30+s4], $0x40, $0x38;
	[tilespmem:$0x1FF80] =	vst v63  }
.LBB2_2:
0x8e: {  	_ =	swait.ge [sflag:s18], $0x40  }
0x8f: {  	[sflag:s18] =	ssyncset.done $0x0  }
0x90: {  	[sflag:s18] =	ssyncadd.s32 $0xFFFFFFC0  }
0x91: {  	_ =	swait.ge [sflag:s18], $0x40  }
0x92: {  	[sflag:s18] =	ssyncset.done $0x0  }
0x93: {  	s3 =	simm.s32 $0x200;
	s4 =	simm.s32 $0x8600;
	[sflag:s18] =	ssyncadd.s32 $0xFFFFFFC0  }
0x94: {  	[tilespmem:s4], [sflag:$0xB] =	stream.indirect.gather [hbm4b:s1+s21], $0x80, s3, s21, $0xb8;
	[tilespmem:$0x1FF80] =	vst v63  }
0x95: {  	_ =	swait.ge [sflag:s19], $0x2000  }
0x96: {  	[sflag:s19] =	ssyncset.done $0x0  }
0x97: {  	s5 =	simm.s32 $0x300;
	[sflag:s19] =	ssyncadd.s32 $0xFFFFE000  }
0x98: {  	[spmem:s2] =	stream.indirect.scatter.add.f32 [tilespmem:s24], [sflag:$0xD], $0x80, s5, s21, $0xb8;
	[tilespmem:$0x1FF80] =	vst v63  }
0x99: {  	p1 =	seq.s32 s23, $0x4B0;
	_ =	swait.ge [sflag:s14], $0x2000  }
0x9a: {  	s25 =	sshrl.u32 @!p1 s12, $0x3;
	[sflag:s14] =	ssyncset.done $0x0  }
0x9b: {  	s22 =	sadd.s32 @!p1 s31, s25;
	s24 =	simm.s32 @!p1 $0x0;
	[sflag:s14] =	ssyncadd.s32 $0xFFFFE000  }
0x9c: {  	[tilespmem:s24], [sflag:$0x1] =	stream.linear.gather @!p1 [hbm4b:s22+s24], $0x40, $0x38;
	[tilespmem:$0x1FF80] =	vst v63  }
0x9d: {  	s22 =	sadd.s32 @!p1 s0, s25;
	s25 =	simm.s32 @!p1 $0x300  }
0x9e: {  	[tilespmem:s25], [sflag:$0x1] =	stream.linear.gather @!p1 [hbm4b:s22+s24], $0x40, $0x38;
	[tilespmem:$0x1FF80] =	vst v63  }
0x9f: {  	_ =	swait.ge [sflag:s6], $0x40  }
0xa0: {  	[sflag:s6] =	ssyncset.done $0x0  }
0xa1: {  	[sflag:s6] =	ssyncadd.s32 $0xFFFFFFC0  }
0xa2: {  	_ =	swait.ge [sflag:s6], $0x40  }
0xa3: {  	[sflag:s6] =	ssyncset.done $0x0  }
0xa4: {  	[sflag:s6] =	ssyncadd.s32 $0xFFFFFFC0  }
0xa5: {  	[tilespmem:s8], [sflag:$0xC] =	stream.indirect.gather [hbm4b:s1+s21], $0x80, s16, s21, $0xb8;
	[tilespmem:$0x1FF80] =	vst v63  }
0xa6: {  	_ =	swait.ge [sflag:s15], $0x2000  }
0xa7: {  	[sflag:s15] =	ssyncset.done $0x0  }
0xa8: {  	s22 =	simm.s32 $0x380;
	s25 =	simm.s32 $0x2600;
	[sflag:s15] =	ssyncadd.s32 $0xFFFFE000  }
0xa9: {  	[spmem:s2] =	stream.indirect.scatter.add.f32 [tilespmem:s25], [sflag:$0xD], $0x80, s22, s21, $0xb8;
	[tilespmem:$0x1FF80] =	vst v63  }
0xaa: {  	_ =	swait.ge [sflag:s14], $0x2000  }
0xab: {  	[sflag:s14] =	ssyncset.done $0x0  }
0xac: {  	s22 =	simm.s32 @p1 $0x9;
	[sflag:s14] =	ssyncadd.s32 $0xFFFFE000  }
0xad: {  	_ =	swait.ge @p1 [sflag:s22], $0x2000  }
0xae: {  	s4 =	simm.s32 @p1 $0x4600;
	[sflag:s22] =	ssyncset.done @p1 $0x0  }
0xaf: {  	s25 =	simm.s32 @p1 $0x400;
	[sflag:s22] =	ssyncadd.s32 @p1 $0xFFFFE000;
	s22 =	simm.s32 @p1 $0x40  }
0xb0: {  	[spmem:s2] =	stream.indirect.scatter.add.f32 @p1 [tilespmem:s4], [sflag:$0xD], $0x80, s25, s22, $0xb8;
	[tilespmem:$0x1FF80] =	vst v63  }
0xb1: {  	s4 =	simm.s32 @p1 $0xD  }
0xb2: {  	_ =	swait.ge @p1 [sflag:s4], $0x2000  }
0xb3: {  	[sflag:s4] =	ssyncset.done @p1 $0x0  }
0xb4: {  	s5 =	simm.s32 @!p1 $0x80;
	s25 =	sadd.s32 @!p1 s23, s11;
	[sflag:s4] =	ssyncadd.s32 @p1 $0xFFFFE000  }
0xb5: {  	[tilespmem:s5], [sflag:$0x2] =	stream.linear.gather @!p1 [hbm4b:s25+s24], $0x40, $0x38;
	[tilespmem:$0x1FF80] =	vst v63  }
0xb6: {  	s26 =	simm.s32 @!p1 $0x380;
	s25 =	sadd.s32 @!p1 s23, s10  }
0xb7: {  	[tilespmem:s26], [sflag:$0x2] =	stream.linear.gather @!p1 [hbm4b:s25+s24], $0x40, $0x38;
	[tilespmem:$0x1FF80] =	vst v63  }
0xb8: {  	s25 =	simm.s32 @!p1 $0x1  }
0xb9: {  	_ =	swait.ge @!p1 [sflag:s25], $0x40  }
0xba: {  	[sflag:s25] =	ssyncset.done @!p1 $0x0  }
0xbb: {  	[sflag:s25] =	ssyncadd.s32 @!p1 $0xFFFFFFC0  }
0xbc: {  	_ =	swait.ge @!p1 [sflag:s25], $0x40  }
0xbd: {  	[sflag:s25] =	ssyncset.done @!p1 $0x0  }
0xbe: {  	s26 =	simm.s32 @!p1 $0x600;
	[sflag:s25] =	ssyncadd.s32 @!p1 $0xFFFFFFC0;
	s25 =	simm.s32 @!p1 $0x40  }
0xbf: {  	[tilespmem:s26], [sflag:$0x7] =	stream.indirect.gather @!p1 [hbm4b:s1+s25], $0x80, s24, s25, $0xb8;
	[tilespmem:$0x1FF80] =	vst v63  }
0xc0: {  	s26 =	simm.s32 @!p1 $0x9  }
0xc1: {  	_ =	swait.ge @!p1 [sflag:s26], $0x2000  }
0xc2: {  	s28 =	simm.s32 @!p1 $0x4600;
	[sflag:s26] =	ssyncset.done @!p1 $0x0  }
0xc3: {  	s29 =	simm.s32 @!p1 $0xD;
	[sflag:s26] =	ssyncadd.s32 @!p1 $0xFFFFE000;
	s26 =	simm.s32 @!p1 $0x400  }
0xc4: {  	[spmem:s2] =	stream.indirect.scatter.add.f32 @!p1 [tilespmem:s28], [sflag:$0xD], $0x80, s26, s25, $0xb8;
	[tilespmem:$0x1FF80] =	vst v63  }
0xc5: {  	_ =	swait.ge @!p1 [sflag:s29], $0x2000  }
0xc6: {  	[sflag:s29] =	ssyncset.done @!p1 $0x0  }
0xc7: {  	s30 =	sadd.s32 @!p1 s23, s9;
	s3 =	simm.s32 @!p1 $0x100;
	[sflag:s29] =	ssyncadd.s32 @!p1 $0xFFFFE000  }
0xc8: {  	[tilespmem:s3], [sflag:$0x3] =	stream.linear.gather @!p1 [hbm4b:s30+s24], $0x40, $0x38;
	[tilespmem:$0x1FF80] =	vst v63  }
0xc9: {  	s30 =	sadd.s32 @!p1 s23, s7  }
0xca: {  	[tilespmem:s26], [sflag:$0x3] =	stream.linear.gather @!p1 [hbm4b:s30+s24], $0x40, $0x38;
	[tilespmem:$0x1FF80] =	vst v63  }
0xcb: {  	s26 =	simm.s32 @!p1 $0x2  }
0xcc: {  	_ =	swait.ge @!p1 [sflag:s26], $0x40  }
0xcd: {  	[sflag:s26] =	ssyncset.done @!p1 $0x0  }
0xce: {  	[sflag:s26] =	ssyncadd.s32 @!p1 $0xFFFFFFC0  }
0xcf: {  	_ =	swait.ge @!p1 [sflag:s26], $0x40  }
0xd0: {  	[sflag:s26] =	ssyncset.done @!p1 $0x0  }
0xd1: {  	[sflag:s26] =	ssyncadd.s32 @!p1 $0xFFFFFFC0;
	s26 =	simm.s32 @!p1 $0x2600  }
0xd2: {  	[tilespmem:s26], [sflag:$0x8] =	stream.indirect.gather @!p1 [hbm4b:s1+s25], $0x80, s5, s25, $0xb8;
	[tilespmem:$0x1FF80] =	vst v63  }
0xd3: {  	_ =	swait.ge [sflag:s17], $0x2000  }
0xd4: {  	[sflag:s17] =	ssyncset.done $0x0  }
0xd5: {  	s30 =	simm.s32 $0x6600;
	s26 =	simm.s32 $0x480;
	[sflag:s17] =	ssyncadd.s32 $0xFFFFE000  }
0xd6: {  	[spmem:s2] =	stream.indirect.scatter.add.f32 [tilespmem:s30], [sflag:$0xD], $0x80, s26, s21, $0xb8;
	[tilespmem:$0x1FF80] =	vst v63  }
0xd7: {  	_ =	swait.ge [sflag:s14], $0x2000  }
0xd8: {  	[sflag:s14] =	ssyncset.done $0x0  }
0xd9: {  	s5 =	simm.s32 @p1 $0xB;
	[sflag:s14] =	ssyncadd.s32 $0xFFFFE000  }
0xda: {  	_ =	swait.ge @p1 [sflag:s5], $0x2000  }
0xdb: {  	[sflag:s5] =	ssyncset.done @p1 $0x0  }
0xdc: {  	s26 =	simm.s32 @p1 $0x8600;
	[sflag:s5] =	ssyncadd.s32 @p1 $0xFFFFE000;
	s5 =	simm.s32 @p1 $0x500  }
0xdd: {  	[spmem:s2] =	stream.indirect.scatter.add.f32 @p1 [tilespmem:s26], [sflag:$0xD], $0x80, s5, s22, $0xb8;
	[tilespmem:$0x1FF80] =	vst v63  }
0xde: {  	_ =	swait.ge @p1 [sflag:s4], $0x2000  }
0xdf: {  	[sflag:s4] =	ssyncset.done @p1 $0x0  }
0xe0: {  	[sflag:s4] =	ssyncadd.s32 @p1 $0xFFFFE000;
	s4 =	rddreg [dreg:$0x1d]  }
0xe1: {  	s5 =	simm.s32 @!p1 $0x180;
	s4 =	sadd.s32 @!p1 s23, s4  }
0xe2: {  	[tilespmem:s5], [sflag:$0x4] =	stream.linear.gather @!p1 [hbm4b:s4+s24], $0x40, $0x38;
	[tilespmem:$0x1FF80] =	vst v63  }
0xe3: {  	s4 =	rddreg [dreg:$0x1c]  }
0xe4: {  	s22 =	simm.s32 @!p1 $0x480;
	s4 =	sadd.s32 @!p1 s23, s4  }
0xe5: {  	[tilespmem:s22], [sflag:$0x4] =	stream.linear.gather @!p1 [hbm4b:s4+s24], $0x40, $0x38;
	[tilespmem:$0x1FF80] =	vst v63  }
0xe6: {  	s4 =	simm.s32 @!p1 $0x3  }
0xe7: {  	_ =	swait.ge @!p1 [sflag:s4], $0x40  }
0xe8: {  	[sflag:s4] =	ssyncset.done @!p1 $0x0  }
0xe9: {  	[sflag:s4] =	ssyncadd.s32 @!p1 $0xFFFFFFC0  }
0xea: {  	_ =	swait.ge @!p1 [sflag:s4], $0x40  }
0xeb: {  	[sflag:s4] =	ssyncset.done @!p1 $0x0  }
0xec: {  	[sflag:s4] =	ssyncadd.s32 @!p1 $0xFFFFFFC0  }
0xed: {  	[tilespmem:s28], [sflag:$0x9] =	stream.indirect.gather @!p1 [hbm4b:s1+s25], $0x80, s3, s25, $0xb8;
	[tilespmem:$0x1FF80] =	vst v63  }
0xee: {  	s3 =	simm.s32 @!p1 $0xB  }
0xef: {  	_ =	swait.ge @!p1 [sflag:s3], $0x2000  }
0xf0: {  	[sflag:s3] =	ssyncset.done @!p1 $0x0  }
0xf1: {  	s4 =	simm.s32 @!p1 $0x8600;
	[sflag:s3] =	ssyncadd.s32 @!p1 $0xFFFFE000;
	s3 =	simm.s32 @!p1 $0x500  }
0xf2: {  	[spmem:s2] =	stream.indirect.scatter.add.f32 @!p1 [tilespmem:s4], [sflag:$0xD], $0x80, s3, s25, $0xb8;
	[tilespmem:$0x1FF80] =	vst v63  }
0xf3: {  	_ =	swait.ge @!p1 [sflag:s29], $0x2000  }
0xf4: {  	[sflag:s29] =	ssyncset.done @!p1 $0x0;
	s4 =	rddreg [dreg:$0x1b]  }
0xf5: {  	s22 =	simm.s32 @!p1 $0x200;
	[sflag:s29] =	ssyncadd.s32 @!p1 $0xFFFFE000;
	s4 =	sadd.s32 @!p1 s23, s4  }
0xf6: {  	[tilespmem:s22], [sflag:$0x5] =	stream.linear.gather @!p1 [hbm4b:s4+s24], $0x40, $0x38;
	[tilespmem:$0x1FF80] =	vst v63  }
0xf7: {  	s4 =	rddreg [dreg:$0x1a]  }
0xf8: {  	s4 =	sadd.s32 @!p1 s23, s4  }
0xf9: {  	[tilespmem:s3], [sflag:$0x5] =	stream.linear.gather @!p1 [hbm4b:s4+s24], $0x40, $0x38;
	[tilespmem:$0x1FF80] =	vst v63  }
0xfa: {  	s3 =	simm.s32 @!p1 $0x4  }
0xfb: {  	_ =	swait.ge @!p1 [sflag:s3], $0x40  }
0xfc: {  	[sflag:s3] =	ssyncset.done @!p1 $0x0  }
0xfd: {  	[sflag:s3] =	ssyncadd.s32 @!p1 $0xFFFFFFC0  }
0xfe: {  	_ =	swait.ge @!p1 [sflag:s3], $0x40  }
0xff: {  	[sflag:s3] =	ssyncset.done @!p1 $0x0  }
0x100: {  	[sflag:s3] =	ssyncadd.s32 @!p1 $0xFFFFFFC0;
	s3 =	simm.s32 @!p1 $0x6600  }
0x101: {  	[tilespmem:s3], [sflag:$0xA] =	stream.indirect.gather @!p1 [hbm4b:s1+s25], $0x80, s5, s25, $0xb8;
	[tilespmem:$0x1FF80] =	vst v63  }
0x102: {  	_ =	swait.ge [sflag:s20], $0x2000  }
0x103: {  	[sflag:s20] =	ssyncset.done $0x0  }
.Ltmp2:
0x104: {  	[sflag:s20] =	ssyncadd.s32 $0xFFFFE000;
	(pc) =	sbr.rel @p1 .LBB2_4-.Ltmp2, $4  }
0x105: {  	[spmem:s2] =	stream.indirect.scatter.add.f32 [tilespmem:s8], [sflag:$0xD], $0x80, s13, s21, $0xb8;
	[tilespmem:$0x1FF80] =	vst v63  }
0x106: {  	_ =	swait.ge [sflag:s14], $0x2000  }
0x107: {  	[sflag:s14] =	ssyncset.done $0x0  }
0x108: {  	[sflag:s14] =	ssyncadd.s32 $0xFFFFE000  }
.Ltmp3:
0x109: {  	s3 =	rddreg [dreg:$0x19];
	s4 =	simm.s32 $0x0;
	(pc) =	sbr.rel .LBB2_2-.Ltmp3, $4  }
0x10a: {  	s30 =	rddreg [dreg:$0x18];
	s12 =	sadd.s32 $0x180, s12;
	s3 =	sadd.s32 s23, s3  }
0x10b: {  	[tilespmem:s16], [sflag:$0x6] =	stream.linear.gather [hbm4b:s3+s4], $0x40, $0x38;
	[tilespmem:$0x1FF80] =	vst v63  }
0x10c: {  	s24 =	simm.s32 $0x600;
	s3 =	sadd.s32 s23, s30;
	s23 =	sadd.s32 $0x30, s23  }
0x10d: {  	[tilespmem:s13], [sflag:$0x6] =	stream.linear.gather [hbm4b:s3+s4], $0x40, $0x38;
	[tilespmem:$0x1FF80] =	vst v63  }
.LBB2_5:
0x10e: {  	_ =	sfence.sel $0x180000  }
0x10f: {  	[bflag:$0x0] =	sbarrier.arrive $0xFFFF  }
0x110: {  	_ =	strace $0x90000047  }
0x111: {  	[bflag:$0x2] =	sbarrier.arrive $0xFFFF  }
0x112: {  	s0 =	rddreg [dreg:$0x3]  }
0x113: {  	s0 =	sadd.s32 @!p0 $0x100000, s0  }
0x114: {  	[sflag:s0] =	ssyncadd.tile.s32 @!p0 $0x1;
	_ =	shalt  }
.Lfunc_end2:
_tile_overlayer_lowered:
.L_overlay_start_2:
0x115: {  	(tag) =	ssettag $0x2  }
0x116: {  	s0 =	rddreg [dreg:$0x0];
	s2 =	stileid.u32  }
0x117: {  	s1 =	rddreg [dreg:$0x1];
	p0 =	sne.s32 s2, $0x0  }
0x118: {  	s3 =	rddreg [dreg:$0x2];
	[bflag:$0x3] =	sbarrier.arrive $0xFFFF;
	s2 =	simm.s32 @!p0 $0x1C0D  }
0x119: {  	[timem:s3], [sflag:s2] =	dma.local @!p0 [hbm:s0], s1  }
0x11a: {  	s0 =	simm.s32 @!p0 $0xD  }
0x11b: {  	_ =	swait.ge @!p0 [sflag:s0], s1  }
0x11c: {  	s1 =	ssub.s32 @!p0 $0x0, s1;
	[sflag:s0] =	ssyncset.done @!p0 $0x0  }
0x11d: {  	[sflag:s0] =	ssyncadd.s32 @!p0 s1  }
0x11e: {  	[bflag:$0x3] =	sbarrier.arrive $0xFFFF  }
0x11f: {  	_ =	shalt  }

// kernel: kernel.9.cloned.1.call-start
scs
__scs_entry_jumppad:
0x0: {  	(pc) =	sbr.rel $0x88, $3  }
0x1: {  	(tag) =	ssettag $0x0;
	lr =	simm.s32 $0x1  }
0x2: {  	[smem:$0x3F91] =	sst lr;
	_ =	strace $0xD0000000  }
0x3: {  	_ = 	snop  }
0x4: {  	_ = 	snop  }
0x5: {  	_ = 	snop  }
0x6: {  	_ = 	snop  }
0x7: {  	_ = 	snop  }
__scs_overlays_trampoline_lowered:
0x8: {  	[smem:$0x3FA0] =	sst s0  }
0x9: {  	[smem:$0x3FA1] =	sst s1  }
0xa: {  	[smem:$0x3FA2] =	sst s2  }
0xb: {  	[smem:$0x3FA3] =	sst s3  }
0xc: {  	[smem:$0x3FA4] =	sst s4  }
0xd: {  	[smem:$0x3FA5] =	sst s5  }
0xe: {  	[smem:$0x3FA6] =	sst s6  }
0xf: {  	[smem:$0x3FA7] =	sst s7  }
0x10: {  	[smem:$0x3FA8] =	sst s8  }
0x11: {  	[smem:$0x3FA9] =	sst s9;
	s0 =	simm.s32 @!p0 $0x0  }
0x12: {  	s1 =	sld [smem:$0x3F8F];
	s0 =	simm.s32 @p0 $0x1  }
0x13: {  	[smem:$0x3FAA] =	sst s0;
	s0 =	simm.s32 @!p1 $0x0  }
0x14: {  	s2 =	sld [smem:$0x3F8E];
	s0 =	simm.s32 @p1 $0x1  }
0x15: {  	[smem:$0x3FAB] =	sst s0;
	s0 =	simm.s32 @!p2 $0x0  }
0x16: {  	s3 =	sld [smem:$0x3FDB];
	s0 =	simm.s32 @p2 $0x1  }
0x17: {  	s4 =	simm.s32 $0x1BF5;
	[smem:$0x3FAD] =	sst s0  }
0x18: {  	s0 =	sld [smem:$0x3F90];
	_ =	swait.ge [sflag:s4], $0x0  }
0x19: {  	s7 =	sld [smem:$0x3F91]  }
0x1a: {  	s8 =	sadd.s32 $0xFFFFE003, lr  }
0x1b: {  	s9 =	sadd.s32 $0xFFFFFEF7, lr;
	s5 =	simm.s32 $0xFFFFFFFF;
	p2 =	slt.u32 s8, $0xFFFFF086  }
0x1c: {  	p1 =	slt.u32 s9, $0xF7A;
	s5 =	simm.s32 @!p2 $0x0  }
0x1d: {  	s5 =	simm.s32 @p1 $0x1;
	p0 =	seq.s32 s7, s2  }
0x1e: {  	s7 =	smul.u32 @!p0 $0xF7A, s2;
	p2 =	seq.s32 @!p0 s5, $0x0  }
0x1f: {  	s9 =	smul.u32 $0xF7A, s1;
	s8 =	simm.s32 @!p0 $0x1BF5;
	p2 =	por !p2, p0  }
0x20: {  	[sflag:s8] =	ssyncset.s32 @!p0 $0xFFFFF086;
	s6 =	sadd.s32 @!p0 s3, s7;
	s7 =	simm.s32 @!p0 $0x108  }
0x21: {  	s3 =	sadd.s32 s3, s9;
	s6 =	sadd.s32 @!p0 $0x88, s6;
	s7 =	simm.s32 @p2 $0x1082  }
0x22: {  	[simem:s7], [sflag:s8] =	dma.local @!p0 [hbm:s6], $0xF7A  }
0x23: {  	s9 =	sor.u32 $0xD0000000, s2;
	s6 =	simm.s32 $0x108;
	_ =	swait.ge @!p0 [sflag:s8], $0x0  }
0x24: {  	s3 =	sadd.s32 $0x88, s3;
	s6 =	simm.s32 @!p1 $0x1082;
	[sflag:s4] =	ssyncset.s32 $0xFFFFF086  }
0x25: {  	[simem:s6], [sflag:s4] =	dma.local [hbm:s3], $0xF7A  }
0x26: {  	[smem:$0x3F91] =	sst s1;
	(tag) =	ssettag s2;
	_ =	strace s9  }
0x27: {  	s1 =	sld [smem:$0x3FA1]  }
0x28: {  	s2 =	sld [smem:$0x3FA2]  }
0x29: {  	s4 =	sld [smem:$0x3FA4]  }
0x2a: {  	p0 =	seq.s32 s5, $0x0;
	s5 =	sld [smem:$0x3FA5]  }
0x2b: {  	s6 =	sld [smem:$0x3FA6]  }
0x2c: {  	s7 =	sld [smem:$0x3FA7]  }
0x2d: {  	s3 =	simm.s32 $0x108;
	s8 =	sld [smem:$0x3FA8]  }
0x2e: {  	s3 =	simm.s32 @!p0 $0x1082;
	s9 =	sld [smem:$0x3FA9]  }
0x2f: {  	lr =	sadd.s32 s0, s3;
	s0 =	sld [smem:$0x3FA0]  }
0x30: {  	s3 =	sld [smem:$0x3FA3]  }
0x31: {  	[smem:$0x3FAC] =	sst s10  }
0x32: {  	s10 =	sld [smem:$0x3FAA];
	_ =	sdelay $0x3  }
0x33: {  	p0 =	seq.s32 s10, $0x1;
	s10 =	sld [smem:$0x3FAC];
	_ =	sdelay $0x3  }
0x34: {  	[smem:$0x3FAC] =	sst s10  }
0x35: {  	s10 =	sld [smem:$0x3FAB];
	_ =	sdelay $0x3  }
0x36: {  	p1 =	seq.s32 s10, $0x1;
	s10 =	sld [smem:$0x3FAC];
	_ =	sdelay $0x3  }
0x37: {  	[smem:$0x3FAC] =	sst s10  }
0x38: {  	s10 =	sld [smem:$0x3FAD]  }
0x39: {  	_ = 	snop;
	(pc) =	sbr.ind lr, $3  }
0x3a: {  	_ = 	snop  }
0x3b: {  	_ = 	snop  }
0x3c: {  	p2 =	seq.s32 s10, $0x1;
	s10 =	sld [smem:$0x3FAC]  }
0x3d: {  	_ =	shalt  }
0x3e: {  	_ =	shalt  }
0x3f: {  	_ =	shalt  }
0x40: {  	_ =	shalt  }
0x41: {  	_ =	shalt  }
0x42: {  	_ =	shalt  }
0x43: {  	_ =	shalt  }
0x44: {  	_ =	shalt  }
0x45: {  	_ =	shalt  }
0x46: {  	_ =	shalt  }
0x47: {  	_ =	shalt  }
0x48: {  	_ =	shalt  }
0x49: {  	_ =	shalt  }
0x4a: {  	_ =	shalt  }
0x4b: {  	_ =	shalt  }
0x4c: {  	_ =	shalt  }
0x4d: {  	_ =	shalt  }
0x4e: {  	_ =	shalt  }
0x4f: {  	_ =	shalt  }
0x50: {  	_ =	shalt  }
0x51: {  	_ =	shalt  }
0x52: {  	_ =	shalt  }
0x53: {  	_ =	shalt  }
0x54: {  	_ =	shalt  }
0x55: {  	_ =	shalt  }
0x56: {  	_ =	shalt  }
0x57: {  	_ =	shalt  }
0x58: {  	_ =	shalt  }
0x59: {  	_ =	shalt  }
0x5a: {  	_ =	shalt  }
0x5b: {  	_ =	shalt  }
0x5c: {  	_ =	shalt  }
0x5d: {  	_ =	shalt  }
0x5e: {  	_ =	shalt  }
0x5f: {  	_ =	shalt  }
0x60: {  	_ =	shalt  }
0x61: {  	_ =	shalt  }
0x62: {  	_ =	shalt  }
0x63: {  	_ =	shalt  }
0x64: {  	_ =	shalt  }
0x65: {  	_ =	shalt  }
0x66: {  	_ =	shalt  }
0x67: {  	_ =	shalt  }
0x68: {  	_ =	shalt  }
0x69: {  	_ =	shalt  }
0x6a: {  	_ =	shalt  }
0x6b: {  	_ =	shalt  }
0x6c: {  	_ =	shalt  }
0x6d: {  	_ =	shalt  }
0x6e: {  	_ =	shalt  }
0x6f: {  	_ =	shalt  }
0x70: {  	_ =	shalt  }
0x71: {  	_ =	shalt  }
0x72: {  	_ =	shalt  }
0x73: {  	_ =	shalt  }
0x74: {  	_ =	shalt  }
0x75: {  	_ =	shalt  }
0x76: {  	_ =	shalt  }
0x77: {  	_ =	shalt  }
0x78: {  	_ =	shalt  }
0x79: {  	_ =	shalt  }
0x7a: {  	_ =	shalt  }
0x7b: {  	_ =	shalt  }
0x7c: {  	_ =	shalt  }
0x7d: {  	_ =	shalt  }
0x7e: {  	_ =	shalt  }
0x7f: {  	_ =	shalt  }
0x80: {  	_ =	shalt  }
0x81: {  	_ =	shalt  }
0x82: {  	_ =	shalt  }
0x83: {  	_ =	shalt  }
0x84: {  	_ =	shalt  }
0x85: {  	_ =	shalt  }
0x86: {  	_ =	shalt  }
0x87: {  	_ =	shalt  }
.Lfunc_end0:
.L_simem_size_0:
called_computation.1_lowered:
.L_overlay_start_0:
0x88: {  	s2 =	sld [smem:$0x3FD9]  }
0x89: {  	s3 =	sld [smem:$0x3FFE];
	_ =	sdelay $0x1  }
0x8a: {  	s1 =	srdreg.scid  }
0x8b: {  	s0 =	sand.u32 $0x1, s1  }
0x8c: {  	s17 =	sshll.u32 s0, $0xA;
	s2 =	sadd.s32 s3, s2  }
0x8d: {  	s2 =	sadd.s32 s2, s17  }
0x8e: {  	[smem:$0x3FB8] =	sst s2  }
0x8f: {  	_ = 	snop  }
0x90: {  	s2 =	sld [smem:$0x3FD0];
	(tm) =	ssettm $0x1  }
0x91: {  	s18 =	sld [smem:$0x3FFB];
	_ =	sdelay $0x3  }
0x92: {  	_ =	strace s18  }
0x93: {  	s3 =	sld [smem:$0x3FFC];
	_ =	sdelay $0x3  }
0x94: {  	_ =	strace s3  }
0x95: {  	s3 =	sld [smem:$0x3FFD];
	_ =	sdelay $0x3  }
0x96: {  	_ =	strace s3  }
0x97: {  	_ =	strace $0x8FFFFFFF  }
0x98: {  	s19 =	sld [smem:$0x3FDB];
	_ =	sdelay $0x1  }
0x99: {  	s4 =	simm.s32 $_scs_section_size  }
0x9a: {  	s5 =	simm.s32 $_size__tile_overlayer_lowered;
	s6 =	simm.s32 $_tile_overlayer_lowered  }
0x9b: {  	s22 =	simm.s32 $0x1BFF;
	s21 =	sshll.u32 s6, $0x1;
	s3 =	sadd.s32 s4, s19  }
0x9c: {  	s7 =	simm.s32 $0x0;
	s20 =	sshll.u32 s5, $0x1;
	s5 =	sadd.s32 s21, s3  }
0x9d: {  	[timem:s7], [sflag:s22] =	dma.local [hbm:s5], s20  }
0x9e: {  	_ =	swait.ge [sflag:s22], s20  }
0x9f: {  	s4 =	ssub.s32 $0x0, s20;
	[sflag:s22] =	ssyncset.done $0x0  }
0xa0: {  	[sflag:s22] =	ssyncadd.s32 s4;
	_ =	sdelay $0x1  }
0xa1: {  	s23 =	simm.s32 $0x1B8B  }
0xa2: {  	_ =	swait.ge [sflag:s23], $0x1  }
0xa3: {  	[sflag:s23] =	ssyncset.done $0x0  }
0xa4: {  	s25 =	simm.s32 $0x1B8E;
	s24 =	sld [smem:$0x3FFE];
	[sflag:s23] =	ssyncadd.s32 $0xFFFFFFFF  }
0xa5: {  	s26 =	simm.s32 $execute0_lowered;
	[smem:$0x3FD2] =	sst s25  }
0xa6: {  	s5 =	sshll.u32 s26, $0x1;
	_ =	strace $0x80000049;
	[dreg:$0x1] =	wrdreg $0xFFFFFFFF  }
0xa7: {  	s28 =	simm.s32 $_size_execute0_lowered;
	s3 =	sadd.s32 s3, s5;
	[dreg:$0x0] =	wrdreg $0x0  }
0xa8: {  	s5 =	sshll.u32 s28, $0x1;
	[dreg:$0x2] =	wrdreg s3  }
0xa9: {  	[dreg:$0x3] =	wrdreg s5  }
0xaa: {  	[dreg:$0x4] =	wrdreg $0xC0  }
0xab: {  	_ =	task [dreg:s7], $0x5FFFF  }
0xac: {  	[dreg:$0x1] =	wrdreg $0xFFFFFFFF  }
0xad: {  	[dreg:$0x0] =	wrdreg $0x60  }
0xae: {  	[dreg:$0x2] =	wrdreg s2  }
0xaf: {  	[dreg:$0x3] =	wrdreg s24  }
0xb0: {  	[dreg:$0x4] =	wrdreg $0xC7000  }
0xb1: {  	[dreg:$0x5] =	wrdreg $0x9  }
0xb2: {  	_ =	task.clear_ibuf [dreg:s7], $0x6FFFF;
	_ =	strace $0x90000049  }
0xb3: {  	s29 =	simm.s32 $0x9;
	_ =	strace $0x8000004B  }
0xb4: {  	_ =	swait.ge [sflag:s29], $0x1  }
0xb5: {  	[sflag:s29] =	ssyncadd.s32 $0xFFFFFFFF  }
0xb6: {  	_ =	strace $0x9000004B  }
0xb7: {  	_ =	sfence  }
0xb8: {  	s30 =	sld [smem:$0x0];
	_ =	sdelay $0x2  }
0xb9: {  	s31 =	sshll.u32 s1, $0xD;
	s1 =	sshrl.u32 s1, $0x2  }
0xba: {  	s3 =	sand.u32 $0x4000, s31;
	s1 =	sadd.s32 s1, s30  }
0xbb: {  	s0 =	sor.u32 s3, s0;
	s1 =	sshll.u32 s1, $0x11  }
0xbc: {  	s0 =	sor.u32 s1, s0  }
0xbd: {  	s0 =	sadd.s32 $0x8F2B, s0  }
0xbe: {  	[sflag:s0] =	ssyncadd.remote.s32 $0x1  }
0xbf: {  	_ =	sfence.sel $0xFFFF  }
0xc0: {  	[dreg:$0x0] =	wrdreg $0xFFFFFFFF;
	(pc) =	sbr.abs _section_cstart, $3  }
0xc1: {  	[dreg:$0x1] =	wrdreg $0xFFFFFFFF  }
0xc2: {  	_ =	task.clear_ibuf [dreg:s7], $0x2FFFF;
	_ =	strace $0x9FFFFFFF  }
0xc3: {  	(tm) =	ssettm $0x7FFFFFFF  }
tec
execute0_lowered:
.L_overlay_start_1:
0x0: {  	(tag) =	ssettag $0x1  }
0x1: {  	s1 =	rddreg [dreg:$0x0]  }
0x2: {  	s0 =	rddreg [dreg:$0x1]  }
0x3: {  	s2 =	rddreg [dreg:$0x2]  }
0x4: {  	s4 =	simm.s32 $0x0;
	s5 =	srdreg.scid;
	s7 =	stileid.u32  }
0x5: {  	[smem:$0x7FF] =	sst s4;
	s3 =	sadd.s32 $0xCA00, s0;
	s6 =	sand.u32 $0x1, s5  }
0x6: {  	s5 =	sadd.s32 $0x2C00, s0;
	s10 =	smul.u32 $0x4E000, s7;
	s11 =	sadd.s32 $0x16800, s0  }
0x7: {  	s0 =	sadd.s32 $0x19000, s0;
	s30 =	smul.u32 $0x2700, s7;
	s12 =	sshll.u32 s7, $0x6  }
0x8: {  	s24 =	smul.u32 $0x2710, s7;
	p0 =	sne.s32 s7, $0x0;
	_ =	strace $0x8000004A  }
0x9: {  	s8 =	sshll.u32 s6, $0x4;
	s9 =	ssub.s32 $0x2, s6;
	s18 =	smul.u32 $0x27100, s6  }
0xa: {  	[dreg:$0x4] =	wrdreg s11;
	s22 =	sor.u32 $0x1C0D, s12;
	s6 =	smul.u32 $0x138800, s6  }
0xb: {  	s31 =	smov.u32 s3;
	s8 =	sor.u32 s7, s8;
	s29 =	sshrl.u32 s9, $0x1  }
0xc: {  	s10 =	sshrl.u32 s10, $0x2;
	[dreg:$0x6] =	wrdreg s22;
	s8 =	smul.u32 $0x2710, s8  }
0xd: {  	s9 =	ssub.s32 s9, s29;
	s10 =	sadd.s32 s10, s2;
	s23 =	sadd.s32 s30, s18  }
0xe: {  	s6 =	sshrl.u32 s6, $0x3;
	s29 =	sadd.s32 s24, s18;
	s8 =	sshrl.u32 s8, $0x3  }
0xf: {  	[dreg:$0x5] =	wrdreg s10;
	s24 =	sadd.s32 $0x200, s29;
	s14 =	sadd.s32 s3, s8  }
0x10: {  	s13 =	sadd.s32 $0x8, s8;
	s15 =	sadd.s32 s5, s8;
	[dreg:$0x7] =	wrdreg s14  }
0x11: {  	s17 =	sadd.s32 $0x10, s8;
	[dreg:$0x8] =	wrdreg s15;
	s16 =	sadd.s32 s3, s13  }
0x12: {  	s19 =	sadd.s32 $0x18, s8;
	s10 =	sadd.s32 s5, s13;
	[dreg:$0x9] =	wrdreg s16  }
0x13: {  	s25 =	sadd.s32 $0x20, s8;
	s13 =	sadd.s32 s3, s17;
	[dreg:$0xa] =	wrdreg s10  }
0x14: {  	s30 =	sadd.s32 $0x28, s8;
	s20 =	sadd.s32 s3, s19;
	[dreg:$0xb] =	wrdreg s13  }
0x15: {  	s8 =	sadd.s32 $0x4E0, s8;
	s21 =	sadd.s32 s5, s19;
	[dreg:$0xd] =	wrdreg s20  }
0x16: {  	s26 =	sadd.s32 s3, s25;
	s28 =	sadd.s32 s5, s25;
	[dreg:$0xe] =	wrdreg s21  }
0x17: {  	s11 =	sadd.s32 s3, s30;
	s12 =	sadd.s32 s5, s30;
	[dreg:$0x10] =	wrdreg s26  }
0x18: {  	s14 =	sadd.s32 s5, s8;
	s15 =	sadd.s32 $0x2C0, s29;
	[dreg:$0x11] =	wrdreg s28  }
0x19: {  	s19 =	sadd.s32 $0x240, s29;
	s25 =	sshrl.u32 s24, $0x3;
	[dreg:$0x12] =	wrdreg s11  }
0x1a: {  	s30 =	sadd.s32 $0x138000, s2;
	s24 =	simm.s32 $0x600;
	[dreg:$0x13] =	wrdreg s12  }
0x1b: {  	s10 =	sadd.s32 s5, s17;
	s13 =	sadd.s32 s3, s8;
	[dreg:$0x15] =	wrdreg s14  }
0x1c: {  	s16 =	smax.u32 s9, $0x1;
	s17 =	sadd.s32 $0x280, s29;
	s20 =	sshrl.u32 s19, $0x3  }
0x1d: {  	s26 =	sadd.s32 $0x1C0, s29;
	s9 =	sadd.s32 s25, s3;
	s29 =	sadd.s32 $0x180, s29  }
0x1e: {  	[dreg:$0x1f] =	wrdreg s30;
	s14 =	simm.s32 $0xD;
	s19 =	simm.s32 $0x7  }
0x1f: {  	s8 =	simm.s32 $0xA600;
	s12 =	simm.s32 $0x0;
	[dreg:$0xc] =	wrdreg s10  }
0x20: {  	s10 =	sadd.s32 s0, s23;
	s0 =	sadd.s32 s0, s6;
	[dreg:$0x14] =	wrdreg s13  }
0x21: {  	[dreg:$0x17] =	wrdreg s16;
	s7 =	sshrl.u32 s17, $0x3;
	s23 =	sadd.s32 s20, s5  }
0x22: {  	s28 =	sshrl.u32 s26, $0x3;
	[dreg:$0x1e] =	wrdreg s29;
	s16 =	simm.s32 $0x280  }
0x23: {  	s13 =	simm.s32 $0x580;
	s6 =	simm.s32 $0x6;
	[dreg:$0xf] =	wrdreg s10  }
0x24: {  	s17 =	simm.s32 $0xA;
	s0 =	sadd.s32 $0x27000, s0;
	[dreg:$0x1c] =	wrdreg s23  }
0x25: {  	s21 =	sadd.s32 s7, s5;
	s7 =	sadd.s32 s7, s3;
	[dreg:$0x16] =	wrdreg s0  }
0x26: {  	s10 =	sadd.s32 s28, s5;
	s11 =	sadd.s32 s28, s3;
	[dreg:$0x1a] =	wrdreg s21  }
.Ltmp0:
0x27: {  	s0 =	sshrl.u32 s15, $0x3;
	[dreg:$0x1b] =	wrdreg s7;
	(pc) =	sbr.rel .LBB2_1-.Ltmp0, $4  }
0x28: {  	s7 =	sadd.s32 s25, s5;
	s21 =	simm.s32 $0x40;
	s18 =	sadd.s32 s0, s5  }
0x29: {  	s15 =	simm.s32 $0x8;
	s0 =	sadd.s32 s0, s3;
	[dreg:$0x18] =	wrdreg s18  }
0x2a: {  	[dreg:$0x19] =	wrdreg s0;
	s0 =	sadd.s32 s20, s3;
	s18 =	simm.s32 $0x5  }
0x2b: {  	s20 =	simm.s32 $0xC;
	[dreg:$0x1d] =	wrdreg s0;
	s0 =	smov.u32 s5  }
.LBB2_4:
0x2c: {  	s4 =	simm.s32 $0x0;
	s3 =	rddreg [dreg:$0x14];
	s5 =	simm.s32 $0xC600  }
0x2d: {  	[tilespmem:s5], [sflag:$0xD] =	stream.linear.gather [hbm4b:s3+s4], $0x10, $0x38;
	[tilespmem:$0x1FF80] =	vst v63  }
0x2e: {  	_ =	swait.ge [sflag:s14], $0x10  }
0x2f: {  	[sflag:s14] =	ssyncset.done $0x0  }
0x30: {  	s12 =	simm.s32 $0xC680;
	s24 =	rddreg [dreg:$0x15];
	[sflag:s14] =	ssyncadd.s32 $0xFFFFFFF0  }
0x31: {  	[tilespmem:s12], [sflag:$0xD] =	stream.linear.gather [hbm4b:s24+s4], $0x10, $0x38;
	[tilespmem:$0x1FF80] =	vst v63  }
0x32: {  	_ =	swait.ge [sflag:s14], $0x10  }
0x33: {  	[sflag:s14] =	ssyncset.done $0x0  }
0x34: {  	s25 =	simm.s32 $0x10;
	s24 =	simm.s32 $0x600;
	[sflag:s14] =	ssyncadd.s32 $0xFFFFFFF0  }
0x35: {  	[tilespmem:s24], [sflag:$0x7] =	stream.indirect.gather [hbm4b:s1+s25], $0x80, s5, s25, $0xb8;
	[tilespmem:$0x1FF80] =	vst v63  }
0x36: {  	_ =	swait.ge [sflag:s19], $0x800  }
0x37: {  	[sflag:s19] =	ssyncset.done $0x0  }
0x38: {  	[sflag:s19] =	ssyncadd.s32 $0xFFFFF800  }
0x39: {  	[spmem:s2] =	stream.indirect.scatter.add.f32 [tilespmem:s24], [sflag:$0xD], $0x80, s12, s25, $0xb8;
	[tilespmem:$0x1FF80] =	vst v63  }
0x3a: {  	_ =	swait.ge [sflag:s14], $0x800  }
0x3b: {  	[sflag:s14] =	ssyncset.done $0x0  }
0x3c: {  	[sflag:s14] =	ssyncadd.s32 $0xFFFFF800  }
0x3d: {  	[bflag:$0x0] =	sbarrier.arrive $0xFFFF  }
0x3e: {  	s28 =	sld [smem:$0x7FC]  }
0x3f: {  	s22 =	rddreg [dreg:$0x6]  }
0x40: {  	s26 =	rddreg [dreg:$0xf]  }
0x41: {  	[hbm:s26], [sflag:s22] =	dma.local [spmem:s28], $0x2700  }
0x42: {  	_ =	swait.ge [sflag:s14], $0x2700  }
0x43: {  	s5 =	sld [smem:$0x7FD]  }
0x44: {  	[sflag:s14] =	ssyncset.done $0x0  }
0x45: {  	s3 =	rddreg [dreg:$0x16];
	[sflag:s14] =	ssyncadd.s32 $0xFFFFD900  }
0x46: {  	[hbm:s3], [sflag:s22] =	dma.local @!p0 [spmem:s5], $0x100  }
0x47: {  	s3 =	simm.s32 @!p0 $0xD  }
0x48: {  	_ =	swait.ge @!p0 [sflag:s3], $0x100  }
0x49: {  	s29 =	sld [smem:$0x7FB];
	_ =	sdelay $0x2  }
0x4a: {  	s30 =	rddreg [dreg:$0x17];
	s12 =	sadd.s32 $0x1, s29  }
0x4b: {  	p1 =	sne.s32 s12, s30  }
.Ltmp1:
0x4c: {  	_ = 	snop;
	(pc) =	sbr.rel @!p1 .LBB2_5-.Ltmp1, $3  }
0x4d: {  	_ =	sdelay $0x1  }
0x4e: {  	[sflag:s3] =	ssyncset.done @!p0 $0x0  }
0x4f: {  	[sflag:s3] =	ssyncadd.s32 @!p0 $0xFFFFFF00  }
.LBB2_1:
0x50: {  	[smem:$0x7FB] =	sst s12  }
0x51: {  	s3 =	rddreg [dreg:$0x5]  }
0x52: {  	s5 =	sshrl.u32 s3, $0x3;
	s3 =	rddreg [dreg:$0x4]  }
0x53: {  	[smem:$0x7FC] =	sst s5  }
0x54: {  	[spmem:s5], [sflag:s22] =	dma.local [hbm:s3], $0x2700  }
0x55: {  	_ =	swait.ge [sflag:s14], $0x2700  }
0x56: {  	s5 =	rddreg [dreg:$0x1f]  }
0x57: {  	[sflag:s14] =	ssyncset.done $0x0;
	s5 =	sshrl.u32 @!p0 s5, $0x3  }
0x58: {  	s12 =	simm.s32 @!p0 $0xD;
	[sflag:s14] =	ssyncadd.s32 $0xFFFFD900;
	[smem:$0x7FD] =	sst s5  }
0x59: {  	[spmem:s5], [sflag:s22] =	dma.local @!p0 [hbm:s3], $0x100  }
0x5a: {  	_ =	swait.ge @!p0 [sflag:s12], $0x100  }
0x5b: {  	[sflag:s12] =	ssyncset.done @!p0 $0x0  }
0x5c: {  	[sflag:s12] =	ssyncadd.s32 @!p0 $0xFFFFFF00  }
0x5d: {  	[bflag:$0x0] =	sbarrier.arrive $0xFFFF  }
0x5e: {  	s23 =	rddreg [dreg:$0x7]  }
0x5f: {  	[tilespmem:s4], [sflag:$0xD] =	stream.linear.gather [hbm4b:s23+s4], $0x40, $0x38;
	[tilespmem:$0x1FF80] =	vst v63  }
0x60: {  	_ =	swait.ge [sflag:s14], $0x40  }
0x61: {  	[sflag:s14] =	ssyncset.done $0x0  }
0x62: {  	s26 =	simm.s32 $0x300;
	s25 =	rddreg [dreg:$0x8];
	[sflag:s14] =	ssyncadd.s32 $0xFFFFFFC0  }
0x63: {  	[tilespmem:s26], [sflag:$0xD] =	stream.linear.gather [hbm4b:s25+s4], $0x40, $0x38;
	[tilespmem:$0x1FF80] =	vst v63  }
0x64: {  	_ =	swait.ge [sflag:s14], $0x40  }
0x65: {  	[sflag:s14] =	ssyncset.done $0x0  }
0x66: {  	s5 =	simm.s32 $0x80;
	s28 =	rddreg [dreg:$0x9];
	[sflag:s14] =	ssyncadd.s32 $0xFFFFFFC0  }
0x67: {  	[tilespmem:s5], [sflag:$0xD] =	stream.linear.gather [hbm4b:s28+s4], $0x40, $0x38;
	[tilespmem:$0x1FF80] =	vst v63  }
0x68: {  	_ =	swait.ge [sflag:s14], $0x40  }
0x69: {  	[sflag:s14] =	ssyncset.done $0x0  }
0x6a: {  	s30 =	simm.s32 $0x380;
	s29 =	rddreg [dreg:$0xa];
	[sflag:s14] =	ssyncadd.s32 $0xFFFFFFC0  }
0x6b: {  	[tilespmem:s30], [sflag:$0xD] =	stream.linear.gather [hbm4b:s29+s4], $0x40, $0x38;
	[tilespmem:$0x1FF80] =	vst v63  }
0x6c: {  	_ =	swait.ge [sflag:s14], $0x40  }
0x6d: {  	[sflag:s14] =	ssyncset.done $0x0  }
0x6e: {  	s12 =	simm.s32 $0x100;
	s22 =	rddreg [dreg:$0xb];
	[sflag:s14] =	ssyncadd.s32 $0xFFFFFFC0  }
0x6f: {  	[tilespmem:s12], [sflag:$0xD] =	stream.linear.gather [hbm4b:s22+s4], $0x40, $0x38;
	[tilespmem:$0x1FF80] =	vst v63  }
0x70: {  	_ =	swait.ge [sflag:s14], $0x40  }
0x71: {  	[sflag:s14] =	ssyncset.done $0x0  }
0x72: {  	s25 =	simm.s32 $0x400;
	s23 =	rddreg [dreg:$0xc];
	[sflag:s14] =	ssyncadd.s32 $0xFFFFFFC0  }
0x73: {  	[tilespmem:s25], [sflag:$0xD] =	stream.linear.gather [hbm4b:s23+s4], $0x40, $0x38;
	[tilespmem:$0x1FF80] =	vst v63  }
0x74: {  	_ =	swait.ge [sflag:s14], $0x40  }
0x75: {  	[sflag:s14] =	ssyncset.done $0x0  }
0x76: {  	s28 =	simm.s32 $0x180;
	s26 =	rddreg [dreg:$0xd];
	[sflag:s14] =	ssyncadd.s32 $0xFFFFFFC0  }
0x77: {  	[tilespmem:s28], [sflag:$0xD] =	stream.linear.gather [hbm4b:s26+s4], $0x40, $0x38;
	[tilespmem:$0x1FF80] =	vst v63  }
0x78: {  	_ =	swait.ge [sflag:s14], $0x40  }
0x79: {  	[sflag:s14] =	ssyncset.done $0x0  }
0x7a: {  	s23 =	simm.s32 $0x480;
	s29 =	rddreg [dreg:$0xe];
	[sflag:s14] =	ssyncadd.s32 $0xFFFFFFC0  }
0x7b: {  	[tilespmem:s23], [sflag:$0xD] =	stream.linear.gather [hbm4b:s29+s4], $0x40, $0x38;
	[tilespmem:$0x1FF80] =	vst v63  }
0x7c: {  	_ =	swait.ge [sflag:s14], $0x40  }
0x7d: {  	[sflag:s14] =	ssyncset.done $0x0  }
0x7e: {  	[sflag:s14] =	ssyncadd.s32 $0xFFFFFFC0  }
0x7f: {  	[tilespmem:s24], [sflag:$0x7] =	stream.indirect.gather [hbm4b:s1+s21], $0x80, s4, s21, $0xb8;
	[tilespmem:$0x1FF80] =	vst v63  }
0x80: {  	s30 =	simm.s32 $0x2600  }
0x81: {  	[tilespmem:s30], [sflag:$0x8] =	stream.indirect.gather [hbm4b:s1+s21], $0x80, s5, s21, $0xb8;
	[tilespmem:$0x1FF80] =	vst v63  }
0x82: {  	s5 =	simm.s32 $0x4600  }
0x83: {  	[tilespmem:s5], [sflag:$0x9] =	stream.indirect.gather [hbm4b:s1+s21], $0x80, s12, s21, $0xb8;
	[tilespmem:$0x1FF80] =	vst v63  }
0x84: {  	s23 =	rddreg [dreg:$0x10];
	s12 =	simm.s32 $0x6600  }
0x85: {  	[tilespmem:s12], [sflag:$0xA] =	stream.indirect.gather [hbm4b:s1+s21], $0x80, s28, s21, $0xb8;
	[tilespmem:$0x1FF80] =	vst v63  }
0x86: {  	s25 =	simm.s32 $0x200;
	s26 =	rddreg [dreg:$0x11]  }
0x87: {  	[tilespmem:s25], [sflag:$0x5] =	stream.linear.gather [hbm4b:s23+s4], $0x40, $0x38;
	[tilespmem:$0x1FF80] =	vst v63  }
0x88: {  	s29 =	rddreg [dreg:$0x12];
	s28 =	simm.s32 $0x500  }
0x89: {  	[tilespmem:s28], [sflag:$0x5] =	stream.linear.gather [hbm4b:s26+s4], $0x40, $0x38;
	[tilespmem:$0x1FF80] =	vst v63  }
0x8a: {  	s30 =	rddreg [dreg:$0x13]  }
0x8b: {  	[tilespmem:s16], [sflag:$0x6] =	stream.linear.gather [hbm4b:s29+s4], $0x40, $0x38;
	[tilespmem:$0x1FF80] =	vst v63  }
0x8c: {  	s12 =	rddreg [dreg:$0x1e];
	s23 =	simm.s32 $0x0  }
0x8d: {  	[tilespmem:s13], [sflag:$0x6] =	stream.linear.gather [hbm4b:s30+s4], $0x40, $0x38;
	[tilespmem:$0x1FF80] =	vst v63  }
.LBB2_2:
0x8e: {  	_ =	swait.ge [sflag:s18], $0x40  }
0x8f: {  	[sflag:s18] =	ssyncset.done $0x0  }
0x90: {  	[sflag:s18] =	ssyncadd.s32 $0xFFFFFFC0  }
0x91: {  	_ =	swait.ge [sflag:s18], $0x40  }
0x92: {  	[sflag:s18] =	ssyncset.done $0x0  }
0x93: {  	s3 =	simm.s32 $0x200;
	s4 =	simm.s32 $0x8600;
	[sflag:s18] =	ssyncadd.s32 $0xFFFFFFC0  }
0x94: {  	[tilespmem:s4], [sflag:$0xB] =	stream.indirect.gather [hbm4b:s1+s21], $0x80, s3, s21, $0xb8;
	[tilespmem:$0x1FF80] =	vst v63  }
0x95: {  	_ =	swait.ge [sflag:s19], $0x2000  }
0x96: {  	[sflag:s19] =	ssyncset.done $0x0  }
0x97: {  	s5 =	simm.s32 $0x300;
	[sflag:s19] =	ssyncadd.s32 $0xFFFFE000  }
0x98: {  	[spmem:s2] =	stream.indirect.scatter.add.f32 [tilespmem:s24], [sflag:$0xD], $0x80, s5, s21, $0xb8;
	[tilespmem:$0x1FF80] =	vst v63  }
0x99: {  	p1 =	seq.s32 s23, $0x4B0;
	_ =	swait.ge [sflag:s14], $0x2000  }
0x9a: {  	s25 =	sshrl.u32 @!p1 s12, $0x3;
	[sflag:s14] =	ssyncset.done $0x0  }
0x9b: {  	s22 =	sadd.s32 @!p1 s31, s25;
	s24 =	simm.s32 @!p1 $0x0;
	[sflag:s14] =	ssyncadd.s32 $0xFFFFE000  }
0x9c: {  	[tilespmem:s24], [sflag:$0x1] =	stream.linear.gather @!p1 [hbm4b:s22+s24], $0x40, $0x38;
	[tilespmem:$0x1FF80] =	vst v63  }
0x9d: {  	s22 =	sadd.s32 @!p1 s0, s25;
	s25 =	simm.s32 @!p1 $0x300  }
0x9e: {  	[tilespmem:s25], [sflag:$0x1] =	stream.linear.gather @!p1 [hbm4b:s22+s24], $0x40, $0x38;
	[tilespmem:$0x1FF80] =	vst v63  }
0x9f: {  	_ =	swait.ge [sflag:s6], $0x40  }
0xa0: {  	[sflag:s6] =	ssyncset.done $0x0  }
0xa1: {  	[sflag:s6] =	ssyncadd.s32 $0xFFFFFFC0  }
0xa2: {  	_ =	swait.ge [sflag:s6], $0x40  }
0xa3: {  	[sflag:s6] =	ssyncset.done $0x0  }
0xa4: {  	[sflag:s6] =	ssyncadd.s32 $0xFFFFFFC0  }
0xa5: {  	[tilespmem:s8], [sflag:$0xC] =	stream.indirect.gather [hbm4b:s1+s21], $0x80, s16, s21, $0xb8;
	[tilespmem:$0x1FF80] =	vst v63  }
0xa6: {  	_ =	swait.ge [sflag:s15], $0x2000  }
0xa7: {  	[sflag:s15] =	ssyncset.done $0x0  }
0xa8: {  	s22 =	simm.s32 $0x380;
	s25 =	simm.s32 $0x2600;
	[sflag:s15] =	ssyncadd.s32 $0xFFFFE000  }
0xa9: {  	[spmem:s2] =	stream.indirect.scatter.add.f32 [tilespmem:s25], [sflag:$0xD], $0x80, s22, s21, $0xb8;
	[tilespmem:$0x1FF80] =	vst v63  }
0xaa: {  	_ =	swait.ge [sflag:s14], $0x2000  }
0xab: {  	[sflag:s14] =	ssyncset.done $0x0  }
0xac: {  	s22 =	simm.s32 @p1 $0x9;
	[sflag:s14] =	ssyncadd.s32 $0xFFFFE000  }
0xad: {  	_ =	swait.ge @p1 [sflag:s22], $0x2000  }
0xae: {  	s4 =	simm.s32 @p1 $0x4600;
	[sflag:s22] =	ssyncset.done @p1 $0x0  }
0xaf: {  	s25 =	simm.s32 @p1 $0x400;
	[sflag:s22] =	ssyncadd.s32 @p1 $0xFFFFE000;
	s22 =	simm.s32 @p1 $0x40  }
0xb0: {  	[spmem:s2] =	stream.indirect.scatter.add.f32 @p1 [tilespmem:s4], [sflag:$0xD], $0x80, s25, s22, $0xb8;
	[tilespmem:$0x1FF80] =	vst v63  }
0xb1: {  	s4 =	simm.s32 @p1 $0xD  }
0xb2: {  	_ =	swait.ge @p1 [sflag:s4], $0x2000  }
0xb3: {  	[sflag:s4] =	ssyncset.done @p1 $0x0  }
0xb4: {  	s5 =	simm.s32 @!p1 $0x80;
	s25 =	sadd.s32 @!p1 s23, s11;
	[sflag:s4] =	ssyncadd.s32 @p1 $0xFFFFE000  }
0xb5: {  	[tilespmem:s5], [sflag:$0x2] =	stream.linear.gather @!p1 [hbm4b:s25+s24], $0x40, $0x38;
	[tilespmem:$0x1FF80] =	vst v63  }
0xb6: {  	s26 =	simm.s32 @!p1 $0x380;
	s25 =	sadd.s32 @!p1 s23, s10  }
0xb7: {  	[tilespmem:s26], [sflag:$0x2] =	stream.linear.gather @!p1 [hbm4b:s25+s24], $0x40, $0x38;
	[tilespmem:$0x1FF80] =	vst v63  }
0xb8: {  	s25 =	simm.s32 @!p1 $0x1  }
0xb9: {  	_ =	swait.ge @!p1 [sflag:s25], $0x40  }
0xba: {  	[sflag:s25] =	ssyncset.done @!p1 $0x0  }
0xbb: {  	[sflag:s25] =	ssyncadd.s32 @!p1 $0xFFFFFFC0  }
0xbc: {  	_ =	swait.ge @!p1 [sflag:s25], $0x40  }
0xbd: {  	[sflag:s25] =	ssyncset.done @!p1 $0x0  }
0xbe: {  	s26 =	simm.s32 @!p1 $0x600;
	[sflag:s25] =	ssyncadd.s32 @!p1 $0xFFFFFFC0;
	s25 =	simm.s32 @!p1 $0x40  }
0xbf: {  	[tilespmem:s26], [sflag:$0x7] =	stream.indirect.gather @!p1 [hbm4b:s1+s25], $0x80, s24, s25, $0xb8;
	[tilespmem:$0x1FF80] =	vst v63  }
0xc0: {  	s26 =	simm.s32 @!p1 $0x9  }
0xc1: {  	_ =	swait.ge @!p1 [sflag:s26], $0x2000  }
0xc2: {  	s28 =	simm.s32 @!p1 $0x4600;
	[sflag:s26] =	ssyncset.done @!p1 $0x0  }
0xc3: {  	s29 =	simm.s32 @!p1 $0xD;
	[sflag:s26] =	ssyncadd.s32 @!p1 $0xFFFFE000;
	s26 =	simm.s32 @!p1 $0x400  }
0xc4: {  	[spmem:s2] =	stream.indirect.scatter.add.f32 @!p1 [tilespmem:s28], [sflag:$0xD], $0x80, s26, s25, $0xb8;
	[tilespmem:$0x1FF80] =	vst v63  }
0xc5: {  	_ =	swait.ge @!p1 [sflag:s29], $0x2000  }
0xc6: {  	[sflag:s29] =	ssyncset.done @!p1 $0x0  }
0xc7: {  	s30 =	sadd.s32 @!p1 s23, s9;
	s3 =	simm.s32 @!p1 $0x100;
	[sflag:s29] =	ssyncadd.s32 @!p1 $0xFFFFE000  }
0xc8: {  	[tilespmem:s3], [sflag:$0x3] =	stream.linear.gather @!p1 [hbm4b:s30+s24], $0x40, $0x38;
	[tilespmem:$0x1FF80] =	vst v63  }
0xc9: {  	s30 =	sadd.s32 @!p1 s23, s7  }
0xca: {  	[tilespmem:s26], [sflag:$0x3] =	stream.linear.gather @!p1 [hbm4b:s30+s24], $0x40, $0x38;
	[tilespmem:$0x1FF80] =	vst v63  }
0xcb: {  	s26 =	simm.s32 @!p1 $0x2  }
0xcc: {  	_ =	swait.ge @!p1 [sflag:s26], $0x40  }
0xcd: {  	[sflag:s26] =	ssyncset.done @!p1 $0x0  }
0xce: {  	[sflag:s26] =	ssyncadd.s32 @!p1 $0xFFFFFFC0  }
0xcf: {  	_ =	swait.ge @!p1 [sflag:s26], $0x40  }
0xd0: {  	[sflag:s26] =	ssyncset.done @!p1 $0x0  }
0xd1: {  	[sflag:s26] =	ssyncadd.s32 @!p1 $0xFFFFFFC0;
	s26 =	simm.s32 @!p1 $0x2600  }
0xd2: {  	[tilespmem:s26], [sflag:$0x8] =	stream.indirect.gather @!p1 [hbm4b:s1+s25], $0x80, s5, s25, $0xb8;
	[tilespmem:$0x1FF80] =	vst v63  }
0xd3: {  	_ =	swait.ge [sflag:s17], $0x2000  }
0xd4: {  	[sflag:s17] =	ssyncset.done $0x0  }
0xd5: {  	s30 =	simm.s32 $0x6600;
	s26 =	simm.s32 $0x480;
	[sflag:s17] =	ssyncadd.s32 $0xFFFFE000  }
0xd6: {  	[spmem:s2] =	stream.indirect.scatter.add.f32 [tilespmem:s30], [sflag:$0xD], $0x80, s26, s21, $0xb8;
	[tilespmem:$0x1FF80] =	vst v63  }
0xd7: {  	_ =	swait.ge [sflag:s14], $0x2000  }
0xd8: {  	[sflag:s14] =	ssyncset.done $0x0  }
0xd9: {  	s5 =	simm.s32 @p1 $0xB;
	[sflag:s14] =	ssyncadd.s32 $0xFFFFE000  }
0xda: {  	_ =	swait.ge @p1 [sflag:s5], $0x2000  }
0xdb: {  	[sflag:s5] =	ssyncset.done @p1 $0x0  }
0xdc: {  	s26 =	simm.s32 @p1 $0x8600;
	[sflag:s5] =	ssyncadd.s32 @p1 $0xFFFFE000;
	s5 =	simm.s32 @p1 $0x500  }
0xdd: {  	[spmem:s2] =	stream.indirect.scatter.add.f32 @p1 [tilespmem:s26], [sflag:$0xD], $0x80, s5, s22, $0xb8;
	[tilespmem:$0x1FF80] =	vst v63  }
0xde: {  	_ =	swait.ge @p1 [sflag:s4], $0x2000  }
0xdf: {  	[sflag:s4] =	ssyncset.done @p1 $0x0  }
0xe0: {  	[sflag:s4] =	ssyncadd.s32 @p1 $0xFFFFE000;
	s4 =	rddreg [dreg:$0x1d]  }
0xe1: {  	s5 =	simm.s32 @!p1 $0x180;
	s4 =	sadd.s32 @!p1 s23, s4  }
0xe2: {  	[tilespmem:s5], [sflag:$0x4] =	stream.linear.gather @!p1 [hbm4b:s4+s24], $0x40, $0x38;
	[tilespmem:$0x1FF80] =	vst v63  }
0xe3: {  	s4 =	rddreg [dreg:$0x1c]  }
0xe4: {  	s22 =	simm.s32 @!p1 $0x480;
	s4 =	sadd.s32 @!p1 s23, s4  }
0xe5: {  	[tilespmem:s22], [sflag:$0x4] =	stream.linear.gather @!p1 [hbm4b:s4+s24], $0x40, $0x38;
	[tilespmem:$0x1FF80] =	vst v63  }
0xe6: {  	s4 =	simm.s32 @!p1 $0x3  }
0xe7: {  	_ =	swait.ge @!p1 [sflag:s4], $0x40  }
0xe8: {  	[sflag:s4] =	ssyncset.done @!p1 $0x0  }
0xe9: {  	[sflag:s4] =	ssyncadd.s32 @!p1 $0xFFFFFFC0  }
0xea: {  	_ =	swait.ge @!p1 [sflag:s4], $0x40  }
0xeb: {  	[sflag:s4] =	ssyncset.done @!p1 $0x0  }
0xec: {  	[sflag:s4] =	ssyncadd.s32 @!p1 $0xFFFFFFC0  }
0xed: {  	[tilespmem:s28], [sflag:$0x9] =	stream.indirect.gather @!p1 [hbm4b:s1+s25], $0x80, s3, s25, $0xb8;
	[tilespmem:$0x1FF80] =	vst v63  }
0xee: {  	s3 =	simm.s32 @!p1 $0xB  }
0xef: {  	_ =	swait.ge @!p1 [sflag:s3], $0x2000  }
0xf0: {  	[sflag:s3] =	ssyncset.done @!p1 $0x0  }
0xf1: {  	s4 =	simm.s32 @!p1 $0x8600;
	[sflag:s3] =	ssyncadd.s32 @!p1 $0xFFFFE000;
	s3 =	simm.s32 @!p1 $0x500  }
0xf2: {  	[spmem:s2] =	stream.indirect.scatter.add.f32 @!p1 [tilespmem:s4], [sflag:$0xD], $0x80, s3, s25, $0xb8;
	[tilespmem:$0x1FF80] =	vst v63  }
0xf3: {  	_ =	swait.ge @!p1 [sflag:s29], $0x2000  }
0xf4: {  	[sflag:s29] =	ssyncset.done @!p1 $0x0;
	s4 =	rddreg [dreg:$0x1b]  }
0xf5: {  	s22 =	simm.s32 @!p1 $0x200;
	[sflag:s29] =	ssyncadd.s32 @!p1 $0xFFFFE000;
	s4 =	sadd.s32 @!p1 s23, s4  }
0xf6: {  	[tilespmem:s22], [sflag:$0x5] =	stream.linear.gather @!p1 [hbm4b:s4+s24], $0x40, $0x38;
	[tilespmem:$0x1FF80] =	vst v63  }
0xf7: {  	s4 =	rddreg [dreg:$0x1a]  }
0xf8: {  	s4 =	sadd.s32 @!p1 s23, s4  }
0xf9: {  	[tilespmem:s3], [sflag:$0x5] =	stream.linear.gather @!p1 [hbm4b:s4+s24], $0x40, $0x38;
	[tilespmem:$0x1FF80] =	vst v63  }
0xfa: {  	s3 =	simm.s32 @!p1 $0x4  }
0xfb: {  	_ =	swait.ge @!p1 [sflag:s3], $0x40  }
0xfc: {  	[sflag:s3] =	ssyncset.done @!p1 $0x0  }
0xfd: {  	[sflag:s3] =	ssyncadd.s32 @!p1 $0xFFFFFFC0  }
0xfe: {  	_ =	swait.ge @!p1 [sflag:s3], $0x40  }
0xff: {  	[sflag:s3] =	ssyncset.done @!p1 $0x0  }
0x100: {  	[sflag:s3] =	ssyncadd.s32 @!p1 $0xFFFFFFC0;
	s3 =	simm.s32 @!p1 $0x6600  }
0x101: {  	[tilespmem:s3], [sflag:$0xA] =	stream.indirect.gather @!p1 [hbm4b:s1+s25], $0x80, s5, s25, $0xb8;
	[tilespmem:$0x1FF80] =	vst v63  }
0x102: {  	_ =	swait.ge [sflag:s20], $0x2000  }
0x103: {  	[sflag:s20] =	ssyncset.done $0x0  }
.Ltmp2:
0x104: {  	[sflag:s20] =	ssyncadd.s32 $0xFFFFE000;
	(pc) =	sbr.rel @p1 .LBB2_4-.Ltmp2, $4  }
0x105: {  	[spmem:s2] =	stream.indirect.scatter.add.f32 [tilespmem:s8], [sflag:$0xD], $0x80, s13, s21, $0xb8;
	[tilespmem:$0x1FF80] =	vst v63  }
0x106: {  	_ =	swait.ge [sflag:s14], $0x2000  }
0x107: {  	[sflag:s14] =	ssyncset.done $0x0  }
0x108: {  	[sflag:s14] =	ssyncadd.s32 $0xFFFFE000  }
.Ltmp3:
0x109: {  	s3 =	rddreg [dreg:$0x19];
	s4 =	simm.s32 $0x0;
	(pc) =	sbr.rel .LBB2_2-.Ltmp3, $4  }
0x10a: {  	s30 =	rddreg [dreg:$0x18];
	s12 =	sadd.s32 $0x180, s12;
	s3 =	sadd.s32 s23, s3  }
0x10b: {  	[tilespmem:s16], [sflag:$0x6] =	stream.linear.gather [hbm4b:s3+s4], $0x40, $0x38;
	[tilespmem:$0x1FF80] =	vst v63  }
0x10c: {  	s24 =	simm.s32 $0x600;
	s3 =	sadd.s32 s23, s30;
	s23 =	sadd.s32 $0x30, s23  }
0x10d: {  	[tilespmem:s13], [sflag:$0x6] =	stream.linear.gather [hbm4b:s3+s4], $0x40, $0x38;
	[tilespmem:$0x1FF80] =	vst v63  }
.LBB2_5:
0x10e: {  	_ =	sfence.sel $0x180000  }
0x10f: {  	[bflag:$0x0] =	sbarrier.arrive $0xFFFF  }
0x110: {  	_ =	strace $0x9000004A  }
0x111: {  	[bflag:$0x2] =	sbarrier.arrive $0xFFFF  }
0x112: {  	s0 =	rddreg [dreg:$0x3]  }
0x113: {  	s0 =	sadd.s32 @!p0 $0x100000, s0  }
0x114: {  	[sflag:s0] =	ssyncadd.tile.s32 @!p0 $0x1;
	_ =	shalt  }
.Lfunc_end2:
_tile_overlayer_lowered:
.L_overlay_start_2:
0x115: {  	(tag) =	ssettag $0x2  }
0x116: {  	s0 =	rddreg [dreg:$0x0];
	s2 =	stileid.u32  }
0x117: {  	s1 =	rddreg [dreg:$0x1];
	p0 =	sne.s32 s2, $0x0  }
0x118: {  	s3 =	rddreg [dreg:$0x2];
	[bflag:$0x3] =	sbarrier.arrive $0xFFFF;
	s2 =	simm.s32 @!p0 $0x1C0D  }
0x119: {  	[timem:s3], [sflag:s2] =	dma.local @!p0 [hbm:s0], s1  }
0x11a: {  	s0 =	simm.s32 @!p0 $0xD  }
0x11b: {  	_ =	swait.ge @!p0 [sflag:s0], s1  }
0x11c: {  	s1 =	ssub.s32 @!p0 $0x0, s1;
	[sflag:s0] =	ssyncset.done @!p0 $0x0  }
0x11d: {  	[sflag:s0] =	ssyncadd.s32 @!p0 s1  }
0x11e: {  	[bflag:$0x3] =	sbarrier.arrive $0xFFFF  }
0x11f: {  	_ =	shalt  }

</sc_bundles>
